<compile_context>
chip_gen: v7x
topology: tpu7x:2x2x1
jax: 0.10.2.dev20260603
libtpu: 0.0.44.dev20260713+nightly
codegen_flags: <defaults>
</compile_context>

<pallas_src>
import functools

import jax
import jax.numpy as jnp
from jax import lax
from jax.experimental import pallas as pl
from jax.experimental.pallas import tpu as pltpu
from jax.experimental.pallas import tpu_sc as plsc

N = 100000
E = 1600000
D_IN = 16
D_HID = 64
Z_W = 8
HR_W = 8
NP = 100352

NC = 2
NS = 16
NW = NC * NS
CHUNK = 125
NCH = E // CHUNK
RW = E // (NW * CHUNK)
K1 = 8
K2 = 16

PER_TILE = NP // NS

ROWBLK = 2048
NBLK = NP // ROWBLK


def _seg_body(width, with_deg, K, x_hbm, edges_hbm, *refs):
    if with_deg:
        (zagg_hbm, ones_hbm, zdeg_hbm,
         agg_out, deg_out, src_buf, dst_buf, rows, ones,
         agg_sh, deg_sh, gsem, ssem) = refs
    else:
        (zagg_hbm,
         agg_out, src_buf, dst_buf, rows,
         agg_sh, gsem, ssem) = refs
        deg_out = deg_sh = ones = None

    c = lax.axis_index("c")
    s = lax.axis_index("s")
    w = c * NS + s
    base = s * PER_TILE

    pltpu.sync_copy(zagg_hbm, agg_sh.at[pl.ds(base, PER_TILE)])
    if with_deg:
        pltpu.sync_copy(ones_hbm, ones)
        pltpu.sync_copy(zdeg_hbm, deg_sh.at[pl.ds(base, PER_TILE)])

    plsc.subcore_barrier()

    row0 = w * RW
    T = RW // K

    def outer(t, _):
        r = row0 + t * K
        pltpu.sync_copy(edges_hbm.at[0, pl.ds(r, K)], src_buf)
        pltpu.sync_copy(edges_hbm.at[1, pl.ds(r, K)], dst_buf)
        gd = [pltpu.async_copy(x_hbm.at[src_buf.at[j]], rows.at[j], gsem)
              for j in range(K)]
        for d in gd:
            d.wait()
        sd = []
        for j in range(K):
            sd.append(pltpu.async_copy(
                rows.at[j], agg_sh.at[dst_buf.at[j]], ssem, add=True))
            if with_deg:
                sd.append(pltpu.async_copy(
                    ones, deg_sh.at[dst_buf.at[j]], ssem, add=True))
        for d in sd:
            d.wait()
        return 0

    lax.fori_loop(0, T, outer, 0)

    plsc.subcore_barrier()

    pltpu.sync_copy(agg_sh.at[pl.ds(base, PER_TILE)],
                    agg_out.at[c, pl.ds(base, PER_TILE)])
    if with_deg:
        pltpu.sync_copy(deg_sh.at[pl.ds(base, PER_TILE)],
                        deg_out.at[pl.ds(c * NP + base, PER_TILE)])


def _make_seg_kernel(width, with_deg, K):
    mesh = plsc.VectorSubcoreMesh(core_axis_name="c", subcore_axis_name="s")
    out_type = [jax.ShapeDtypeStruct((NC, NP, width), jnp.float32)]
    if with_deg:
        out_type.append(jax.ShapeDtypeStruct((NC * NP,), jnp.float32))
    scratch = [
        pltpu.VMEM((K, CHUNK), jnp.int32),
        pltpu.VMEM((K, CHUNK), jnp.int32),
        pltpu.VMEM((K, CHUNK, width), jnp.float32),
    ]
    if with_deg:
        scratch += [
            pltpu.VMEM((CHUNK,), jnp.float32),
        ]
    scratch += [pltpu.VMEM_SHARED((NP, width), jnp.float32)]
    if with_deg:
        scratch += [pltpu.VMEM_SHARED((NP,), jnp.float32)]
    scratch += [pltpu.SemaphoreType.DMA, pltpu.SemaphoreType.DMA]

    return pl.kernel(
        functools.partial(_seg_body, width, with_deg, K),
        out_type=tuple(out_type),
        mesh=mesh,
        scratch_types=scratch,
        compiler_params=pltpu.CompilerParams(use_tc_tiling_on_sc=False),
    )


def _dense1_body(pref, iref, xref, w1l, w1r, b1r, w2l, w2r, b2r, zref, hrref):
    mean = (pref[0] + pref[1]) * iref[...]
    h = jnp.dot(mean, w1l[...], preferred_element_type=jnp.float32)
    h += jnp.dot(xref[...], w1r[...], preferred_element_type=jnp.float32)
    h = jnp.maximum(h + b1r[...], 0.0)
    zref[...] = jnp.dot(h, w2l[...], preferred_element_type=jnp.float32)
    hrref[...] = jnp.dot(h, w2r[...], preferred_element_type=jnp.float32) + b2r[...]


def _dense2_body(aref, iref, hrref, oref):
    mean = (aref[0] + aref[1]) * iref[...]
    oref[...] = mean + hrref[...]


_full = lambda *dims: pl.BlockSpec(dims, lambda i: (0,) * len(dims))


def kernel(feature, edge_index, edge_type, W1_l, W1_r, b1, W2_l, W2_r, b2):
    del edge_type
    edges2d = edge_index.reshape(2, NCH, CHUNK)

    zagg16 = jnp.zeros((PER_TILE, D_IN), jnp.float32)
    ones_e = jnp.ones((CHUNK,), jnp.float32)
    zeros_d = jnp.zeros((PER_TILE,), jnp.float32)
    agg1_p, deg_flat = _make_seg_kernel(D_IN, True, K1)(
        feature, edges2d, zagg16, ones_e, zeros_d)
    a1r = agg1_p.reshape(NC, NP * D_IN // 128, 128)
    deg = deg_flat.reshape(NC, NP).sum(axis=0)
    invr = jnp.repeat(1.0 / jnp.maximum(deg, 1.0), D_IN
                      ).reshape(NP * D_IN // 128, 128)
    xr = feature.reshape(N * D_IN // 128, 128)

    w2l_p = jnp.zeros((D_HID, Z_W), jnp.float32).at[:, :3].set(W2_l)
    w2r_p = jnp.zeros((D_HID, HR_W), jnp.float32).at[:, :3].set(W2_r)
    b1r = b1.reshape(1, D_HID)
    b2r = jnp.zeros((1, HR_W), jnp.float32).at[0, :3].set(b2)

    PKB = ROWBLK * D_IN // 128
    eye8 = jnp.eye(8, dtype=jnp.float32)
    w1l_b = jnp.kron(eye8, W1_l)
    w1r_b = jnp.kron(eye8, W1_r)
    b1_b = jnp.tile(b1, 8).reshape(1, 8 * D_HID)
    w2l_b = jnp.kron(eye8, w2l_p)
    w2r_b = jnp.kron(eye8, w2r_p)
    b2_b = jnp.tile(b2r[0], 8).reshape(1, 8 * HR_W)
    z_pk, hr_pk = pl.pallas_call(
        _dense1_body,
        grid=(NBLK,),
        in_specs=[
            pl.BlockSpec((NC, PKB, 128), lambda i: (0, i, 0)),
            pl.BlockSpec((PKB, 128), lambda i: (i, 0)),
            pl.BlockSpec((PKB, 128), lambda i: (i, 0)),
            _full(128, 8 * D_HID), _full(128, 8 * D_HID), _full(1, 8 * D_HID),
            _full(8 * D_HID, 8 * Z_W), _full(8 * D_HID, 8 * HR_W),
            _full(1, 8 * HR_W),
        ],
        out_specs=[
            pl.BlockSpec((PKB, 8 * Z_W), lambda i: (i, 0)),
            pl.BlockSpec((PKB, 8 * HR_W), lambda i: (i, 0)),
        ],
        out_shape=[
            jax.ShapeDtypeStruct((NP * D_IN // 128, 8 * Z_W), jnp.float32),
            jax.ShapeDtypeStruct((NP * D_IN // 128, 8 * HR_W), jnp.float32),
        ],
    )(a1r, invr, xr, w1l_b, w1r_b, b1_b, w2l_b, w2r_b, b2_b)
    z = z_pk.reshape(NP, Z_W)

    zagg_z = jnp.zeros((PER_TILE, Z_W), jnp.float32)
    (agg2_p,) = _make_seg_kernel(Z_W, False, K2)(z, edges2d, zagg_z)

    a2r = agg2_p.reshape(NC, NP * D_IN // 128, 8 * Z_W)
    invr8 = jnp.repeat(1.0 / jnp.maximum(deg, 1.0), Z_W
                       ).reshape(NP * D_IN // 128, 8 * Z_W)
    out_pk = pl.pallas_call(
        _dense2_body,
        grid=(NBLK,),
        in_specs=[
            pl.BlockSpec((NC, PKB, 8 * Z_W), lambda i: (0, i, 0)),
            pl.BlockSpec((PKB, 8 * Z_W), lambda i: (i, 0)),
            pl.BlockSpec((PKB, 8 * HR_W), lambda i: (i, 0)),
        ],
        out_specs=pl.BlockSpec((PKB, 8 * HR_W), lambda i: (i, 0)),
        out_shape=jax.ShapeDtypeStruct((NP * D_IN // 128, 8 * HR_W),
                                       jnp.float32),
    )(a2r, invr8, hr_pk)

    return out_pk.reshape(NP, HR_W)[:N, :3]

# --- scband reference (transcript-rebuilt; emitter-appended) ---
"""Pipeline reference for scband-smotesage-82497731822016 (READ-ONLY COPY).

The authoritative reference and input builder live on the scoring server;
editing this copy changes nothing except your own understanding.
"""

import jax, jax.numpy as jnp
import numpy as np

N = 100000
E = 1600000
D_IN = 16
D_HID = 64
D_OUT = 3


def setup_inputs(seed: int = 0) -> dict:
    key = jax.random.key(seed)
    ks = jax.random.split(key, 10)
    feature = jax.random.normal(ks[0], (N, D_IN), dtype=jnp.float32)
    edge_index = jax.random.randint(ks[1], (2, E), 0, N, dtype=jnp.int32)
    edge_type = jax.random.randint(ks[2], (E,), 0, 2, dtype=jnp.int32)
    # SAGEConv layer 1 params (lin_l acts on aggregated neighbors, lin_r on root)
    W1_l = jax.random.normal(ks[3], (D_IN, D_HID), dtype=jnp.float32) * (1.0 / np.sqrt(D_IN))
    W1_r = jax.random.normal(ks[4], (D_IN, D_HID), dtype=jnp.float32) * (1.0 / np.sqrt(D_IN))
    b1 = jnp.zeros((D_HID,), dtype=jnp.float32)
    # SAGEConv layer 2 params
    W2_l = jax.random.normal(ks[5], (D_HID, D_OUT), dtype=jnp.float32) * (1.0 / np.sqrt(D_HID))
    W2_r = jax.random.normal(ks[6], (D_HID, D_OUT), dtype=jnp.float32) * (1.0 / np.sqrt(D_HID))
    b2 = jnp.zeros((D_OUT,), dtype=jnp.float32)
    return {
        "feature": feature,
        "edge_index": edge_index,
        "edge_type": edge_type,
        "W1_l": W1_l,
        "W1_r": W1_r,
        "b1": b1,
        "W2_l": W2_l,
        "W2_r": W2_r,
        "b2": b2,
    }


def _sage_conv(x, edge_index, W_l, W_r, b):
    # GraphSAGE mean aggregation: gather src features, scatter-add to dst,
    # divide by in-degree, then affine combine with root features.
    src = edge_index[0]
    dst = edge_index[1]
    n = x.shape[0]
    msgs = jnp.take(x, src, axis=0)                               # gather  [E, d]
    agg = jax.ops.segment_sum(msgs, dst, num_segments=n)          # scatter-add [N, d]
    deg = jax.ops.segment_sum(jnp.ones((edge_index.shape[1],), x.dtype), dst, num_segments=n)
    mean = agg / jnp.maximum(deg, 1.0)[:, None]
    return mean @ W_l + x @ W_r + b


def reference(feature, edge_index, edge_type, W1_l, W1_r, b1, W2_l, W2_r, b2):
    # edge_type is accepted but unused, exactly as in the torch forward
    x = jax.nn.relu(_sage_conv(feature, edge_index, W1_l, W1_r, b1))
    # dropout(p=0.3) is inactive in eval mode -> identity
    x = _sage_conv(x, edge_index, W2_l, W2_r, b2)
    return x

if __name__ == "__main__":
    import jax
    _d = setup_inputs()
    print(jax.jit(kernel)(*tuple(_d.values())))

</pallas_src>

<mosaic_0001>
#map = affine_map<(d0, d1) -> (0, 0)>
#map1 = affine_map<(d0, d1) -> (0, 0, 0)>
module attributes {stable_mosaic.version = 14 : i64} {
  func.func @_seg_body(%arg0: i32, %arg1: i32, %arg2: memref<100352x8xf32, #tpu.memory_space<hbm>>, %arg3: memref<2x12800x125xi32, #tpu.memory_space<hbm>>, %arg4: memref<6272x8xf32, #tpu.memory_space<hbm>>, %arg5: memref<2x100352x8xf32, #tpu.memory_space<hbm>>, %arg6: memref<16x125xi32, #tpu.memory_space<vmem>>, %arg7: memref<16x125xi32, #tpu.memory_space<vmem>>, %arg8: memref<16x125x8xf32, #tpu.memory_space<vmem>>, %arg9: memref<100352x8xf32, #tpu.memory_space<vmem_shared>>, %arg10: memref<!tpu.dma_semaphore, #tpu.memory_space<semaphore_mem>>, %arg11: memref<!tpu.dma_semaphore, #tpu.memory_space<semaphore_mem>>) attributes {dimension_semantics = [#tpu.dimension_semantics<core_parallel>, #tpu.dimension_semantics<subcore_parallel>], iteration_bounds = array<i64: 2, 16>, scalar_prefetch = 0 : i64, scratch_operands = 6 : i64, tpu.core_type = #tpu.core_type<sc_vector_subcore>, window_params = [{transform_indices = #map}, {transform_indices = #map1}, {transform_indices = #map}, {transform_indices = #map1}]} {
    %mul3A = arith.constant 16 : i32
    %mul3A_0 = arith.muli %arg0, %mul3A : i32
    %add3A = arith.addi %mul3A_0, %arg1 : i32
    %mul3A_1 = arith.constant 6272 : i32
    %mul3A_2 = arith.muli %arg1, %mul3A_1 : i32
    "tpu.region"() ({
      %run_scoped3A = tpu.sem_alloc : memref<!tpu.dma_semaphore, #tpu.memory_space<semaphore_mem>>
      %dma_start3A = arith.constant 0 : i32
      %dma_start3A_12 = tpu.memref_slice %arg9[%mul3A_2, %dma_start3A] : memref<100352x8xf32, #tpu.memory_space<vmem_shared>> -> memref<6272x8xf32, #tpu.memory_space<vmem_shared>>
      tpu.enqueue_dma source(%arg4 : memref<6272x8xf32, #tpu.memory_space<hbm>>) target(%dma_start3A_12 : memref<6272x8xf32, #tpu.memory_space<vmem_shared>>) target_semaphore(%run_scoped3A : memref<!tpu.dma_semaphore, #tpu.memory_space<semaphore_mem>>)
      %dma_wait3A = arith.constant 0 : i32
      %dma_wait3A_13 = tpu.memref_slice %arg9[%mul3A_2, %dma_wait3A] : memref<100352x8xf32, #tpu.memory_space<vmem_shared>> -> memref<6272x8xf32, #tpu.memory_space<vmem_shared>>
      tpu.wait_dma2 semaphore(%run_scoped3A : memref<!tpu.dma_semaphore, #tpu.memory_space<semaphore_mem>>) src(%arg4 : memref<6272x8xf32, #tpu.memory_space<hbm>>) dst(%dma_wait3A_13 : memref<6272x8xf32, #tpu.memory_space<vmem_shared>>)
      tpu.yield
    }) : () -> ()
    %barrier3A = arith.constant 0 : index
    tpu.barrier barrier_id(%barrier3A)
    %mul3A_3 = arith.constant 400 : i32
    %mul3A_4 = arith.muli %add3A, %mul3A_3 : i32
    %scan3A = arith.constant 0 : i32
    %scan3A_5 = arith.constant 0 : i32
    %scan3A_6 = arith.constant 25 : i32
    %scan3A_7 = arith.addi %scan3A_5, %scan3A_6 : i32
    %scan3A_8 = arith.constant 1 : i32
    %scan3A_9 = scf.for %scan3A_12 = %scan3A_5 to %scan3A_7 step %scan3A_8 iter_args(%scan3A_13 = %scan3A) -> (i32)  : i32 {
      %mul3A_14 = arith.constant 16 : i32
      %mul3A_15 = arith.muli %scan3A_12, %mul3A_14 : i32
      %add3A_16 = arith.addi %mul3A_4, %mul3A_15 : i32
      %run_scoped3A = arith.constant 0 : i32
      "tpu.region"() ({
        %run_scoped3A_785 = tpu.sem_alloc : memref<!tpu.dma_semaphore, #tpu.memory_space<semaphore_mem>>
        %dma_start3A_786 = arith.constant 0 : i32
        %dma_start3A_787 = tpu.memref_slice %arg3[%run_scoped3A, %add3A_16, %dma_start3A_786] : memref<2x12800x125xi32, #tpu.memory_space<hbm>> -> memref<1x16x125xi32, #tpu.memory_space<hbm>>
        %dma_start3A_788 = tpu.memref_squeeze %dma_start3A_787 : memref<1x16x125xi32, #tpu.memory_space<hbm>> -> memref<16x125xi32, #tpu.memory_space<hbm>>
        %dma_start3A_789 = arith.constant 0 : i32
        %dma_start3A_790 = tpu.memref_slice %arg3[%run_scoped3A, %add3A_16, %dma_start3A_789] : memref<2x12800x125xi32, #tpu.memory_space<hbm>> -> memref<1x16x125xi32, #tpu.memory_space<hbm>>
        %dma_start3A_791 = tpu.memref_squeeze %dma_start3A_790 : memref<1x16x125xi32, #tpu.memory_space<hbm>> -> memref<16x125xi32, #tpu.memory_space<hbm>>
        tpu.enqueue_dma source(%dma_start3A_791 : memref<16x125xi32, #tpu.memory_space<hbm>>) target(%arg6 : memref<16x125xi32, #tpu.memory_space<vmem>>) target_semaphore(%run_scoped3A_785 : memref<!tpu.dma_semaphore, #tpu.memory_space<semaphore_mem>>)
        %dma_wait3A_792 = arith.constant 0 : i32
        %dma_wait3A_793 = tpu.memref_slice %arg3[%run_scoped3A, %add3A_16, %dma_wait3A_792] : memref<2x12800x125xi32, #tpu.memory_space<hbm>> -> memref<1x16x125xi32, #tpu.memory_space<hbm>>
        %dma_wait3A_794 = tpu.memref_squeeze %dma_wait3A_793 : memref<1x16x125xi32, #tpu.memory_space<hbm>> -> memref<16x125xi32, #tpu.memory_space<hbm>>
        %dma_wait3A_795 = arith.constant 0 : i32
        %dma_wait3A_796 = tpu.memref_slice %arg3[%run_scoped3A, %add3A_16, %dma_wait3A_795] : memref<2x12800x125xi32, #tpu.memory_space<hbm>> -> memref<1x16x125xi32, #tpu.memory_space<hbm>>
        %dma_wait3A_797 = tpu.memref_squeeze %dma_wait3A_796 : memref<1x16x125xi32, #tpu.memory_space<hbm>> -> memref<16x125xi32, #tpu.memory_space<hbm>>
        tpu.wait_dma2 semaphore(%run_scoped3A_785 : memref<!tpu.dma_semaphore, #tpu.memory_space<semaphore_mem>>) src(%dma_wait3A_797 : memref<16x125xi32, #tpu.memory_space<hbm>>) dst(%arg6 : memref<16x125xi32, #tpu.memory_space<vmem>>)
        tpu.yield
      }) : () -> ()
      %run_scoped3A_17 = arith.constant 1 : i32
      "tpu.region"() ({
        %run_scoped3A_785 = tpu.sem_alloc : memref<!tpu.dma_semaphore, #tpu.memory_space<semaphore_mem>>
        %dma_start3A_786 = arith.constant 0 : i32
        %dma_start3A_787 = tpu.memref_slice %arg3[%run_scoped3A_17, %add3A_16, %dma_start3A_786] : memref<2x12800x125xi32, #tpu.memory_space<hbm>> -> memref<1x16x125xi32, #tpu.memory_space<hbm>>
        %dma_start3A_788 = tpu.memref_squeeze %dma_start3A_787 : memref<1x16x125xi32, #tpu.memory_space<hbm>> -> memref<16x125xi32, #tpu.memory_space<hbm>>
        %dma_start3A_789 = arith.constant 0 : i32
        %dma_start3A_790 = tpu.memref_slice %arg3[%run_scoped3A_17, %add3A_16, %dma_start3A_789] : memref<2x12800x125xi32, #tpu.memory_space<hbm>> -> memref<1x16x125xi32, #tpu.memory_space<hbm>>
        %dma_start3A_791 = tpu.memref_squeeze %dma_start3A_790 : memref<1x16x125xi32, #tpu.memory_space<hbm>> -> memref<16x125xi32, #tpu.memory_space<hbm>>
        tpu.enqueue_dma source(%dma_start3A_791 : memref<16x125xi32, #tpu.memory_space<hbm>>) target(%arg7 : memref<16x125xi32, #tpu.memory_space<vmem>>) target_semaphore(%run_scoped3A_785 : memref<!tpu.dma_semaphore, #tpu.memory_space<semaphore_mem>>)
        %dma_wait3A_792 = arith.constant 0 : i32
        %dma_wait3A_793 = tpu.memref_slice %arg3[%run_scoped3A_17, %add3A_16, %dma_wait3A_792] : memref<2x12800x125xi32, #tpu.memory_space<hbm>> -> memref<1x16x125xi32, #tpu.memory_space<hbm>>
        %dma_wait3A_794 = tpu.memref_squeeze %dma_wait3A_793 : memref<1x16x125xi32, #tpu.memory_space<hbm>> -> memref<16x125xi32, #tpu.memory_space<hbm>>
        %dma_wait3A_795 = arith.constant 0 : i32
        %dma_wait3A_796 = tpu.memref_slice %arg3[%run_scoped3A_17, %add3A_16, %dma_wait3A_795] : memref<2x12800x125xi32, #tpu.memory_space<hbm>> -> memref<1x16x125xi32, #tpu.memory_space<hbm>>
        %dma_wait3A_797 = tpu.memref_squeeze %dma_wait3A_796 : memref<1x16x125xi32, #tpu.memory_space<hbm>> -> memref<16x125xi32, #tpu.memory_space<hbm>>
        tpu.wait_dma2 semaphore(%run_scoped3A_785 : memref<!tpu.dma_semaphore, #tpu.memory_space<semaphore_mem>>) src(%dma_wait3A_797 : memref<16x125xi32, #tpu.memory_space<hbm>>) dst(%arg7 : memref<16x125xi32, #tpu.memory_space<vmem>>)
        tpu.yield
      }) : () -> ()
      %dma_start3A = arith.constant 0 : i32
      %dma_start3A_18 = arith.constant 0 : i32
      %dma_start3A_19 = arith.constant 0 : i32
      %dma_start3A_20 = arith.constant 0 : i32
      %dma_start3A_21 = tpu.memref_slice %arg8[%dma_start3A_18, %dma_start3A_19, %dma_start3A_20] : memref<16x125x8xf32, #tpu.memory_space<vmem>> -> memref<1x125x8xf32, #tpu.memory_space<vmem>>
      %dma_start3A_22 = tpu.memref_squeeze %dma_start3A_21 : memref<1x125x8xf32, #tpu.memory_space<vmem>> -> memref<125x8xf32, #tpu.memory_space<vmem>>
      %dma_start3A_23 = arith.constant 0 : i32
      %dma_start3A_24 = tpu.memref_slice %arg6[%dma_start3A, %dma_start3A_23] : memref<16x125xi32, #tpu.memory_space<vmem>> -> memref<1x125xi32, #tpu.memory_space<vmem>>
      %dma_start3A_25 = tpu.memref_squeeze %dma_start3A_24 : memref<1x125xi32, #tpu.memory_space<vmem>> -> memref<125xi32, #tpu.memory_space<vmem>>
      %dma_start3A_26 = arith.constant 0 : i32
      %dma_start3A_27 = arith.constant 0 : i32
      %dma_start3A_28 = tpu.memref_slice %arg2[%dma_start3A_26, %dma_start3A_27] : memref<100352x8xf32, #tpu.memory_space<hbm>> -> memref<100352x8xf32, #tpu.memory_space<hbm>>
      tpu.enqueue_indirect_dma source(%dma_start3A_28 : memref<100352x8xf32, #tpu.memory_space<hbm>>) target(%dma_start3A_22 : memref<125x8xf32, #tpu.memory_space<vmem>>) offsets(%dma_start3A_25 : memref<125xi32, #tpu.memory_space<vmem>>) semaphore(%arg10 : memref<!tpu.dma_semaphore, #tpu.memory_space<semaphore_mem>>)
      %dma_start3A_29 = arith.constant 1 : i32
      %dma_start3A_30 = arith.constant 1 : i32
      %dma_start3A_31 = arith.constant 0 : i32
      %dma_start3A_32 = arith.constant 0 : i32
      %dma_start3A_33 = tpu.memref_slice %arg8[%dma_start3A_30, %dma_start3A_31, %dma_start3A_32] : memref<16x125x8xf32, #tpu.memory_space<vmem>> -> memref<1x125x8xf32, #tpu.memory_space<vmem>>
      %dma_start3A_34 = tpu.memref_squeeze %dma_start3A_33 : memref<1x125x8xf32, #tpu.memory_space<vmem>> -> memref<125x8xf32, #tpu.memory_space<vmem>>
      %dma_start3A_35 = arith.constant 0 : i32
      %dma_start3A_36 = tpu.memref_slice %arg6[%dma_start3A_29, %dma_start3A_35] : memref<16x125xi32, #tpu.memory_space<vmem>> -> memref<1x125xi32, #tpu.memory_space<vmem>>
      %dma_start3A_37 = tpu.memref_squeeze %dma_start3A_36 : memref<1x125xi32, #tpu.memory_space<vmem>> -> memref<125xi32, #tpu.memory_space<vmem>>
      %dma_start3A_38 = arith.constant 0 : i32
      %dma_start3A_39 = arith.constant 0 : i32
      %dma_start3A_40 = tpu.memref_slice %arg2[%dma_start3A_38, %dma_start3A_39] : memref<100352x8xf32, #tpu.memory_space<hbm>> -> memref<100352x8xf32, #tpu.memory_space<hbm>>
      tpu.enqueue_indirect_dma source(%dma_start3A_40 : memref<100352x8xf32, #tpu.memory_space<hbm>>) target(%dma_start3A_34 : memref<125x8xf32, #tpu.memory_space<vmem>>) offsets(%dma_start3A_37 : memref<125xi32, #tpu.memory_space<vmem>>) semaphore(%arg10 : memref<!tpu.dma_semaphore, #tpu.memory_space<semaphore_mem>>)
      %dma_start3A_41 = arith.constant 2 : i32
      %dma_start3A_42 = arith.constant 2 : i32
      %dma_start3A_43 = arith.constant 0 : i32
      %dma_start3A_44 = arith.constant 0 : i32
      %dma_start3A_45 = tpu.memref_slice %arg8[%dma_start3A_42, %dma_start3A_43, %dma_start3A_44] : memref<16x125x8xf32, #tpu.memory_space<vmem>> -> memref<1x125x8xf32, #tpu.memory_space<vmem>>
      %dma_start3A_46 = tpu.memref_squeeze %dma_start3A_45 : memref<1x125x8xf32, #tpu.memory_space<vmem>> -> memref<125x8xf32, #tpu.memory_space<vmem>>
      %dma_start3A_47 = arith.constant 0 : i32
      %dma_start3A_48 = tpu.memref_slice %arg6[%dma_start3A_41, %dma_start3A_47] : memref<16x125xi32, #tpu.memory_space<vmem>> -> memref<1x125xi32, #tpu.memory_space<vmem>>
      %dma_start3A_49 = tpu.memref_squeeze %dma_start3A_48 : memref<1x125xi32, #tpu.memory_space<vmem>> -> memref<125xi32, #tpu.memory_space<vmem>>
      %dma_start3A_50 = arith.constant 0 : i32
      %dma_start3A_51 = arith.constant 0 : i32
      %dma_start3A_52 = tpu.memref_slice %arg2[%dma_start3A_50, %dma_start3A_51] : memref<100352x8xf32, #tpu.memory_space<hbm>> -> memref<100352x8xf32, #tpu.memory_space<hbm>>
      tpu.enqueue_indirect_dma source(%dma_start3A_52 : memref<100352x8xf32, #tpu.memory_space<hbm>>) target(%dma_start3A_46 : memref<125x8xf32, #tpu.memory_space<vmem>>) offsets(%dma_start3A_49 : memref<125xi32, #tpu.memory_space<vmem>>) semaphore(%arg10 : memref<!tpu.dma_semaphore, #tpu.memory_space<semaphore_mem>>)
      %dma_start3A_53 = arith.constant 3 : i32
      %dma_start3A_54 = arith.constant 3 : i32
      %dma_start3A_55 = arith.constant 0 : i32
      %dma_start3A_56 = arith.constant 0 : i32
      %dma_start3A_57 = tpu.memref_slice %arg8[%dma_start3A_54, %dma_start3A_55, %dma_start3A_56] : memref<16x125x8xf32, #tpu.memory_space<vmem>> -> memref<1x125x8xf32, #tpu.memory_space<vmem>>
      %dma_start3A_58 = tpu.memref_squeeze %dma_start3A_57 : memref<1x125x8xf32, #tpu.memory_space<vmem>> -> memref<125x8xf32, #tpu.memory_space<vmem>>
      %dma_start3A_59 = arith.constant 0 : i32
      %dma_start3A_60 = tpu.memref_slice %arg6[%dma_start3A_53, %dma_start3A_59] : memref<16x125xi32, #tpu.memory_space<vmem>> -> memref<1x125xi32, #tpu.memory_space<vmem>>
      %dma_start3A_61 = tpu.memref_squeeze %dma_start3A_60 : memref<1x125xi32, #tpu.memory_space<vmem>> -> memref<125xi32, #tpu.memory_space<vmem>>
      %dma_start3A_62 = arith.constant 0 : i32
      %dma_start3A_63 = arith.constant 0 : i32
      %dma_start3A_64 = tpu.memref_slice %arg2[%dma_start3A_62, %dma_start3A_63] : memref<100352x8xf32, #tpu.memory_space<hbm>> -> memref<100352x8xf32, #tpu.memory_space<hbm>>
      tpu.enqueue_indirect_dma source(%dma_start3A_64 : memref<100352x8xf32, #tpu.memory_space<hbm>>) target(%dma_start3A_58 : memref<125x8xf32, #tpu.memory_space<vmem>>) offsets(%dma_start3A_61 : memref<125xi32, #tpu.memory_space<vmem>>) semaphore(%arg10 : memref<!tpu.dma_semaphore, #tpu.memory_space<semaphore_mem>>)
      %dma_start3A_65 = arith.constant 4 : i32
      %dma_start3A_66 = arith.constant 4 : i32
      %dma_start3A_67 = arith.constant 0 : i32
      %dma_start3A_68 = arith.constant 0 : i32
      %dma_start3A_69 = tpu.memref_slice %arg8[%dma_start3A_66, %dma_start3A_67, %dma_start3A_68] : memref<16x125x8xf32, #tpu.memory_space<vmem>> -> memref<1x125x8xf32, #tpu.memory_space<vmem>>
      %dma_start3A_70 = tpu.memref_squeeze %dma_start3A_69 : memref<1x125x8xf32, #tpu.memory_space<vmem>> -> memref<125x8xf32, #tpu.memory_space<vmem>>
      %dma_start3A_71 = arith.constant 0 : i32
      %dma_start3A_72 = tpu.memref_slice %arg6[%dma_start3A_65, %dma_start3A_71] : memref<16x125xi32, #tpu.memory_space<vmem>> -> memref<1x125xi32, #tpu.memory_space<vmem>>
      %dma_start3A_73 = tpu.memref_squeeze %dma_start3A_72 : memref<1x125xi32, #tpu.memory_space<vmem>> -> memref<125xi32, #tpu.memory_space<vmem>>
      %dma_start3A_74 = arith.constant 0 : i32
      %dma_start3A_75 = arith.constant 0 : i32
      %dma_start3A_76 = tpu.memref_slice %arg2[%dma_start3A_74, %dma_start3A_75] : memref<100352x8xf32, #tpu.memory_space<hbm>> -> memref<100352x8xf32, #tpu.memory_space<hbm>>
      tpu.enqueue_indirect_dma source(%dma_start3A_76 : memref<100352x8xf32, #tpu.memory_space<hbm>>) target(%dma_start3A_70 : memref<125x8xf32, #tpu.memory_space<vmem>>) offsets(%dma_start3A_73 : memref<125xi32, #tpu.memory_space<vmem>>) semaphore(%arg10 : memref<!tpu.dma_semaphore, #tpu.memory_space<semaphore_mem>>)
      %dma_start3A_77 = arith.constant 5 : i32
      %dma_start3A_78 = arith.constant 5 : i32
      %dma_start3A_79 = arith.constant 0 : i32
      %dma_start3A_80 = arith.constant 0 : i32
      %dma_start3A_81 = tpu.memref_slice %arg8[%dma_start3A_78, %dma_start3A_79, %dma_start3A_80] : memref<16x125x8xf32, #tpu.memory_space<vmem>> -> memref<1x125x8xf32, #tpu.memory_space<vmem>>
      %dma_start3A_82 = tpu.memref_squeeze %dma_start3A_81 : memref<1x125x8xf32, #tpu.memory_space<vmem>> -> memref<125x8xf32, #tpu.memory_space<vmem>>
      %dma_start3A_83 = arith.constant 0 : i32
      %dma_start3A_84 = tpu.memref_slice %arg6[%dma_start3A_77, %dma_start3A_83] : memref<16x125xi32, #tpu.memory_space<vmem>> -> memref<1x125xi32, #tpu.memory_space<vmem>>
      %dma_start3A_85 = tpu.memref_squeeze %dma_start3A_84 : memref<1x125xi32, #tpu.memory_space<vmem>> -> memref<125xi32, #tpu.memory_space<vmem>>
      %dma_start3A_86 = arith.constant 0 : i32
      %dma_start3A_87 = arith.constant 0 : i32
      %dma_start3A_88 = tpu.memref_slice %arg2[%dma_start3A_86, %dma_start3A_87] : memref<100352x8xf32, #tpu.memory_space<hbm>> -> memref<100352x8xf32, #tpu.memory_space<hbm>>
      tpu.enqueue_indirect_dma source(%dma_start3A_88 : memref<100352x8xf32, #tpu.memory_space<hbm>>) target(%dma_start3A_82 : memref<125x8xf32, #tpu.memory_space<vmem>>) offsets(%dma_start3A_85 : memref<125xi32, #tpu.memory_space<vmem>>) semaphore(%arg10 : memref<!tpu.dma_semaphore, #tpu.memory_space<semaphore_mem>>)
      %dma_start3A_89 = arith.constant 6 : i32
      %dma_start3A_90 = arith.constant 6 : i32
      %dma_start3A_91 = arith.constant 0 : i32
      %dma_start3A_92 = arith.constant 0 : i32
      %dma_start3A_93 = tpu.memref_slice %arg8[%dma_start3A_90, %dma_start3A_91, %dma_start3A_92] : memref<16x125x8xf32, #tpu.memory_space<vmem>> -> memref<1x125x8xf32, #tpu.memory_space<vmem>>
      %dma_start3A_94 = tpu.memref_squeeze %dma_start3A_93 : memref<1x125x8xf32, #tpu.memory_space<vmem>> -> memref<125x8xf32, #tpu.memory_space<vmem>>
      %dma_start3A_95 = arith.constant 0 : i32
      %dma_start3A_96 = tpu.memref_slice %arg6[%dma_start3A_89, %dma_start3A_95] : memref<16x125xi32, #tpu.memory_space<vmem>> -> memref<1x125xi32, #tpu.memory_space<vmem>>
      %dma_start3A_97 = tpu.memref_squeeze %dma_start3A_96 : memref<1x125xi32, #tpu.memory_space<vmem>> -> memref<125xi32, #tpu.memory_space<vmem>>
      %dma_start3A_98 = arith.constant 0 : i32
      %dma_start3A_99 = arith.constant 0 : i32
      %dma_start3A_100 = tpu.memref_slice %arg2[%dma_start3A_98, %dma_start3A_99] : memref<100352x8xf32, #tpu.memory_space<hbm>> -> memref<100352x8xf32, #tpu.memory_space<hbm>>
      tpu.enqueue_indirect_dma source(%dma_start3A_100 : memref<100352x8xf32, #tpu.memory_space<hbm>>) target(%dma_start3A_94 : memref<125x8xf32, #tpu.memory_space<vmem>>) offsets(%dma_start3A_97 : memref<125xi32, #tpu.memory_space<vmem>>) semaphore(%arg10 : memref<!tpu.dma_semaphore, #tpu.memory_space<semaphore_mem>>)
      %dma_start3A_101 = arith.constant 7 : i32
      %dma_start3A_102 = arith.constant 7 : i32
      %dma_start3A_103 = arith.constant 0 : i32
      %dma_start3A_104 = arith.constant 0 : i32
      %dma_start3A_105 = tpu.memref_slice %arg8[%dma_start3A_102, %dma_start3A_103, %dma_start3A_104] : memref<16x125x8xf32, #tpu.memory_space<vmem>> -> memref<1x125x8xf32, #tpu.memory_space<vmem>>
      %dma_start3A_106 = tpu.memref_squeeze %dma_start3A_105 : memref<1x125x8xf32, #tpu.memory_space<vmem>> -> memref<125x8xf32, #tpu.memory_space<vmem>>
      %dma_start3A_107 = arith.constant 0 : i32
      %dma_start3A_108 = tpu.memref_slice %arg6[%dma_start3A_101, %dma_start3A_107] : memref<16x125xi32, #tpu.memory_space<vmem>> -> memref<1x125xi32, #tpu.memory_space<vmem>>
      %dma_start3A_109 = tpu.memref_squeeze %dma_start3A_108 : memref<1x125xi32, #tpu.memory_space<vmem>> -> memref<125xi32, #tpu.memory_space<vmem>>
      %dma_start3A_110 = arith.constant 0 : i32
      %dma_start3A_111 = arith.constant 0 : i32
      %dma_start3A_112 = tpu.memref_slice %arg2[%dma_start3A_110, %dma_start3A_111] : memref<100352x8xf32, #tpu.memory_space<hbm>> -> memref<100352x8xf32, #tpu.memory_space<hbm>>
      tpu.enqueue_indirect_dma source(%dma_start3A_112 : memref<100352x8xf32, #tpu.memory_space<hbm>>) target(%dma_start3A_106 : memref<125x8xf32, #tpu.memory_space<vmem>>) offsets(%dma_start3A_109 : memref<125xi32, #tpu.memory_space<vmem>>) semaphore(%arg10 : memref<!tpu.dma_semaphore, #tpu.memory_space<semaphore_mem>>)
      %dma_start3A_113 = arith.constant 8 : i32
      %dma_start3A_114 = arith.constant 8 : i32
      %dma_start3A_115 = arith.constant 0 : i32
      %dma_start3A_116 = arith.constant 0 : i32
      %dma_start3A_117 = tpu.memref_slice %arg8[%dma_start3A_114, %dma_start3A_115, %dma_start3A_116] : memref<16x125x8xf32, #tpu.memory_space<vmem>> -> memref<1x125x8xf32, #tpu.memory_space<vmem>>
      %dma_start3A_118 = tpu.memref_squeeze %dma_start3A_117 : memref<1x125x8xf32, #tpu.memory_space<vmem>> -> memref<125x8xf32, #tpu.memory_space<vmem>>
      %dma_start3A_119 = arith.constant 0 : i32
      %dma_start3A_120 = tpu.memref_slice %arg6[%dma_start3A_113, %dma_start3A_119] : memref<16x125xi32, #tpu.memory_space<vmem>> -> memref<1x125xi32, #tpu.memory_space<vmem>>
      %dma_start3A_121 = tpu.memref_squeeze %dma_start3A_120 : memref<1x125xi32, #tpu.memory_space<vmem>> -> memref<125xi32, #tpu.memory_space<vmem>>
      %dma_start3A_122 = arith.constant 0 : i32
      %dma_start3A_123 = arith.constant 0 : i32
      %dma_start3A_124 = tpu.memref_slice %arg2[%dma_start3A_122, %dma_start3A_123] : memref<100352x8xf32, #tpu.memory_space<hbm>> -> memref<100352x8xf32, #tpu.memory_space<hbm>>
      tpu.enqueue_indirect_dma source(%dma_start3A_124 : memref<100352x8xf32, #tpu.memory_space<hbm>>) target(%dma_start3A_118 : memref<125x8xf32, #tpu.memory_space<vmem>>) offsets(%dma_start3A_121 : memref<125xi32, #tpu.memory_space<vmem>>) semaphore(%arg10 : memref<!tpu.dma_semaphore, #tpu.memory_space<semaphore_mem>>)
      %dma_start3A_125 = arith.constant 9 : i32
      %dma_start3A_126 = arith.constant 9 : i32
      %dma_start3A_127 = arith.constant 0 : i32
      %dma_start3A_128 = arith.constant 0 : i32
      %dma_start3A_129 = tpu.memref_slice %arg8[%dma_start3A_126, %dma_start3A_127, %dma_start3A_128] : memref<16x125x8xf32, #tpu.memory_space<vmem>> -> memref<1x125x8xf32, #tpu.memory_space<vmem>>
      %dma_start3A_130 = tpu.memref_squeeze %dma_start3A_129 : memref<1x125x8xf32, #tpu.memory_space<vmem>> -> memref<125x8xf32, #tpu.memory_space<vmem>>
      %dma_start3A_131 = arith.constant 0 : i32
      %dma_start3A_132 = tpu.memref_slice %arg6[%dma_start3A_125, %dma_start3A_131] : memref<16x125xi32, #tpu.memory_space<vmem>> -> memref<1x125xi32, #tpu.memory_space<vmem>>
      %dma_start3A_133 = tpu.memref_squeeze %dma_start3A_132 : memref<1x125xi32, #tpu.memory_space<vmem>> -> memref<125xi32, #tpu.memory_space<vmem>>
      %dma_start3A_134 = arith.constant 0 : i32
      %dma_start3A_135 = arith.constant 0 : i32
      %dma_start3A_136 = tpu.memref_slice %arg2[%dma_start3A_134, %dma_start3A_135] : memref<100352x8xf32, #tpu.memory_space<hbm>> -> memref<100352x8xf32, #tpu.memory_space<hbm>>
      tpu.enqueue_indirect_dma source(%dma_start3A_136 : memref<100352x8xf32, #tpu.memory_space<hbm>>) target(%dma_start3A_130 : memref<125x8xf32, #tpu.memory_space<vmem>>) offsets(%dma_start3A_133 : memref<125xi32, #tpu.memory_space<vmem>>) semaphore(%arg10 : memref<!tpu.dma_semaphore, #tpu.memory_space<semaphore_mem>>)
      %dma_start3A_137 = arith.constant 10 : i32
      %dma_start3A_138 = arith.constant 10 : i32
      %dma_start3A_139 = arith.constant 0 : i32
      %dma_start3A_140 = arith.constant 0 : i32
      %dma_start3A_141 = tpu.memref_slice %arg8[%dma_start3A_138, %dma_start3A_139, %dma_start3A_140] : memref<16x125x8xf32, #tpu.memory_space<vmem>> -> memref<1x125x8xf32, #tpu.memory_space<vmem>>
      %dma_start3A_142 = tpu.memref_squeeze %dma_start3A_141 : memref<1x125x8xf32, #tpu.memory_space<vmem>> -> memref<125x8xf32, #tpu.memory_space<vmem>>
      %dma_start3A_143 = arith.constant 0 : i32
      %dma_start3A_144 = tpu.memref_slice %arg6[%dma_start3A_137, %dma_start3A_143] : memref<16x125xi32, #tpu.memory_space<vmem>> -> memref<1x125xi32, #tpu.memory_space<vmem>>
      %dma_start3A_145 = tpu.memref_squeeze %dma_start3A_144 : memref<1x125xi32, #tpu.memory_space<vmem>> -> memref<125xi32, #tpu.memory_space<vmem>>
      %dma_start3A_146 = arith.constant 0 : i32
      %dma_start3A_147 = arith.constant 0 : i32
      %dma_start3A_148 = tpu.memref_slice %arg2[%dma_start3A_146, %dma_start3A_147] : memref<100352x8xf32, #tpu.memory_space<hbm>> -> memref<100352x8xf32, #tpu.memory_space<hbm>>
      tpu.enqueue_indirect_dma source(%dma_start3A_148 : memref<100352x8xf32, #tpu.memory_space<hbm>>) target(%dma_start3A_142 : memref<125x8xf32, #tpu.memory_space<vmem>>) offsets(%dma_start3A_145 : memref<125xi32, #tpu.memory_space<vmem>>) semaphore(%arg10 : memref<!tpu.dma_semaphore, #tpu.memory_space<semaphore_mem>>)
      %dma_start3A_149 = arith.constant 11 : i32
      %dma_start3A_150 = arith.constant 11 : i32
      %dma_start3A_151 = arith.constant 0 : i32
      %dma_start3A_152 = arith.constant 0 : i32
      %dma_start3A_153 = tpu.memref_slice %arg8[%dma_start3A_150, %dma_start3A_151, %dma_start3A_152] : memref<16x125x8xf32, #tpu.memory_space<vmem>> -> memref<1x125x8xf32, #tpu.memory_space<vmem>>
      %dma_start3A_154 = tpu.memref_squeeze %dma_start3A_153 : memref<1x125x8xf32, #tpu.memory_space<vmem>> -> memref<125x8xf32, #tpu.memory_space<vmem>>
      %dma_start3A_155 = arith.constant 0 : i32
      %dma_start3A_156 = tpu.memref_slice %arg6[%dma_start3A_149, %dma_start3A_155] : memref<16x125xi32, #tpu.memory_space<vmem>> -> memref<1x125xi32, #tpu.memory_space<vmem>>
      %dma_start3A_157 = tpu.memref_squeeze %dma_start3A_156 : memref<1x125xi32, #tpu.memory_space<vmem>> -> memref<125xi32, #tpu.memory_space<vmem>>
      %dma_start3A_158 = arith.constant 0 : i32
      %dma_start3A_159 = arith.constant 0 : i32
      %dma_start3A_160 = tpu.memref_slice %arg2[%dma_start3A_158, %dma_start3A_159] : memref<100352x8xf32, #tpu.memory_space<hbm>> -> memref<100352x8xf32, #tpu.memory_space<hbm>>
      tpu.enqueue_indirect_dma source(%dma_start3A_160 : memref<100352x8xf32, #tpu.memory_space<hbm>>) target(%dma_start3A_154 : memref<125x8xf32, #tpu.memory_space<vmem>>) offsets(%dma_start3A_157 : memref<125xi32, #tpu.memory_space<vmem>>) semaphore(%arg10 : memref<!tpu.dma_semaphore, #tpu.memory_space<semaphore_mem>>)
      %dma_start3A_161 = arith.constant 12 : i32
      %dma_start3A_162 = arith.constant 12 : i32
      %dma_start3A_163 = arith.constant 0 : i32
      %dma_start3A_164 = arith.constant 0 : i32
      %dma_start3A_165 = tpu.memref_slice %arg8[%dma_start3A_162, %dma_start3A_163, %dma_start3A_164] : memref<16x125x8xf32, #tpu.memory_space<vmem>> -> memref<1x125x8xf32, #tpu.memory_space<vmem>>
      %dma_start3A_166 = tpu.memref_squeeze %dma_start3A_165 : memref<1x125x8xf32, #tpu.memory_space<vmem>> -> memref<125x8xf32, #tpu.memory_space<vmem>>
      %dma_start3A_167 = arith.constant 0 : i32
      %dma_start3A_168 = tpu.memref_slice %arg6[%dma_start3A_161, %dma_start3A_167] : memref<16x125xi32, #tpu.memory_space<vmem>> -> memref<1x125xi32, #tpu.memory_space<vmem>>
      %dma_start3A_169 = tpu.memref_squeeze %dma_start3A_168 : memref<1x125xi32, #tpu.memory_space<vmem>> -> memref<125xi32, #tpu.memory_space<vmem>>
      %dma_start3A_170 = arith.constant 0 : i32
      %dma_start3A_171 = arith.constant 0 : i32
      %dma_start3A_172 = tpu.memref_slice %arg2[%dma_start3A_170, %dma_start3A_171] : memref<100352x8xf32, #tpu.memory_space<hbm>> -> memref<100352x8xf32, #tpu.memory_space<hbm>>
      tpu.enqueue_indirect_dma source(%dma_start3A_172 : memref<100352x8xf32, #tpu.memory_space<hbm>>) target(%dma_start3A_166 : memref<125x8xf32, #tpu.memory_space<vmem>>) offsets(%dma_start3A_169 : memref<125xi32, #tpu.memory_space<vmem>>) semaphore(%arg10 : memref<!tpu.dma_semaphore, #tpu.memory_space<semaphore_mem>>)
      %dma_start3A_173 = arith.constant 13 : i32
      %dma_start3A_174 = arith.constant 13 : i32
      %dma_start3A_175 = arith.constant 0 : i32
      %dma_start3A_176 = arith.constant 0 : i32
      %dma_start3A_177 = tpu.memref_slice %arg8[%dma_start3A_174, %dma_start3A_175, %dma_start3A_176] : memref<16x125x8xf32, #tpu.memory_space<vmem>> -> memref<1x125x8xf32, #tpu.memory_space<vmem>>
      %dma_start3A_178 = tpu.memref_squeeze %dma_start3A_177 : memref<1x125x8xf32, #tpu.memory_space<vmem>> -> memref<125x8xf32, #tpu.memory_space<vmem>>
      %dma_start3A_179 = arith.constant 0 : i32
      %dma_start3A_180 = tpu.memref_slice %arg6[%dma_start3A_173, %dma_start3A_179] : memref<16x125xi32, #tpu.memory_space<vmem>> -> memref<1x125xi32, #tpu.memory_space<vmem>>
      %dma_start3A_181 = tpu.memref_squeeze %dma_start3A_180 : memref<1x125xi32, #tpu.memory_space<vmem>> -> memref<125xi32, #tpu.memory_space<vmem>>
      %dma_start3A_182 = arith.constant 0 : i32
      %dma_start3A_183 = arith.constant 0 : i32
      %dma_start3A_184 = tpu.memref_slice %arg2[%dma_start3A_182, %dma_start3A_183] : memref<100352x8xf32, #tpu.memory_space<hbm>> -> memref<100352x8xf32, #tpu.memory_space<hbm>>
      tpu.enqueue_indirect_dma source(%dma_start3A_184 : memref<100352x8xf32, #tpu.memory_space<hbm>>) target(%dma_start3A_178 : memref<125x8xf32, #tpu.memory_space<vmem>>) offsets(%dma_start3A_181 : memref<125xi32, #tpu.memory_space<vmem>>) semaphore(%arg10 : memref<!tpu.dma_semaphore, #tpu.memory_space<semaphore_mem>>)
      %dma_start3A_185 = arith.constant 14 : i32
      %dma_start3A_186 = arith.constant 14 : i32
      %dma_start3A_187 = arith.constant 0 : i32
      %dma_start3A_188 = arith.constant 0 : i32
      %dma_start3A_189 = tpu.memref_slice %arg8[%dma_start3A_186, %dma_start3A_187, %dma_start3A_188] : memref<16x125x8xf32, #tpu.memory_space<vmem>> -> memref<1x125x8xf32, #tpu.memory_space<vmem>>
      %dma_start3A_190 = tpu.memref_squeeze %dma_start3A_189 : memref<1x125x8xf32, #tpu.memory_space<vmem>> -> memref<125x8xf32, #tpu.memory_space<vmem>>
      %dma_start3A_191 = arith.constant 0 : i32
      %dma_start3A_192 = tpu.memref_slice %arg6[%dma_start3A_185, %dma_start3A_191] : memref<16x125xi32, #tpu.memory_space<vmem>> -> memref<1x125xi32, #tpu.memory_space<vmem>>
      %dma_start3A_193 = tpu.memref_squeeze %dma_start3A_192 : memref<1x125xi32, #tpu.memory_space<vmem>> -> memref<125xi32, #tpu.memory_space<vmem>>
      %dma_start3A_194 = arith.constant 0 : i32
      %dma_start3A_195 = arith.constant 0 : i32
      %dma_start3A_196 = tpu.memref_slice %arg2[%dma_start3A_194, %dma_start3A_195] : memref<100352x8xf32, #tpu.memory_space<hbm>> -> memref<100352x8xf32, #tpu.memory_space<hbm>>
      tpu.enqueue_indirect_dma source(%dma_start3A_196 : memref<100352x8xf32, #tpu.memory_space<hbm>>) target(%dma_start3A_190 : memref<125x8xf32, #tpu.memory_space<vmem>>) offsets(%dma_start3A_193 : memref<125xi32, #tpu.memory_space<vmem>>) semaphore(%arg10 : memref<!tpu.dma_semaphore, #tpu.memory_space<semaphore_mem>>)
      %dma_start3A_197 = arith.constant 15 : i32
      %dma_start3A_198 = arith.constant 15 : i32
      %dma_start3A_199 = arith.constant 0 : i32
      %dma_start3A_200 = arith.constant 0 : i32
      %dma_start3A_201 = tpu.memref_slice %arg8[%dma_start3A_198, %dma_start3A_199, %dma_start3A_200] : memref<16x125x8xf32, #tpu.memory_space<vmem>> -> memref<1x125x8xf32, #tpu.memory_space<vmem>>
      %dma_start3A_202 = tpu.memref_squeeze %dma_start3A_201 : memref<1x125x8xf32, #tpu.memory_space<vmem>> -> memref<125x8xf32, #tpu.memory_space<vmem>>
      %dma_start3A_203 = arith.constant 0 : i32
      %dma_start3A_204 = tpu.memref_slice %arg6[%dma_start3A_197, %dma_start3A_203] : memref<16x125xi32, #tpu.memory_space<vmem>> -> memref<1x125xi32, #tpu.memory_space<vmem>>
      %dma_start3A_205 = tpu.memref_squeeze %dma_start3A_204 : memref<1x125xi32, #tpu.memory_space<vmem>> -> memref<125xi32, #tpu.memory_space<vmem>>
      %dma_start3A_206 = arith.constant 0 : i32
      %dma_start3A_207 = arith.constant 0 : i32
      %dma_start3A_208 = tpu.memref_slice %arg2[%dma_start3A_206, %dma_start3A_207] : memref<100352x8xf32, #tpu.memory_space<hbm>> -> memref<100352x8xf32, #tpu.memory_space<hbm>>
      tpu.enqueue_indirect_dma source(%dma_start3A_208 : memref<100352x8xf32, #tpu.memory_space<hbm>>) target(%dma_start3A_202 : memref<125x8xf32, #tpu.memory_space<vmem>>) offsets(%dma_start3A_205 : memref<125xi32, #tpu.memory_space<vmem>>) semaphore(%arg10 : memref<!tpu.dma_semaphore, #tpu.memory_space<semaphore_mem>>)
      %dma_wait3A = arith.constant 0 : i32
      %dma_wait3A_209 = arith.constant 0 : i32
      %dma_wait3A_210 = arith.constant 0 : i32
      %dma_wait3A_211 = arith.constant 0 : i32
      %dma_wait3A_212 = tpu.memref_slice %arg8[%dma_wait3A_209, %dma_wait3A_210, %dma_wait3A_211] : memref<16x125x8xf32, #tpu.memory_space<vmem>> -> memref<1x125x8xf32, #tpu.memory_space<vmem>>
      %dma_wait3A_213 = tpu.memref_squeeze %dma_wait3A_212 : memref<1x125x8xf32, #tpu.memory_space<vmem>> -> memref<125x8xf32, #tpu.memory_space<vmem>>
      %dma_wait3A_214 = arith.constant 0 : i32
      %dma_wait3A_215 = tpu.memref_slice %arg6[%dma_wait3A, %dma_wait3A_214] : memref<16x125xi32, #tpu.memory_space<vmem>> -> memref<1x125xi32, #tpu.memory_space<vmem>>
      %dma_wait3A_216 = tpu.memref_squeeze %dma_wait3A_215 : memref<1x125xi32, #tpu.memory_space<vmem>> -> memref<125xi32, #tpu.memory_space<vmem>>
      %dma_wait3A_217 = arith.constant 0 : i32
      %dma_wait3A_218 = arith.constant 0 : i32
      %dma_wait3A_219 = tpu.memref_slice %arg2[%dma_wait3A_217, %dma_wait3A_218] : memref<100352x8xf32, #tpu.memory_space<hbm>> -> memref<100352x8xf32, #tpu.memory_space<hbm>>
      tpu.wait_indirect_dma semaphore(%arg10 : memref<!tpu.dma_semaphore, #tpu.memory_space<semaphore_mem>>) src(%dma_wait3A_219 : memref<100352x8xf32, #tpu.memory_space<hbm>>) dst(%dma_wait3A_213 : memref<125x8xf32, #tpu.memory_space<vmem>>)
      %dma_wait3A_220 = arith.constant 1 : i32
      %dma_wait3A_221 = arith.constant 1 : i32
      %dma_wait3A_222 = arith.constant 0 : i32
      %dma_wait3A_223 = arith.constant 0 : i32
      %dma_wait3A_224 = tpu.memref_slice %arg8[%dma_wait3A_221, %dma_wait3A_222, %dma_wait3A_223] : memref<16x125x8xf32, #tpu.memory_space<vmem>> -> memref<1x125x8xf32, #tpu.memory_space<vmem>>
      %dma_wait3A_225 = tpu.memref_squeeze %dma_wait3A_224 : memref<1x125x8xf32, #tpu.memory_space<vmem>> -> memref<125x8xf32, #tpu.memory_space<vmem>>
      %dma_wait3A_226 = arith.constant 0 : i32
      %dma_wait3A_227 = tpu.memref_slice %arg6[%dma_wait3A_220, %dma_wait3A_226] : memref<16x125xi32, #tpu.memory_space<vmem>> -> memref<1x125xi32, #tpu.memory_space<vmem>>
      %dma_wait3A_228 = tpu.memref_squeeze %dma_wait3A_227 : memref<1x125xi32, #tpu.memory_space<vmem>> -> memref<125xi32, #tpu.memory_space<vmem>>
      %dma_wait3A_229 = arith.constant 0 : i32
      %dma_wait3A_230 = arith.constant 0 : i32
      %dma_wait3A_231 = tpu.memref_slice %arg2[%dma_wait3A_229, %dma_wait3A_230] : memref<100352x8xf32, #tpu.memory_space<hbm>> -> memref<100352x8xf32, #tpu.memory_space<hbm>>
      tpu.wait_indirect_dma semaphore(%arg10 : memref<!tpu.dma_semaphore, #tpu.memory_space<semaphore_mem>>) src(%dma_wait3A_231 : memref<100352x8xf32, #tpu.memory_space<hbm>>) dst(%dma_wait3A_225 : memref<125x8xf32, #tpu.memory_space<vmem>>)
      %dma_wait3A_232 = arith.constant 2 : i32
      %dma_wait3A_233 = arith.constant 2 : i32
      %dma_wait3A_234 = arith.constant 0 : i32
      %dma_wait3A_235 = arith.constant 0 : i32
      %dma_wait3A_236 = tpu.memref_slice %arg8[%dma_wait3A_233, %dma_wait3A_234, %dma_wait3A_235] : memref<16x125x8xf32, #tpu.memory_space<vmem>> -> memref<1x125x8xf32, #tpu.memory_space<vmem>>
      %dma_wait3A_237 = tpu.memref_squeeze %dma_wait3A_236 : memref<1x125x8xf32, #tpu.memory_space<vmem>> -> memref<125x8xf32, #tpu.memory_space<vmem>>
      %dma_wait3A_238 = arith.constant 0 : i32
      %dma_wait3A_239 = tpu.memref_slice %arg6[%dma_wait3A_232, %dma_wait3A_238] : memref<16x125xi32, #tpu.memory_space<vmem>> -> memref<1x125xi32, #tpu.memory_space<vmem>>
      %dma_wait3A_240 = tpu.memref_squeeze %dma_wait3A_239 : memref<1x125xi32, #tpu.memory_space<vmem>> -> memref<125xi32, #tpu.memory_space<vmem>>
      %dma_wait3A_241 = arith.constant 0 : i32
      %dma_wait3A_242 = arith.constant 0 : i32
      %dma_wait3A_243 = tpu.memref_slice %arg2[%dma_wait3A_241, %dma_wait3A_242] : memref<100352x8xf32, #tpu.memory_space<hbm>> -> memref<100352x8xf32, #tpu.memory_space<hbm>>
      tpu.wait_indirect_dma semaphore(%arg10 : memref<!tpu.dma_semaphore, #tpu.memory_space<semaphore_mem>>) src(%dma_wait3A_243 : memref<100352x8xf32, #tpu.memory_space<hbm>>) dst(%dma_wait3A_237 : memref<125x8xf32, #tpu.memory_space<vmem>>)
      %dma_wait3A_244 = arith.constant 3 : i32
      %dma_wait3A_245 = arith.constant 3 : i32
      %dma_wait3A_246 = arith.constant 0 : i32
      %dma_wait3A_247 = arith.constant 0 : i32
      %dma_wait3A_248 = tpu.memref_slice %arg8[%dma_wait3A_245, %dma_wait3A_246, %dma_wait3A_247] : memref<16x125x8xf32, #tpu.memory_space<vmem>> -> memref<1x125x8xf32, #tpu.memory_space<vmem>>
      %dma_wait3A_249 = tpu.memref_squeeze %dma_wait3A_248 : memref<1x125x8xf32, #tpu.memory_space<vmem>> -> memref<125x8xf32, #tpu.memory_space<vmem>>
      %dma_wait3A_250 = arith.constant 0 : i32
      %dma_wait3A_251 = tpu.memref_slice %arg6[%dma_wait3A_244, %dma_wait3A_250] : memref<16x125xi32, #tpu.memory_space<vmem>> -> memref<1x125xi32, #tpu.memory_space<vmem>>
      %dma_wait3A_252 = tpu.memref_squeeze %dma_wait3A_251 : memref<1x125xi32, #tpu.memory_space<vmem>> -> memref<125xi32, #tpu.memory_space<vmem>>
      %dma_wait3A_253 = arith.constant 0 : i32
      %dma_wait3A_254 = arith.constant 0 : i32
      %dma_wait3A_255 = tpu.memref_slice %arg2[%dma_wait3A_253, %dma_wait3A_254] : memref<100352x8xf32, #tpu.memory_space<hbm>> -> memref<100352x8xf32, #tpu.memory_space<hbm>>
      tpu.wait_indirect_dma semaphore(%arg10 : memref<!tpu.dma_semaphore, #tpu.memory_space<semaphore_mem>>) src(%dma_wait3A_255 : memref<100352x8xf32, #tpu.memory_space<hbm>>) dst(%dma_wait3A_249 : memref<125x8xf32, #tpu.memory_space<vmem>>)
      %dma_wait3A_256 = arith.constant 4 : i32
      %dma_wait3A_257 = arith.constant 4 : i32
      %dma_wait3A_258 = arith.constant 0 : i32
      %dma_wait3A_259 = arith.constant 0 : i32
      %dma_wait3A_260 = tpu.memref_slice %arg8[%dma_wait3A_257, %dma_wait3A_258, %dma_wait3A_259] : memref<16x125x8xf32, #tpu.memory_space<vmem>> -> memref<1x125x8xf32, #tpu.memory_space<vmem>>
      %dma_wait3A_261 = tpu.memref_squeeze %dma_wait3A_260 : memref<1x125x8xf32, #tpu.memory_space<vmem>> -> memref<125x8xf32, #tpu.memory_space<vmem>>
      %dma_wait3A_262 = arith.constant 0 : i32
      %dma_wait3A_263 = tpu.memref_slice %arg6[%dma_wait3A_256, %dma_wait3A_262] : memref<16x125xi32, #tpu.memory_space<vmem>> -> memref<1x125xi32, #tpu.memory_space<vmem>>
      %dma_wait3A_264 = tpu.memref_squeeze %dma_wait3A_263 : memref<1x125xi32, #tpu.memory_space<vmem>> -> memref<125xi32, #tpu.memory_space<vmem>>
      %dma_wait3A_265 = arith.constant 0 : i32
      %dma_wait3A_266 = arith.constant 0 : i32
      %dma_wait3A_267 = tpu.memref_slice %arg2[%dma_wait3A_265, %dma_wait3A_266] : memref<100352x8xf32, #tpu.memory_space<hbm>> -> memref<100352x8xf32, #tpu.memory_space<hbm>>
      tpu.wait_indirect_dma semaphore(%arg10 : memref<!tpu.dma_semaphore, #tpu.memory_space<semaphore_mem>>) src(%dma_wait3A_267 : memref<100352x8xf32, #tpu.memory_space<hbm>>) dst(%dma_wait3A_261 : memref<125x8xf32, #tpu.memory_space<vmem>>)
      %dma_wait3A_268 = arith.constant 5 : i32
      %dma_wait3A_269 = arith.constant 5 : i32
      %dma_wait3A_270 = arith.constant 0 : i32
      %dma_wait3A_271 = arith.constant 0 : i32
      %dma_wait3A_272 = tpu.memref_slice %arg8[%dma_wait3A_269, %dma_wait3A_270, %dma_wait3A_271] : memref<16x125x8xf32, #tpu.memory_space<vmem>> -> memref<1x125x8xf32, #tpu.memory_space<vmem>>
      %dma_wait3A_273 = tpu.memref_squeeze %dma_wait3A_272 : memref<1x125x8xf32, #tpu.memory_space<vmem>> -> memref<125x8xf32, #tpu.memory_space<vmem>>
      %dma_wait3A_274 = arith.constant 0 : i32
      %dma_wait3A_275 = tpu.memref_slice %arg6[%dma_wait3A_268, %dma_wait3A_274] : memref<16x125xi32, #tpu.memory_space<vmem>> -> memref<1x125xi32, #tpu.memory_space<vmem>>
      %dma_wait3A_276 = tpu.memref_squeeze %dma_wait3A_275 : memref<1x125xi32, #tpu.memory_space<vmem>> -> memref<125xi32, #tpu.memory_space<vmem>>
      %dma_wait3A_277 = arith.constant 0 : i32
      %dma_wait3A_278 = arith.constant 0 : i32
      %dma_wait3A_279 = tpu.memref_slice %arg2[%dma_wait3A_277, %dma_wait3A_278] : memref<100352x8xf32, #tpu.memory_space<hbm>> -> memref<100352x8xf32, #tpu.memory_space<hbm>>
      tpu.wait_indirect_dma semaphore(%arg10 : memref<!tpu.dma_semaphore, #tpu.memory_space<semaphore_mem>>) src(%dma_wait3A_279 : memref<100352x8xf32, #tpu.memory_space<hbm>>) dst(%dma_wait3A_273 : memref<125x8xf32, #tpu.memory_space<vmem>>)
      %dma_wait3A_280 = arith.constant 6 : i32
      %dma_wait3A_281 = arith.constant 6 : i32
      %dma_wait3A_282 = arith.constant 0 : i32
      %dma_wait3A_283 = arith.constant 0 : i32
      %dma_wait3A_284 = tpu.memref_slice %arg8[%dma_wait3A_281, %dma_wait3A_282, %dma_wait3A_283] : memref<16x125x8xf32, #tpu.memory_space<vmem>> -> memref<1x125x8xf32, #tpu.memory_space<vmem>>
      %dma_wait3A_285 = tpu.memref_squeeze %dma_wait3A_284 : memref<1x125x8xf32, #tpu.memory_space<vmem>> -> memref<125x8xf32, #tpu.memory_space<vmem>>
      %dma_wait3A_286 = arith.constant 0 : i32
      %dma_wait3A_287 = tpu.memref_slice %arg6[%dma_wait3A_280, %dma_wait3A_286] : memref<16x125xi32, #tpu.memory_space<vmem>> -> memref<1x125xi32, #tpu.memory_space<vmem>>
      %dma_wait3A_288 = tpu.memref_squeeze %dma_wait3A_287 : memref<1x125xi32, #tpu.memory_space<vmem>> -> memref<125xi32, #tpu.memory_space<vmem>>
      %dma_wait3A_289 = arith.constant 0 : i32
      %dma_wait3A_290 = arith.constant 0 : i32
      %dma_wait3A_291 = tpu.memref_slice %arg2[%dma_wait3A_289, %dma_wait3A_290] : memref<100352x8xf32, #tpu.memory_space<hbm>> -> memref<100352x8xf32, #tpu.memory_space<hbm>>
      tpu.wait_indirect_dma semaphore(%arg10 : memref<!tpu.dma_semaphore, #tpu.memory_space<semaphore_mem>>) src(%dma_wait3A_291 : memref<100352x8xf32, #tpu.memory_space<hbm>>) dst(%dma_wait3A_285 : memref<125x8xf32, #tpu.memory_space<vmem>>)
      %dma_wait3A_292 = arith.constant 7 : i32
      %dma_wait3A_293 = arith.constant 7 : i32
      %dma_wait3A_294 = arith.constant 0 : i32
      %dma_wait3A_295 = arith.constant 0 : i32
      %dma_wait3A_296 = tpu.memref_slice %arg8[%dma_wait3A_293, %dma_wait3A_294, %dma_wait3A_295] : memref<16x125x8xf32, #tpu.memory_space<vmem>> -> memref<1x125x8xf32, #tpu.memory_space<vmem>>
      %dma_wait3A_297 = tpu.memref_squeeze %dma_wait3A_296 : memref<1x125x8xf32, #tpu.memory_space<vmem>> -> memref<125x8xf32, #tpu.memory_space<vmem>>
      %dma_wait3A_298 = arith.constant 0 : i32
      %dma_wait3A_299 = tpu.memref_slice %arg6[%dma_wait3A_292, %dma_wait3A_298] : memref<16x125xi32, #tpu.memory_space<vmem>> -> memref<1x125xi32, #tpu.memory_space<vmem>>
      %dma_wait3A_300 = tpu.memref_squeeze %dma_wait3A_299 : memref<1x125xi32, #tpu.memory_space<vmem>> -> memref<125xi32, #tpu.memory_space<vmem>>
      %dma_wait3A_301 = arith.constant 0 : i32
      %dma_wait3A_302 = arith.constant 0 : i32
      %dma_wait3A_303 = tpu.memref_slice %arg2[%dma_wait3A_301, %dma_wait3A_302] : memref<100352x8xf32, #tpu.memory_space<hbm>> -> memref<100352x8xf32, #tpu.memory_space<hbm>>
      tpu.wait_indirect_dma semaphore(%arg10 : memref<!tpu.dma_semaphore, #tpu.memory_space<semaphore_mem>>) src(%dma_wait3A_303 : memref<100352x8xf32, #tpu.memory_space<hbm>>) dst(%dma_wait3A_297 : memref<125x8xf32, #tpu.memory_space<vmem>>)
      %dma_wait3A_304 = arith.constant 8 : i32
      %dma_wait3A_305 = arith.constant 8 : i32
      %dma_wait3A_306 = arith.constant 0 : i32
      %dma_wait3A_307 = arith.constant 0 : i32
      %dma_wait3A_308 = tpu.memref_slice %arg8[%dma_wait3A_305, %dma_wait3A_306, %dma_wait3A_307] : memref<16x125x8xf32, #tpu.memory_space<vmem>> -> memref<1x125x8xf32, #tpu.memory_space<vmem>>
      %dma_wait3A_309 = tpu.memref_squeeze %dma_wait3A_308 : memref<1x125x8xf32, #tpu.memory_space<vmem>> -> memref<125x8xf32, #tpu.memory_space<vmem>>
      %dma_wait3A_310 = arith.constant 0 : i32
      %dma_wait3A_311 = tpu.memref_slice %arg6[%dma_wait3A_304, %dma_wait3A_310] : memref<16x125xi32, #tpu.memory_space<vmem>> -> memref<1x125xi32, #tpu.memory_space<vmem>>
      %dma_wait3A_312 = tpu.memref_squeeze %dma_wait3A_311 : memref<1x125xi32, #tpu.memory_space<vmem>> -> memref<125xi32, #tpu.memory_space<vmem>>
      %dma_wait3A_313 = arith.constant 0 : i32
      %dma_wait3A_314 = arith.constant 0 : i32
      %dma_wait3A_315 = tpu.memref_slice %arg2[%dma_wait3A_313, %dma_wait3A_314] : memref<100352x8xf32, #tpu.memory_space<hbm>> -> memref<100352x8xf32, #tpu.memory_space<hbm>>
      tpu.wait_indirect_dma semaphore(%arg10 : memref<!tpu.dma_semaphore, #tpu.memory_space<semaphore_mem>>) src(%dma_wait3A_315 : memref<100352x8xf32, #tpu.memory_space<hbm>>) dst(%dma_wait3A_309 : memref<125x8xf32, #tpu.memory_space<vmem>>)
      %dma_wait3A_316 = arith.constant 9 : i32
      %dma_wait3A_317 = arith.constant 9 : i32
      %dma_wait3A_318 = arith.constant 0 : i32
      %dma_wait3A_319 = arith.constant 0 : i32
      %dma_wait3A_320 = tpu.memref_slice %arg8[%dma_wait3A_317, %dma_wait3A_318, %dma_wait3A_319] : memref<16x125x8xf32, #tpu.memory_space<vmem>> -> memref<1x125x8xf32, #tpu.memory_space<vmem>>
      %dma_wait3A_321 = tpu.memref_squeeze %dma_wait3A_320 : memref<1x125x8xf32, #tpu.memory_space<vmem>> -> memref<125x8xf32, #tpu.memory_space<vmem>>
      %dma_wait3A_322 = arith.constant 0 : i32
      %dma_wait3A_323 = tpu.memref_slice %arg6[%dma_wait3A_316, %dma_wait3A_322] : memref<16x125xi32, #tpu.memory_space<vmem>> -> memref<1x125xi32, #tpu.memory_space<vmem>>
      %dma_wait3A_324 = tpu.memref_squeeze %dma_wait3A_323 : memref<1x125xi32, #tpu.memory_space<vmem>> -> memref<125xi32, #tpu.memory_space<vmem>>
      %dma_wait3A_325 = arith.constant 0 : i32
      %dma_wait3A_326 = arith.constant 0 : i32
      %dma_wait3A_327 = tpu.memref_slice %arg2[%dma_wait3A_325, %dma_wait3A_326] : memref<100352x8xf32, #tpu.memory_space<hbm>> -> memref<100352x8xf32, #tpu.memory_space<hbm>>
      tpu.wait_indirect_dma semaphore(%arg10 : memref<!tpu.dma_semaphore, #tpu.memory_space<semaphore_mem>>) src(%dma_wait3A_327 : memref<100352x8xf32, #tpu.memory_space<hbm>>) dst(%dma_wait3A_321 : memref<125x8xf32, #tpu.memory_space<vmem>>)
      %dma_wait3A_328 = arith.constant 10 : i32
      %dma_wait3A_329 = arith.constant 10 : i32
      %dma_wait3A_330 = arith.constant 0 : i32
      %dma_wait3A_331 = arith.constant 0 : i32
      %dma_wait3A_332 = tpu.memref_slice %arg8[%dma_wait3A_329, %dma_wait3A_330, %dma_wait3A_331] : memref<16x125x8xf32, #tpu.memory_space<vmem>> -> memref<1x125x8xf32, #tpu.memory_space<vmem>>
      %dma_wait3A_333 = tpu.memref_squeeze %dma_wait3A_332 : memref<1x125x8xf32, #tpu.memory_space<vmem>> -> memref<125x8xf32, #tpu.memory_space<vmem>>
      %dma_wait3A_334 = arith.constant 0 : i32
      %dma_wait3A_335 = tpu.memref_slice %arg6[%dma_wait3A_328, %dma_wait3A_334] : memref<16x125xi32, #tpu.memory_space<vmem>> -> memref<1x125xi32, #tpu.memory_space<vmem>>
      %dma_wait3A_336 = tpu.memref_squeeze %dma_wait3A_335 : memref<1x125xi32, #tpu.memory_space<vmem>> -> memref<125xi32, #tpu.memory_space<vmem>>
      %dma_wait3A_337 = arith.constant 0 : i32
      %dma_wait3A_338 = arith.constant 0 : i32
      %dma_wait3A_339 = tpu.memref_slice %arg2[%dma_wait3A_337, %dma_wait3A_338] : memref<100352x8xf32, #tpu.memory_space<hbm>> -> memref<100352x8xf32, #tpu.memory_space<hbm>>
      tpu.wait_indirect_dma semaphore(%arg10 : memref<!tpu.dma_semaphore, #tpu.memory_space<semaphore_mem>>) src(%dma_wait3A_339 : memref<100352x8xf32, #tpu.memory_space<hbm>>) dst(%dma_wait3A_333 : memref<125x8xf32, #tpu.memory_space<vmem>>)
      %dma_wait3A_340 = arith.constant 11 : i32
      %dma_wait3A_341 = arith.constant 11 : i32
      %dma_wait3A_342 = arith.constant 0 : i32
      %dma_wait3A_343 = arith.constant 0 : i32
      %dma_wait3A_344 = tpu.memref_slice %arg8[%dma_wait3A_341, %dma_wait3A_342, %dma_wait3A_343] : memref<16x125x8xf32, #tpu.memory_space<vmem>> -> memref<1x125x8xf32, #tpu.memory_space<vmem>>
      %dma_wait3A_345 = tpu.memref_squeeze %dma_wait3A_344 : memref<1x125x8xf32, #tpu.memory_space<vmem>> -> memref<125x8xf32, #tpu.memory_space<vmem>>
      %dma_wait3A_346 = arith.constant 0 : i32
      %dma_wait3A_347 = tpu.memref_slice %arg6[%dma_wait3A_340, %dma_wait3A_346] : memref<16x125xi32, #tpu.memory_space<vmem>> -> memref<1x125xi32, #tpu.memory_space<vmem>>
      %dma_wait3A_348 = tpu.memref_squeeze %dma_wait3A_347 : memref<1x125xi32, #tpu.memory_space<vmem>> -> memref<125xi32, #tpu.memory_space<vmem>>
      %dma_wait3A_349 = arith.constant 0 : i32
      %dma_wait3A_350 = arith.constant 0 : i32
      %dma_wait3A_351 = tpu.memref_slice %arg2[%dma_wait3A_349, %dma_wait3A_350] : memref<100352x8xf32, #tpu.memory_space<hbm>> -> memref<100352x8xf32, #tpu.memory_space<hbm>>
      tpu.wait_indirect_dma semaphore(%arg10 : memref<!tpu.dma_semaphore, #tpu.memory_space<semaphore_mem>>) src(%dma_wait3A_351 : memref<100352x8xf32, #tpu.memory_space<hbm>>) dst(%dma_wait3A_345 : memref<125x8xf32, #tpu.memory_space<vmem>>)
      %dma_wait3A_352 = arith.constant 12 : i32
      %dma_wait3A_353 = arith.constant 12 : i32
      %dma_wait3A_354 = arith.constant 0 : i32
      %dma_wait3A_355 = arith.constant 0 : i32
      %dma_wait3A_356 = tpu.memref_slice %arg8[%dma_wait3A_353, %dma_wait3A_354, %dma_wait3A_355] : memref<16x125x8xf32, #tpu.memory_space<vmem>> -> memref<1x125x8xf32, #tpu.memory_space<vmem>>
      %dma_wait3A_357 = tpu.memref_squeeze %dma_wait3A_356 : memref<1x125x8xf32, #tpu.memory_space<vmem>> -> memref<125x8xf32, #tpu.memory_space<vmem>>
      %dma_wait3A_358 = arith.constant 0 : i32
      %dma_wait3A_359 = tpu.memref_slice %arg6[%dma_wait3A_352, %dma_wait3A_358] : memref<16x125xi32, #tpu.memory_space<vmem>> -> memref<1x125xi32, #tpu.memory_space<vmem>>
      %dma_wait3A_360 = tpu.memref_squeeze %dma_wait3A_359 : memref<1x125xi32, #tpu.memory_space<vmem>> -> memref<125xi32, #tpu.memory_space<vmem>>
      %dma_wait3A_361 = arith.constant 0 : i32
      %dma_wait3A_362 = arith.constant 0 : i32
      %dma_wait3A_363 = tpu.memref_slice %arg2[%dma_wait3A_361, %dma_wait3A_362] : memref<100352x8xf32, #tpu.memory_space<hbm>> -> memref<100352x8xf32, #tpu.memory_space<hbm>>
      tpu.wait_indirect_dma semaphore(%arg10 : memref<!tpu.dma_semaphore, #tpu.memory_space<semaphore_mem>>) src(%dma_wait3A_363 : memref<100352x8xf32, #tpu.memory_space<hbm>>) dst(%dma_wait3A_357 : memref<125x8xf32, #tpu.memory_space<vmem>>)
      %dma_wait3A_364 = arith.constant 13 : i32
      %dma_wait3A_365 = arith.constant 13 : i32
      %dma_wait3A_366 = arith.constant 0 : i32
      %dma_wait3A_367 = arith.constant 0 : i32
      %dma_wait3A_368 = tpu.memref_slice %arg8[%dma_wait3A_365, %dma_wait3A_366, %dma_wait3A_367] : memref<16x125x8xf32, #tpu.memory_space<vmem>> -> memref<1x125x8xf32, #tpu.memory_space<vmem>>
      %dma_wait3A_369 = tpu.memref_squeeze %dma_wait3A_368 : memref<1x125x8xf32, #tpu.memory_space<vmem>> -> memref<125x8xf32, #tpu.memory_space<vmem>>
      %dma_wait3A_370 = arith.constant 0 : i32
      %dma_wait3A_371 = tpu.memref_slice %arg6[%dma_wait3A_364, %dma_wait3A_370] : memref<16x125xi32, #tpu.memory_space<vmem>> -> memref<1x125xi32, #tpu.memory_space<vmem>>
      %dma_wait3A_372 = tpu.memref_squeeze %dma_wait3A_371 : memref<1x125xi32, #tpu.memory_space<vmem>> -> memref<125xi32, #tpu.memory_space<vmem>>
      %dma_wait3A_373 = arith.constant 0 : i32
      %dma_wait3A_374 = arith.constant 0 : i32
      %dma_wait3A_375 = tpu.memref_slice %arg2[%dma_wait3A_373, %dma_wait3A_374] : memref<100352x8xf32, #tpu.memory_space<hbm>> -> memref<100352x8xf32, #tpu.memory_space<hbm>>
      tpu.wait_indirect_dma semaphore(%arg10 : memref<!tpu.dma_semaphore, #tpu.memory_space<semaphore_mem>>) src(%dma_wait3A_375 : memref<100352x8xf32, #tpu.memory_space<hbm>>) dst(%dma_wait3A_369 : memref<125x8xf32, #tpu.memory_space<vmem>>)
      %dma_wait3A_376 = arith.constant 14 : i32
      %dma_wait3A_377 = arith.constant 14 : i32
      %dma_wait3A_378 = arith.constant 0 : i32
      %dma_wait3A_379 = arith.constant 0 : i32
      %dma_wait3A_380 = tpu.memref_slice %arg8[%dma_wait3A_377, %dma_wait3A_378, %dma_wait3A_379] : memref<16x125x8xf32, #tpu.memory_space<vmem>> -> memref<1x125x8xf32, #tpu.memory_space<vmem>>
      %dma_wait3A_381 = tpu.memref_squeeze %dma_wait3A_380 : memref<1x125x8xf32, #tpu.memory_space<vmem>> -> memref<125x8xf32, #tpu.memory_space<vmem>>
      %dma_wait3A_382 = arith.constant 0 : i32
      %dma_wait3A_383 = tpu.memref_slice %arg6[%dma_wait3A_376, %dma_wait3A_382] : memref<16x125xi32, #tpu.memory_space<vmem>> -> memref<1x125xi32, #tpu.memory_space<vmem>>
      %dma_wait3A_384 = tpu.memref_squeeze %dma_wait3A_383 : memref<1x125xi32, #tpu.memory_space<vmem>> -> memref<125xi32, #tpu.memory_space<vmem>>
      %dma_wait3A_385 = arith.constant 0 : i32
      %dma_wait3A_386 = arith.constant 0 : i32
      %dma_wait3A_387 = tpu.memref_slice %arg2[%dma_wait3A_385, %dma_wait3A_386] : memref<100352x8xf32, #tpu.memory_space<hbm>> -> memref<100352x8xf32, #tpu.memory_space<hbm>>
      tpu.wait_indirect_dma semaphore(%arg10 : memref<!tpu.dma_semaphore, #tpu.memory_space<semaphore_mem>>) src(%dma_wait3A_387 : memref<100352x8xf32, #tpu.memory_space<hbm>>) dst(%dma_wait3A_381 : memref<125x8xf32, #tpu.memory_space<vmem>>)
      %dma_wait3A_388 = arith.constant 15 : i32
      %dma_wait3A_389 = arith.constant 15 : i32
      %dma_wait3A_390 = arith.constant 0 : i32
      %dma_wait3A_391 = arith.constant 0 : i32
      %dma_wait3A_392 = tpu.memref_slice %arg8[%dma_wait3A_389, %dma_wait3A_390, %dma_wait3A_391] : memref<16x125x8xf32, #tpu.memory_space<vmem>> -> memref<1x125x8xf32, #tpu.memory_space<vmem>>
      %dma_wait3A_393 = tpu.memref_squeeze %dma_wait3A_392 : memref<1x125x8xf32, #tpu.memory_space<vmem>> -> memref<125x8xf32, #tpu.memory_space<vmem>>
      %dma_wait3A_394 = arith.constant 0 : i32
      %dma_wait3A_395 = tpu.memref_slice %arg6[%dma_wait3A_388, %dma_wait3A_394] : memref<16x125xi32, #tpu.memory_space<vmem>> -> memref<1x125xi32, #tpu.memory_space<vmem>>
      %dma_wait3A_396 = tpu.memref_squeeze %dma_wait3A_395 : memref<1x125xi32, #tpu.memory_space<vmem>> -> memref<125xi32, #tpu.memory_space<vmem>>
      %dma_wait3A_397 = arith.constant 0 : i32
      %dma_wait3A_398 = arith.constant 0 : i32
      %dma_wait3A_399 = tpu.memref_slice %arg2[%dma_wait3A_397, %dma_wait3A_398] : memref<100352x8xf32, #tpu.memory_space<hbm>> -> memref<100352x8xf32, #tpu.memory_space<hbm>>
      tpu.wait_indirect_dma semaphore(%arg10 : memref<!tpu.dma_semaphore, #tpu.memory_space<semaphore_mem>>) src(%dma_wait3A_399 : memref<100352x8xf32, #tpu.memory_space<hbm>>) dst(%dma_wait3A_393 : memref<125x8xf32, #tpu.memory_space<vmem>>)
      %dma_start3A_400 = arith.constant 0 : i32
      %dma_start3A_401 = arith.constant 0 : i32
      %dma_start3A_402 = arith.constant 0 : i32
      %dma_start3A_403 = arith.constant 0 : i32
      %dma_start3A_404 = tpu.memref_slice %arg8[%dma_start3A_400, %dma_start3A_402, %dma_start3A_403] : memref<16x125x8xf32, #tpu.memory_space<vmem>> -> memref<1x125x8xf32, #tpu.memory_space<vmem>>
      %dma_start3A_405 = tpu.memref_squeeze %dma_start3A_404 : memref<1x125x8xf32, #tpu.memory_space<vmem>> -> memref<125x8xf32, #tpu.memory_space<vmem>>
      %dma_start3A_406 = arith.constant 0 : i32
      %dma_start3A_407 = tpu.memref_slice %arg7[%dma_start3A_401, %dma_start3A_406] : memref<16x125xi32, #tpu.memory_space<vmem>> -> memref<1x125xi32, #tpu.memory_space<vmem>>
      %dma_start3A_408 = tpu.memref_squeeze %dma_start3A_407 : memref<1x125xi32, #tpu.memory_space<vmem>> -> memref<125xi32, #tpu.memory_space<vmem>>
      %dma_start3A_409 = arith.constant 0 : i32
      %dma_start3A_410 = arith.constant 0 : i32
      %dma_start3A_411 = tpu.memref_slice %arg9[%dma_start3A_409, %dma_start3A_410] : memref<100352x8xf32, #tpu.memory_space<vmem_shared>> -> memref<100352x8xf32, #tpu.memory_space<vmem_shared>>
      tpu.enqueue_indirect_dma source(%dma_start3A_405 : memref<125x8xf32, #tpu.memory_space<vmem>>) target(%dma_start3A_411 : memref<100352x8xf32, #tpu.memory_space<vmem_shared>>) offsets(%dma_start3A_408 : memref<125xi32, #tpu.memory_space<vmem>>) semaphore(%arg11 : memref<!tpu.dma_semaphore, #tpu.memory_space<semaphore_mem>>) {add = true}
      %dma_start3A_412 = arith.constant 1 : i32
      %dma_start3A_413 = arith.constant 1 : i32
      %dma_start3A_414 = arith.constant 0 : i32
      %dma_start3A_415 = arith.constant 0 : i32
      %dma_start3A_416 = tpu.memref_slice %arg8[%dma_start3A_412, %dma_start3A_414, %dma_start3A_415] : memref<16x125x8xf32, #tpu.memory_space<vmem>> -> memref<1x125x8xf32, #tpu.memory_space<vmem>>
      %dma_start3A_417 = tpu.memref_squeeze %dma_start3A_416 : memref<1x125x8xf32, #tpu.memory_space<vmem>> -> memref<125x8xf32, #tpu.memory_space<vmem>>
      %dma_start3A_418 = arith.constant 0 : i32
      %dma_start3A_419 = tpu.memref_slice %arg7[%dma_start3A_413, %dma_start3A_418] : memref<16x125xi32, #tpu.memory_space<vmem>> -> memref<1x125xi32, #tpu.memory_space<vmem>>
      %dma_start3A_420 = tpu.memref_squeeze %dma_start3A_419 : memref<1x125xi32, #tpu.memory_space<vmem>> -> memref<125xi32, #tpu.memory_space<vmem>>
      %dma_start3A_421 = arith.constant 0 : i32
      %dma_start3A_422 = arith.constant 0 : i32
      %dma_start3A_423 = tpu.memref_slice %arg9[%dma_start3A_421, %dma_start3A_422] : memref<100352x8xf32, #tpu.memory_space<vmem_shared>> -> memref<100352x8xf32, #tpu.memory_space<vmem_shared>>
      tpu.enqueue_indirect_dma source(%dma_start3A_417 : memref<125x8xf32, #tpu.memory_space<vmem>>) target(%dma_start3A_423 : memref<100352x8xf32, #tpu.memory_space<vmem_shared>>) offsets(%dma_start3A_420 : memref<125xi32, #tpu.memory_space<vmem>>) semaphore(%arg11 : memref<!tpu.dma_semaphore, #tpu.memory_space<semaphore_mem>>) {add = true}
      %dma_start3A_424 = arith.constant 2 : i32
      %dma_start3A_425 = arith.constant 2 : i32
      %dma_start3A_426 = arith.constant 0 : i32
      %dma_start3A_427 = arith.constant 0 : i32
      %dma_start3A_428 = tpu.memref_slice %arg8[%dma_start3A_424, %dma_start3A_426, %dma_start3A_427] : memref<16x125x8xf32, #tpu.memory_space<vmem>> -> memref<1x125x8xf32, #tpu.memory_space<vmem>>
      %dma_start3A_429 = tpu.memref_squeeze %dma_start3A_428 : memref<1x125x8xf32, #tpu.memory_space<vmem>> -> memref<125x8xf32, #tpu.memory_space<vmem>>
      %dma_start3A_430 = arith.constant 0 : i32
      %dma_start3A_431 = tpu.memref_slice %arg7[%dma_start3A_425, %dma_start3A_430] : memref<16x125xi32, #tpu.memory_space<vmem>> -> memref<1x125xi32, #tpu.memory_space<vmem>>
      %dma_start3A_432 = tpu.memref_squeeze %dma_start3A_431 : memref<1x125xi32, #tpu.memory_space<vmem>> -> memref<125xi32, #tpu.memory_space<vmem>>
      %dma_start3A_433 = arith.constant 0 : i32
      %dma_start3A_434 = arith.constant 0 : i32
      %dma_start3A_435 = tpu.memref_slice %arg9[%dma_start3A_433, %dma_start3A_434] : memref<100352x8xf32, #tpu.memory_space<vmem_shared>> -> memref<100352x8xf32, #tpu.memory_space<vmem_shared>>
      tpu.enqueue_indirect_dma source(%dma_start3A_429 : memref<125x8xf32, #tpu.memory_space<vmem>>) target(%dma_start3A_435 : memref<100352x8xf32, #tpu.memory_space<vmem_shared>>) offsets(%dma_start3A_432 : memref<125xi32, #tpu.memory_space<vmem>>) semaphore(%arg11 : memref<!tpu.dma_semaphore, #tpu.memory_space<semaphore_mem>>) {add = true}
      %dma_start3A_436 = arith.constant 3 : i32
      %dma_start3A_437 = arith.constant 3 : i32
      %dma_start3A_438 = arith.constant 0 : i32
      %dma_start3A_439 = arith.constant 0 : i32
      %dma_start3A_440 = tpu.memref_slice %arg8[%dma_start3A_436, %dma_start3A_438, %dma_start3A_439] : memref<16x125x8xf32, #tpu.memory_space<vmem>> -> memref<1x125x8xf32, #tpu.memory_space<vmem>>
      %dma_start3A_441 = tpu.memref_squeeze %dma_start3A_440 : memref<1x125x8xf32, #tpu.memory_space<vmem>> -> memref<125x8xf32, #tpu.memory_space<vmem>>
      %dma_start3A_442 = arith.constant 0 : i32
      %dma_start3A_443 = tpu.memref_slice %arg7[%dma_start3A_437, %dma_start3A_442] : memref<16x125xi32, #tpu.memory_space<vmem>> -> memref<1x125xi32, #tpu.memory_space<vmem>>
      %dma_start3A_444 = tpu.memref_squeeze %dma_start3A_443 : memref<1x125xi32, #tpu.memory_space<vmem>> -> memref<125xi32, #tpu.memory_space<vmem>>
      %dma_start3A_445 = arith.constant 0 : i32
      %dma_start3A_446 = arith.constant 0 : i32
      %dma_start3A_447 = tpu.memref_slice %arg9[%dma_start3A_445, %dma_start3A_446] : memref<100352x8xf32, #tpu.memory_space<vmem_shared>> -> memref<100352x8xf32, #tpu.memory_space<vmem_shared>>
      tpu.enqueue_indirect_dma source(%dma_start3A_441 : memref<125x8xf32, #tpu.memory_space<vmem>>) target(%dma_start3A_447 : memref<100352x8xf32, #tpu.memory_space<vmem_shared>>) offsets(%dma_start3A_444 : memref<125xi32, #tpu.memory_space<vmem>>) semaphore(%arg11 : memref<!tpu.dma_semaphore, #tpu.memory_space<semaphore_mem>>) {add = true}
      %dma_start3A_448 = arith.constant 4 : i32
      %dma_start3A_449 = arith.constant 4 : i32
      %dma_start3A_450 = arith.constant 0 : i32
      %dma_start3A_451 = arith.constant 0 : i32
      %dma_start3A_452 = tpu.memref_slice %arg8[%dma_start3A_448, %dma_start3A_450, %dma_start3A_451] : memref<16x125x8xf32, #tpu.memory_space<vmem>> -> memref<1x125x8xf32, #tpu.memory_space<vmem>>
      %dma_start3A_453 = tpu.memref_squeeze %dma_start3A_452 : memref<1x125x8xf32, #tpu.memory_space<vmem>> -> memref<125x8xf32, #tpu.memory_space<vmem>>
      %dma_start3A_454 = arith.constant 0 : i32
      %dma_start3A_455 = tpu.memref_slice %arg7[%dma_start3A_449, %dma_start3A_454] : memref<16x125xi32, #tpu.memory_space<vmem>> -> memref<1x125xi32, #tpu.memory_space<vmem>>
      %dma_start3A_456 = tpu.memref_squeeze %dma_start3A_455 : memref<1x125xi32, #tpu.memory_space<vmem>> -> memref<125xi32, #tpu.memory_space<vmem>>
      %dma_start3A_457 = arith.constant 0 : i32
      %dma_start3A_458 = arith.constant 0 : i32
      %dma_start3A_459 = tpu.memref_slice %arg9[%dma_start3A_457, %dma_start3A_458] : memref<100352x8xf32, #tpu.memory_space<vmem_shared>> -> memref<100352x8xf32, #tpu.memory_space<vmem_shared>>
      tpu.enqueue_indirect_dma source(%dma_start3A_453 : memref<125x8xf32, #tpu.memory_space<vmem>>) target(%dma_start3A_459 : memref<100352x8xf32, #tpu.memory_space<vmem_shared>>) offsets(%dma_start3A_456 : memref<125xi32, #tpu.memory_space<vmem>>) semaphore(%arg11 : memref<!tpu.dma_semaphore, #tpu.memory_space<semaphore_mem>>) {add = true}
      %dma_start3A_460 = arith.constant 5 : i32
      %dma_start3A_461 = arith.constant 5 : i32
      %dma_start3A_462 = arith.constant 0 : i32
      %dma_start3A_463 = arith.constant 0 : i32
      %dma_start3A_464 = tpu.memref_slice %arg8[%dma_start3A_460, %dma_start3A_462, %dma_start3A_463] : memref<16x125x8xf32, #tpu.memory_space<vmem>> -> memref<1x125x8xf32, #tpu.memory_space<vmem>>
      %dma_start3A_465 = tpu.memref_squeeze %dma_start3A_464 : memref<1x125x8xf32, #tpu.memory_space<vmem>> -> memref<125x8xf32, #tpu.memory_space<vmem>>
      %dma_start3A_466 = arith.constant 0 : i32
      %dma_start3A_467 = tpu.memref_slice %arg7[%dma_start3A_461, %dma_start3A_466] : memref<16x125xi32, #tpu.memory_space<vmem>> -> memref<1x125xi32, #tpu.memory_space<vmem>>
      %dma_start3A_468 = tpu.memref_squeeze %dma_start3A_467 : memref<1x125xi32, #tpu.memory_space<vmem>> -> memref<125xi32, #tpu.memory_space<vmem>>
      %dma_start3A_469 = arith.constant 0 : i32
      %dma_start3A_470 = arith.constant 0 : i32
      %dma_start3A_471 = tpu.memref_slice %arg9[%dma_start3A_469, %dma_start3A_470] : memref<100352x8xf32, #tpu.memory_space<vmem_shared>> -> memref<100352x8xf32, #tpu.memory_space<vmem_shared>>
      tpu.enqueue_indirect_dma source(%dma_start3A_465 : memref<125x8xf32, #tpu.memory_space<vmem>>) target(%dma_start3A_471 : memref<100352x8xf32, #tpu.memory_space<vmem_shared>>) offsets(%dma_start3A_468 : memref<125xi32, #tpu.memory_space<vmem>>) semaphore(%arg11 : memref<!tpu.dma_semaphore, #tpu.memory_space<semaphore_mem>>) {add = true}
      %dma_start3A_472 = arith.constant 6 : i32
      %dma_start3A_473 = arith.constant 6 : i32
      %dma_start3A_474 = arith.constant 0 : i32
      %dma_start3A_475 = arith.constant 0 : i32
      %dma_start3A_476 = tpu.memref_slice %arg8[%dma_start3A_472, %dma_start3A_474, %dma_start3A_475] : memref<16x125x8xf32, #tpu.memory_space<vmem>> -> memref<1x125x8xf32, #tpu.memory_space<vmem>>
      %dma_start3A_477 = tpu.memref_squeeze %dma_start3A_476 : memref<1x125x8xf32, #tpu.memory_space<vmem>> -> memref<125x8xf32, #tpu.memory_space<vmem>>
      %dma_start3A_478 = arith.constant 0 : i32
      %dma_start3A_479 = tpu.memref_slice %arg7[%dma_start3A_473, %dma_start3A_478] : memref<16x125xi32, #tpu.memory_space<vmem>> -> memref<1x125xi32, #tpu.memory_space<vmem>>
      %dma_start3A_480 = tpu.memref_squeeze %dma_start3A_479 : memref<1x125xi32, #tpu.memory_space<vmem>> -> memref<125xi32, #tpu.memory_space<vmem>>
      %dma_start3A_481 = arith.constant 0 : i32
      %dma_start3A_482 = arith.constant 0 : i32
      %dma_start3A_483 = tpu.memref_slice %arg9[%dma_start3A_481, %dma_start3A_482] : memref<100352x8xf32, #tpu.memory_space<vmem_shared>> -> memref<100352x8xf32, #tpu.memory_space<vmem_shared>>
      tpu.enqueue_indirect_dma source(%dma_start3A_477 : memref<125x8xf32, #tpu.memory_space<vmem>>) target(%dma_start3A_483 : memref<100352x8xf32, #tpu.memory_space<vmem_shared>>) offsets(%dma_start3A_480 : memref<125xi32, #tpu.memory_space<vmem>>) semaphore(%arg11 : memref<!tpu.dma_semaphore, #tpu.memory_space<semaphore_mem>>) {add = true}
      %dma_start3A_484 = arith.constant 7 : i32
      %dma_start3A_485 = arith.constant 7 : i32
      %dma_start3A_486 = arith.constant 0 : i32
      %dma_start3A_487 = arith.constant 0 : i32
      %dma_start3A_488 = tpu.memref_slice %arg8[%dma_start3A_484, %dma_start3A_486, %dma_start3A_487] : memref<16x125x8xf32, #tpu.memory_space<vmem>> -> memref<1x125x8xf32, #tpu.memory_space<vmem>>
      %dma_start3A_489 = tpu.memref_squeeze %dma_start3A_488 : memref<1x125x8xf32, #tpu.memory_space<vmem>> -> memref<125x8xf32, #tpu.memory_space<vmem>>
      %dma_start3A_490 = arith.constant 0 : i32
      %dma_start3A_491 = tpu.memref_slice %arg7[%dma_start3A_485, %dma_start3A_490] : memref<16x125xi32, #tpu.memory_space<vmem>> -> memref<1x125xi32, #tpu.memory_space<vmem>>
      %dma_start3A_492 = tpu.memref_squeeze %dma_start3A_491 : memref<1x125xi32, #tpu.memory_space<vmem>> -> memref<125xi32, #tpu.memory_space<vmem>>
      %dma_start3A_493 = arith.constant 0 : i32
      %dma_start3A_494 = arith.constant 0 : i32
      %dma_start3A_495 = tpu.memref_slice %arg9[%dma_start3A_493, %dma_start3A_494] : memref<100352x8xf32, #tpu.memory_space<vmem_shared>> -> memref<100352x8xf32, #tpu.memory_space<vmem_shared>>
      tpu.enqueue_indirect_dma source(%dma_start3A_489 : memref<125x8xf32, #tpu.memory_space<vmem>>) target(%dma_start3A_495 : memref<100352x8xf32, #tpu.memory_space<vmem_shared>>) offsets(%dma_start3A_492 : memref<125xi32, #tpu.memory_space<vmem>>) semaphore(%arg11 : memref<!tpu.dma_semaphore, #tpu.memory_space<semaphore_mem>>) {add = true}
      %dma_start3A_496 = arith.constant 8 : i32
      %dma_start3A_497 = arith.constant 8 : i32
      %dma_start3A_498 = arith.constant 0 : i32
      %dma_start3A_499 = arith.constant 0 : i32
      %dma_start3A_500 = tpu.memref_slice %arg8[%dma_start3A_496, %dma_start3A_498, %dma_start3A_499] : memref<16x125x8xf32, #tpu.memory_space<vmem>> -> memref<1x125x8xf32, #tpu.memory_space<vmem>>
      %dma_start3A_501 = tpu.memref_squeeze %dma_start3A_500 : memref<1x125x8xf32, #tpu.memory_space<vmem>> -> memref<125x8xf32, #tpu.memory_space<vmem>>
      %dma_start3A_502 = arith.constant 0 : i32
      %dma_start3A_503 = tpu.memref_slice %arg7[%dma_start3A_497, %dma_start3A_502] : memref<16x125xi32, #tpu.memory_space<vmem>> -> memref<1x125xi32, #tpu.memory_space<vmem>>
      %dma_start3A_504 = tpu.memref_squeeze %dma_start3A_503 : memref<1x125xi32, #tpu.memory_space<vmem>> -> memref<125xi32, #tpu.memory_space<vmem>>
      %dma_start3A_505 = arith.constant 0 : i32
      %dma_start3A_506 = arith.constant 0 : i32
      %dma_start3A_507 = tpu.memref_slice %arg9[%dma_start3A_505, %dma_start3A_506] : memref<100352x8xf32, #tpu.memory_space<vmem_shared>> -> memref<100352x8xf32, #tpu.memory_space<vmem_shared>>
      tpu.enqueue_indirect_dma source(%dma_start3A_501 : memref<125x8xf32, #tpu.memory_space<vmem>>) target(%dma_start3A_507 : memref<100352x8xf32, #tpu.memory_space<vmem_shared>>) offsets(%dma_start3A_504 : memref<125xi32, #tpu.memory_space<vmem>>) semaphore(%arg11 : memref<!tpu.dma_semaphore, #tpu.memory_space<semaphore_mem>>) {add = true}
      %dma_start3A_508 = arith.constant 9 : i32
      %dma_start3A_509 = arith.constant 9 : i32
      %dma_start3A_510 = arith.constant 0 : i32
      %dma_start3A_511 = arith.constant 0 : i32
      %dma_start3A_512 = tpu.memref_slice %arg8[%dma_start3A_508, %dma_start3A_510, %dma_start3A_511] : memref<16x125x8xf32, #tpu.memory_space<vmem>> -> memref<1x125x8xf32, #tpu.memory_space<vmem>>
      %dma_start3A_513 = tpu.memref_squeeze %dma_start3A_512 : memref<1x125x8xf32, #tpu.memory_space<vmem>> -> memref<125x8xf32, #tpu.memory_space<vmem>>
      %dma_start3A_514 = arith.constant 0 : i32
      %dma_start3A_515 = tpu.memref_slice %arg7[%dma_start3A_509, %dma_start3A_514] : memref<16x125xi32, #tpu.memory_space<vmem>> -> memref<1x125xi32, #tpu.memory_space<vmem>>
      %dma_start3A_516 = tpu.memref_squeeze %dma_start3A_515 : memref<1x125xi32, #tpu.memory_space<vmem>> -> memref<125xi32, #tpu.memory_space<vmem>>
      %dma_start3A_517 = arith.constant 0 : i32
      %dma_start3A_518 = arith.constant 0 : i32
      %dma_start3A_519 = tpu.memref_slice %arg9[%dma_start3A_517, %dma_start3A_518] : memref<100352x8xf32, #tpu.memory_space<vmem_shared>> -> memref<100352x8xf32, #tpu.memory_space<vmem_shared>>
      tpu.enqueue_indirect_dma source(%dma_start3A_513 : memref<125x8xf32, #tpu.memory_space<vmem>>) target(%dma_start3A_519 : memref<100352x8xf32, #tpu.memory_space<vmem_shared>>) offsets(%dma_start3A_516 : memref<125xi32, #tpu.memory_space<vmem>>) semaphore(%arg11 : memref<!tpu.dma_semaphore, #tpu.memory_space<semaphore_mem>>) {add = true}
      %dma_start3A_520 = arith.constant 10 : i32
      %dma_start3A_521 = arith.constant 10 : i32
      %dma_start3A_522 = arith.constant 0 : i32
      %dma_start3A_523 = arith.constant 0 : i32
      %dma_start3A_524 = tpu.memref_slice %arg8[%dma_start3A_520, %dma_start3A_522, %dma_start3A_523] : memref<16x125x8xf32, #tpu.memory_space<vmem>> -> memref<1x125x8xf32, #tpu.memory_space<vmem>>
      %dma_start3A_525 = tpu.memref_squeeze %dma_start3A_524 : memref<1x125x8xf32, #tpu.memory_space<vmem>> -> memref<125x8xf32, #tpu.memory_space<vmem>>
      %dma_start3A_526 = arith.constant 0 : i32
      %dma_start3A_527 = tpu.memref_slice %arg7[%dma_start3A_521, %dma_start3A_526] : memref<16x125xi32, #tpu.memory_space<vmem>> -> memref<1x125xi32, #tpu.memory_space<vmem>>
      %dma_start3A_528 = tpu.memref_squeeze %dma_start3A_527 : memref<1x125xi32, #tpu.memory_space<vmem>> -> memref<125xi32, #tpu.memory_space<vmem>>
      %dma_start3A_529 = arith.constant 0 : i32
      %dma_start3A_530 = arith.constant 0 : i32
      %dma_start3A_531 = tpu.memref_slice %arg9[%dma_start3A_529, %dma_start3A_530] : memref<100352x8xf32, #tpu.memory_space<vmem_shared>> -> memref<100352x8xf32, #tpu.memory_space<vmem_shared>>
      tpu.enqueue_indirect_dma source(%dma_start3A_525 : memref<125x8xf32, #tpu.memory_space<vmem>>) target(%dma_start3A_531 : memref<100352x8xf32, #tpu.memory_space<vmem_shared>>) offsets(%dma_start3A_528 : memref<125xi32, #tpu.memory_space<vmem>>) semaphore(%arg11 : memref<!tpu.dma_semaphore, #tpu.memory_space<semaphore_mem>>) {add = true}
      %dma_start3A_532 = arith.constant 11 : i32
      %dma_start3A_533 = arith.constant 11 : i32
      %dma_start3A_534 = arith.constant 0 : i32
      %dma_start3A_535 = arith.constant 0 : i32
      %dma_start3A_536 = tpu.memref_slice %arg8[%dma_start3A_532, %dma_start3A_534, %dma_start3A_535] : memref<16x125x8xf32, #tpu.memory_space<vmem>> -> memref<1x125x8xf32, #tpu.memory_space<vmem>>
      %dma_start3A_537 = tpu.memref_squeeze %dma_start3A_536 : memref<1x125x8xf32, #tpu.memory_space<vmem>> -> memref<125x8xf32, #tpu.memory_space<vmem>>
      %dma_start3A_538 = arith.constant 0 : i32
      %dma_start3A_539 = tpu.memref_slice %arg7[%dma_start3A_533, %dma_start3A_538] : memref<16x125xi32, #tpu.memory_space<vmem>> -> memref<1x125xi32, #tpu.memory_space<vmem>>
      %dma_start3A_540 = tpu.memref_squeeze %dma_start3A_539 : memref<1x125xi32, #tpu.memory_space<vmem>> -> memref<125xi32, #tpu.memory_space<vmem>>
      %dma_start3A_541 = arith.constant 0 : i32
      %dma_start3A_542 = arith.constant 0 : i32
      %dma_start3A_543 = tpu.memref_slice %arg9[%dma_start3A_541, %dma_start3A_542] : memref<100352x8xf32, #tpu.memory_space<vmem_shared>> -> memref<100352x8xf32, #tpu.memory_space<vmem_shared>>
      tpu.enqueue_indirect_dma source(%dma_start3A_537 : memref<125x8xf32, #tpu.memory_space<vmem>>) target(%dma_start3A_543 : memref<100352x8xf32, #tpu.memory_space<vmem_shared>>) offsets(%dma_start3A_540 : memref<125xi32, #tpu.memory_space<vmem>>) semaphore(%arg11 : memref<!tpu.dma_semaphore, #tpu.memory_space<semaphore_mem>>) {add = true}
      %dma_start3A_544 = arith.constant 12 : i32
      %dma_start3A_545 = arith.constant 12 : i32
      %dma_start3A_546 = arith.constant 0 : i32
      %dma_start3A_547 = arith.constant 0 : i32
      %dma_start3A_548 = tpu.memref_slice %arg8[%dma_start3A_544, %dma_start3A_546, %dma_start3A_547] : memref<16x125x8xf32, #tpu.memory_space<vmem>> -> memref<1x125x8xf32, #tpu.memory_space<vmem>>
      %dma_start3A_549 = tpu.memref_squeeze %dma_start3A_548 : memref<1x125x8xf32, #tpu.memory_space<vmem>> -> memref<125x8xf32, #tpu.memory_space<vmem>>
      %dma_start3A_550 = arith.constant 0 : i32
      %dma_start3A_551 = tpu.memref_slice %arg7[%dma_start3A_545, %dma_start3A_550] : memref<16x125xi32, #tpu.memory_space<vmem>> -> memref<1x125xi32, #tpu.memory_space<vmem>>
      %dma_start3A_552 = tpu.memref_squeeze %dma_start3A_551 : memref<1x125xi32, #tpu.memory_space<vmem>> -> memref<125xi32, #tpu.memory_space<vmem>>
      %dma_start3A_553 = arith.constant 0 : i32
      %dma_start3A_554 = arith.constant 0 : i32
      %dma_start3A_555 = tpu.memref_slice %arg9[%dma_start3A_553, %dma_start3A_554] : memref<100352x8xf32, #tpu.memory_space<vmem_shared>> -> memref<100352x8xf32, #tpu.memory_space<vmem_shared>>
      tpu.enqueue_indirect_dma source(%dma_start3A_549 : memref<125x8xf32, #tpu.memory_space<vmem>>) target(%dma_start3A_555 : memref<100352x8xf32, #tpu.memory_space<vmem_shared>>) offsets(%dma_start3A_552 : memref<125xi32, #tpu.memory_space<vmem>>) semaphore(%arg11 : memref<!tpu.dma_semaphore, #tpu.memory_space<semaphore_mem>>) {add = true}
      %dma_start3A_556 = arith.constant 13 : i32
      %dma_start3A_557 = arith.constant 13 : i32
      %dma_start3A_558 = arith.constant 0 : i32
      %dma_start3A_559 = arith.constant 0 : i32
      %dma_start3A_560 = tpu.memref_slice %arg8[%dma_start3A_556, %dma_start3A_558, %dma_start3A_559] : memref<16x125x8xf32, #tpu.memory_space<vmem>> -> memref<1x125x8xf32, #tpu.memory_space<vmem>>
      %dma_start3A_561 = tpu.memref_squeeze %dma_start3A_560 : memref<1x125x8xf32, #tpu.memory_space<vmem>> -> memref<125x8xf32, #tpu.memory_space<vmem>>
      %dma_start3A_562 = arith.constant 0 : i32
      %dma_start3A_563 = tpu.memref_slice %arg7[%dma_start3A_557, %dma_start3A_562] : memref<16x125xi32, #tpu.memory_space<vmem>> -> memref<1x125xi32, #tpu.memory_space<vmem>>
      %dma_start3A_564 = tpu.memref_squeeze %dma_start3A_563 : memref<1x125xi32, #tpu.memory_space<vmem>> -> memref<125xi32, #tpu.memory_space<vmem>>
      %dma_start3A_565 = arith.constant 0 : i32
      %dma_start3A_566 = arith.constant 0 : i32
      %dma_start3A_567 = tpu.memref_slice %arg9[%dma_start3A_565, %dma_start3A_566] : memref<100352x8xf32, #tpu.memory_space<vmem_shared>> -> memref<100352x8xf32, #tpu.memory_space<vmem_shared>>
      tpu.enqueue_indirect_dma source(%dma_start3A_561 : memref<125x8xf32, #tpu.memory_space<vmem>>) target(%dma_start3A_567 : memref<100352x8xf32, #tpu.memory_space<vmem_shared>>) offsets(%dma_start3A_564 : memref<125xi32, #tpu.memory_space<vmem>>) semaphore(%arg11 : memref<!tpu.dma_semaphore, #tpu.memory_space<semaphore_mem>>) {add = true}
      %dma_start3A_568 = arith.constant 14 : i32
      %dma_start3A_569 = arith.constant 14 : i32
      %dma_start3A_570 = arith.constant 0 : i32
      %dma_start3A_571 = arith.constant 0 : i32
      %dma_start3A_572 = tpu.memref_slice %arg8[%dma_start3A_568, %dma_start3A_570, %dma_start3A_571] : memref<16x125x8xf32, #tpu.memory_space<vmem>> -> memref<1x125x8xf32, #tpu.memory_space<vmem>>
      %dma_start3A_573 = tpu.memref_squeeze %dma_start3A_572 : memref<1x125x8xf32, #tpu.memory_space<vmem>> -> memref<125x8xf32, #tpu.memory_space<vmem>>
      %dma_start3A_574 = arith.constant 0 : i32
      %dma_start3A_575 = tpu.memref_slice %arg7[%dma_start3A_569, %dma_start3A_574] : memref<16x125xi32, #tpu.memory_space<vmem>> -> memref<1x125xi32, #tpu.memory_space<vmem>>
      %dma_start3A_576 = tpu.memref_squeeze %dma_start3A_575 : memref<1x125xi32, #tpu.memory_space<vmem>> -> memref<125xi32, #tpu.memory_space<vmem>>
      %dma_start3A_577 = arith.constant 0 : i32
      %dma_start3A_578 = arith.constant 0 : i32
      %dma_start3A_579 = tpu.memref_slice %arg9[%dma_start3A_577, %dma_start3A_578] : memref<100352x8xf32, #tpu.memory_space<vmem_shared>> -> memref<100352x8xf32, #tpu.memory_space<vmem_shared>>
      tpu.enqueue_indirect_dma source(%dma_start3A_573 : memref<125x8xf32, #tpu.memory_space<vmem>>) target(%dma_start3A_579 : memref<100352x8xf32, #tpu.memory_space<vmem_shared>>) offsets(%dma_start3A_576 : memref<125xi32, #tpu.memory_space<vmem>>) semaphore(%arg11 : memref<!tpu.dma_semaphore, #tpu.memory_space<semaphore_mem>>) {add = true}
      %dma_start3A_580 = arith.constant 15 : i32
      %dma_start3A_581 = arith.constant 15 : i32
      %dma_start3A_582 = arith.constant 0 : i32
      %dma_start3A_583 = arith.constant 0 : i32
      %dma_start3A_584 = tpu.memref_slice %arg8[%dma_start3A_580, %dma_start3A_582, %dma_start3A_583] : memref<16x125x8xf32, #tpu.memory_space<vmem>> -> memref<1x125x8xf32, #tpu.memory_space<vmem>>
      %dma_start3A_585 = tpu.memref_squeeze %dma_start3A_584 : memref<1x125x8xf32, #tpu.memory_space<vmem>> -> memref<125x8xf32, #tpu.memory_space<vmem>>
      %dma_start3A_586 = arith.constant 0 : i32
      %dma_start3A_587 = tpu.memref_slice %arg7[%dma_start3A_581, %dma_start3A_586] : memref<16x125xi32, #tpu.memory_space<vmem>> -> memref<1x125xi32, #tpu.memory_space<vmem>>
      %dma_start3A_588 = tpu.memref_squeeze %dma_start3A_587 : memref<1x125xi32, #tpu.memory_space<vmem>> -> memref<125xi32, #tpu.memory_space<vmem>>
      %dma_start3A_589 = arith.constant 0 : i32
      %dma_start3A_590 = arith.constant 0 : i32
      %dma_start3A_591 = tpu.memref_slice %arg9[%dma_start3A_589, %dma_start3A_590] : memref<100352x8xf32, #tpu.memory_space<vmem_shared>> -> memref<100352x8xf32, #tpu.memory_space<vmem_shared>>
      tpu.enqueue_indirect_dma source(%dma_start3A_585 : memref<125x8xf32, #tpu.memory_space<vmem>>) target(%dma_start3A_591 : memref<100352x8xf32, #tpu.memory_space<vmem_shared>>) offsets(%dma_start3A_588 : memref<125xi32, #tpu.memory_space<vmem>>) semaphore(%arg11 : memref<!tpu.dma_semaphore, #tpu.memory_space<semaphore_mem>>) {add = true}
      %dma_wait3A_592 = arith.constant 0 : i32
      %dma_wait3A_593 = arith.constant 0 : i32
      %dma_wait3A_594 = arith.constant 0 : i32
      %dma_wait3A_595 = arith.constant 0 : i32
      %dma_wait3A_596 = tpu.memref_slice %arg8[%dma_wait3A_592, %dma_wait3A_594, %dma_wait3A_595] : memref<16x125x8xf32, #tpu.memory_space<vmem>> -> memref<1x125x8xf32, #tpu.memory_space<vmem>>
      %dma_wait3A_597 = tpu.memref_squeeze %dma_wait3A_596 : memref<1x125x8xf32, #tpu.memory_space<vmem>> -> memref<125x8xf32, #tpu.memory_space<vmem>>
      %dma_wait3A_598 = arith.constant 0 : i32
      %dma_wait3A_599 = tpu.memref_slice %arg7[%dma_wait3A_593, %dma_wait3A_598] : memref<16x125xi32, #tpu.memory_space<vmem>> -> memref<1x125xi32, #tpu.memory_space<vmem>>
      %dma_wait3A_600 = tpu.memref_squeeze %dma_wait3A_599 : memref<1x125xi32, #tpu.memory_space<vmem>> -> memref<125xi32, #tpu.memory_space<vmem>>
      %dma_wait3A_601 = arith.constant 0 : i32
      %dma_wait3A_602 = arith.constant 0 : i32
      %dma_wait3A_603 = tpu.memref_slice %arg9[%dma_wait3A_601, %dma_wait3A_602] : memref<100352x8xf32, #tpu.memory_space<vmem_shared>> -> memref<100352x8xf32, #tpu.memory_space<vmem_shared>>
      tpu.wait_indirect_dma semaphore(%arg11 : memref<!tpu.dma_semaphore, #tpu.memory_space<semaphore_mem>>) src(%dma_wait3A_597 : memref<125x8xf32, #tpu.memory_space<vmem>>) dst(%dma_wait3A_603 : memref<100352x8xf32, #tpu.memory_space<vmem_shared>>)
      %dma_wait3A_604 = arith.constant 1 : i32
      %dma_wait3A_605 = arith.constant 1 : i32
      %dma_wait3A_606 = arith.constant 0 : i32
      %dma_wait3A_607 = arith.constant 0 : i32
      %dma_wait3A_608 = tpu.memref_slice %arg8[%dma_wait3A_604, %dma_wait3A_606, %dma_wait3A_607] : memref<16x125x8xf32, #tpu.memory_space<vmem>> -> memref<1x125x8xf32, #tpu.memory_space<vmem>>
      %dma_wait3A_609 = tpu.memref_squeeze %dma_wait3A_608 : memref<1x125x8xf32, #tpu.memory_space<vmem>> -> memref<125x8xf32, #tpu.memory_space<vmem>>
      %dma_wait3A_610 = arith.constant 0 : i32
      %dma_wait3A_611 = tpu.memref_slice %arg7[%dma_wait3A_605, %dma_wait3A_610] : memref<16x125xi32, #tpu.memory_space<vmem>> -> memref<1x125xi32, #tpu.memory_space<vmem>>
      %dma_wait3A_612 = tpu.memref_squeeze %dma_wait3A_611 : memref<1x125xi32, #tpu.memory_space<vmem>> -> memref<125xi32, #tpu.memory_space<vmem>>
      %dma_wait3A_613 = arith.constant 0 : i32
      %dma_wait3A_614 = arith.constant 0 : i32
      %dma_wait3A_615 = tpu.memref_slice %arg9[%dma_wait3A_613, %dma_wait3A_614] : memref<100352x8xf32, #tpu.memory_space<vmem_shared>> -> memref<100352x8xf32, #tpu.memory_space<vmem_shared>>
      tpu.wait_indirect_dma semaphore(%arg11 : memref<!tpu.dma_semaphore, #tpu.memory_space<semaphore_mem>>) src(%dma_wait3A_609 : memref<125x8xf32, #tpu.memory_space<vmem>>) dst(%dma_wait3A_615 : memref<100352x8xf32, #tpu.memory_space<vmem_shared>>)
      %dma_wait3A_616 = arith.constant 2 : i32
      %dma_wait3A_617 = arith.constant 2 : i32
      %dma_wait3A_618 = arith.constant 0 : i32
      %dma_wait3A_619 = arith.constant 0 : i32
      %dma_wait3A_620 = tpu.memref_slice %arg8[%dma_wait3A_616, %dma_wait3A_618, %dma_wait3A_619] : memref<16x125x8xf32, #tpu.memory_space<vmem>> -> memref<1x125x8xf32, #tpu.memory_space<vmem>>
      %dma_wait3A_621 = tpu.memref_squeeze %dma_wait3A_620 : memref<1x125x8xf32, #tpu.memory_space<vmem>> -> memref<125x8xf32, #tpu.memory_space<vmem>>
      %dma_wait3A_622 = arith.constant 0 : i32
      %dma_wait3A_623 = tpu.memref_slice %arg7[%dma_wait3A_617, %dma_wait3A_622] : memref<16x125xi32, #tpu.memory_space<vmem>> -> memref<1x125xi32, #tpu.memory_space<vmem>>
      %dma_wait3A_624 = tpu.memref_squeeze %dma_wait3A_623 : memref<1x125xi32, #tpu.memory_space<vmem>> -> memref<125xi32, #tpu.memory_space<vmem>>
      %dma_wait3A_625 = arith.constant 0 : i32
      %dma_wait3A_626 = arith.constant 0 : i32
      %dma_wait3A_627 = tpu.memref_slice %arg9[%dma_wait3A_625, %dma_wait3A_626] : memref<100352x8xf32, #tpu.memory_space<vmem_shared>> -> memref<100352x8xf32, #tpu.memory_space<vmem_shared>>
      tpu.wait_indirect_dma semaphore(%arg11 : memref<!tpu.dma_semaphore, #tpu.memory_space<semaphore_mem>>) src(%dma_wait3A_621 : memref<125x8xf32, #tpu.memory_space<vmem>>) dst(%dma_wait3A_627 : memref<100352x8xf32, #tpu.memory_space<vmem_shared>>)
      %dma_wait3A_628 = arith.constant 3 : i32
      %dma_wait3A_629 = arith.constant 3 : i32
      %dma_wait3A_630 = arith.constant 0 : i32
      %dma_wait3A_631 = arith.constant 0 : i32
      %dma_wait3A_632 = tpu.memref_slice %arg8[%dma_wait3A_628, %dma_wait3A_630, %dma_wait3A_631] : memref<16x125x8xf32, #tpu.memory_space<vmem>> -> memref<1x125x8xf32, #tpu.memory_space<vmem>>
      %dma_wait3A_633 = tpu.memref_squeeze %dma_wait3A_632 : memref<1x125x8xf32, #tpu.memory_space<vmem>> -> memref<125x8xf32, #tpu.memory_space<vmem>>
      %dma_wait3A_634 = arith.constant 0 : i32
      %dma_wait3A_635 = tpu.memref_slice %arg7[%dma_wait3A_629, %dma_wait3A_634] : memref<16x125xi32, #tpu.memory_space<vmem>> -> memref<1x125xi32, #tpu.memory_space<vmem>>
      %dma_wait3A_636 = tpu.memref_squeeze %dma_wait3A_635 : memref<1x125xi32, #tpu.memory_space<vmem>> -> memref<125xi32, #tpu.memory_space<vmem>>
      %dma_wait3A_637 = arith.constant 0 : i32
      %dma_wait3A_638 = arith.constant 0 : i32
      %dma_wait3A_639 = tpu.memref_slice %arg9[%dma_wait3A_637, %dma_wait3A_638] : memref<100352x8xf32, #tpu.memory_space<vmem_shared>> -> memref<100352x8xf32, #tpu.memory_space<vmem_shared>>
      tpu.wait_indirect_dma semaphore(%arg11 : memref<!tpu.dma_semaphore, #tpu.memory_space<semaphore_mem>>) src(%dma_wait3A_633 : memref<125x8xf32, #tpu.memory_space<vmem>>) dst(%dma_wait3A_639 : memref<100352x8xf32, #tpu.memory_space<vmem_shared>>)
      %dma_wait3A_640 = arith.constant 4 : i32
      %dma_wait3A_641 = arith.constant 4 : i32
      %dma_wait3A_642 = arith.constant 0 : i32
      %dma_wait3A_643 = arith.constant 0 : i32
      %dma_wait3A_644 = tpu.memref_slice %arg8[%dma_wait3A_640, %dma_wait3A_642, %dma_wait3A_643] : memref<16x125x8xf32, #tpu.memory_space<vmem>> -> memref<1x125x8xf32, #tpu.memory_space<vmem>>
      %dma_wait3A_645 = tpu.memref_squeeze %dma_wait3A_644 : memref<1x125x8xf32, #tpu.memory_space<vmem>> -> memref<125x8xf32, #tpu.memory_space<vmem>>
      %dma_wait3A_646 = arith.constant 0 : i32
      %dma_wait3A_647 = tpu.memref_slice %arg7[%dma_wait3A_641, %dma_wait3A_646] : memref<16x125xi32, #tpu.memory_space<vmem>> -> memref<1x125xi32, #tpu.memory_space<vmem>>
      %dma_wait3A_648 = tpu.memref_squeeze %dma_wait3A_647 : memref<1x125xi32, #tpu.memory_space<vmem>> -> memref<125xi32, #tpu.memory_space<vmem>>
      %dma_wait3A_649 = arith.constant 0 : i32
      %dma_wait3A_650 = arith.constant 0 : i32
      %dma_wait3A_651 = tpu.memref_slice %arg9[%dma_wait3A_649, %dma_wait3A_650] : memref<100352x8xf32, #tpu.memory_space<vmem_shared>> -> memref<100352x8xf32, #tpu.memory_space<vmem_shared>>
      tpu.wait_indirect_dma semaphore(%arg11 : memref<!tpu.dma_semaphore, #tpu.memory_space<semaphore_mem>>) src(%dma_wait3A_645 : memref<125x8xf32, #tpu.memory_space<vmem>>) dst(%dma_wait3A_651 : memref<100352x8xf32, #tpu.memory_space<vmem_shared>>)
      %dma_wait3A_652 = arith.constant 5 : i32
      %dma_wait3A_653 = arith.constant 5 : i32
      %dma_wait3A_654 = arith.constant 0 : i32
      %dma_wait3A_655 = arith.constant 0 : i32
      %dma_wait3A_656 = tpu.memref_slice %arg8[%dma_wait3A_652, %dma_wait3A_654, %dma_wait3A_655] : memref<16x125x8xf32, #tpu.memory_space<vmem>> -> memref<1x125x8xf32, #tpu.memory_space<vmem>>
      %dma_wait3A_657 = tpu.memref_squeeze %dma_wait3A_656 : memref<1x125x8xf32, #tpu.memory_space<vmem>> -> memref<125x8xf32, #tpu.memory_space<vmem>>
      %dma_wait3A_658 = arith.constant 0 : i32
      %dma_wait3A_659 = tpu.memref_slice %arg7[%dma_wait3A_653, %dma_wait3A_658] : memref<16x125xi32, #tpu.memory_space<vmem>> -> memref<1x125xi32, #tpu.memory_space<vmem>>
      %dma_wait3A_660 = tpu.memref_squeeze %dma_wait3A_659 : memref<1x125xi32, #tpu.memory_space<vmem>> -> memref<125xi32, #tpu.memory_space<vmem>>
      %dma_wait3A_661 = arith.constant 0 : i32
      %dma_wait3A_662 = arith.constant 0 : i32
      %dma_wait3A_663 = tpu.memref_slice %arg9[%dma_wait3A_661, %dma_wait3A_662] : memref<100352x8xf32, #tpu.memory_space<vmem_shared>> -> memref<100352x8xf32, #tpu.memory_space<vmem_shared>>
      tpu.wait_indirect_dma semaphore(%arg11 : memref<!tpu.dma_semaphore, #tpu.memory_space<semaphore_mem>>) src(%dma_wait3A_657 : memref<125x8xf32, #tpu.memory_space<vmem>>) dst(%dma_wait3A_663 : memref<100352x8xf32, #tpu.memory_space<vmem_shared>>)
      %dma_wait3A_664 = arith.constant 6 : i32
      %dma_wait3A_665 = arith.constant 6 : i32
      %dma_wait3A_666 = arith.constant 0 : i32
      %dma_wait3A_667 = arith.constant 0 : i32
      %dma_wait3A_668 = tpu.memref_slice %arg8[%dma_wait3A_664, %dma_wait3A_666, %dma_wait3A_667] : memref<16x125x8xf32, #tpu.memory_space<vmem>> -> memref<1x125x8xf32, #tpu.memory_space<vmem>>
      %dma_wait3A_669 = tpu.memref_squeeze %dma_wait3A_668 : memref<1x125x8xf32, #tpu.memory_space<vmem>> -> memref<125x8xf32, #tpu.memory_space<vmem>>
      %dma_wait3A_670 = arith.constant 0 : i32
      %dma_wait3A_671 = tpu.memref_slice %arg7[%dma_wait3A_665, %dma_wait3A_670] : memref<16x125xi32, #tpu.memory_space<vmem>> -> memref<1x125xi32, #tpu.memory_space<vmem>>
      %dma_wait3A_672 = tpu.memref_squeeze %dma_wait3A_671 : memref<1x125xi32, #tpu.memory_space<vmem>> -> memref<125xi32, #tpu.memory_space<vmem>>
      %dma_wait3A_673 = arith.constant 0 : i32
      %dma_wait3A_674 = arith.constant 0 : i32
      %dma_wait3A_675 = tpu.memref_slice %arg9[%dma_wait3A_673, %dma_wait3A_674] : memref<100352x8xf32, #tpu.memory_space<vmem_shared>> -> memref<100352x8xf32, #tpu.memory_space<vmem_shared>>
      tpu.wait_indirect_dma semaphore(%arg11 : memref<!tpu.dma_semaphore, #tpu.memory_space<semaphore_mem>>) src(%dma_wait3A_669 : memref<125x8xf32, #tpu.memory_space<vmem>>) dst(%dma_wait3A_675 : memref<100352x8xf32, #tpu.memory_space<vmem_shared>>)
      %dma_wait3A_676 = arith.constant 7 : i32
      %dma_wait3A_677 = arith.constant 7 : i32
      %dma_wait3A_678 = arith.constant 0 : i32
      %dma_wait3A_679 = arith.constant 0 : i32
      %dma_wait3A_680 = tpu.memref_slice %arg8[%dma_wait3A_676, %dma_wait3A_678, %dma_wait3A_679] : memref<16x125x8xf32, #tpu.memory_space<vmem>> -> memref<1x125x8xf32, #tpu.memory_space<vmem>>
      %dma_wait3A_681 = tpu.memref_squeeze %dma_wait3A_680 : memref<1x125x8xf32, #tpu.memory_space<vmem>> -> memref<125x8xf32, #tpu.memory_space<vmem>>
      %dma_wait3A_682 = arith.constant 0 : i32
      %dma_wait3A_683 = tpu.memref_slice %arg7[%dma_wait3A_677, %dma_wait3A_682] : memref<16x125xi32, #tpu.memory_space<vmem>> -> memref<1x125xi32, #tpu.memory_space<vmem>>
      %dma_wait3A_684 = tpu.memref_squeeze %dma_wait3A_683 : memref<1x125xi32, #tpu.memory_space<vmem>> -> memref<125xi32, #tpu.memory_space<vmem>>
      %dma_wait3A_685 = arith.constant 0 : i32
      %dma_wait3A_686 = arith.constant 0 : i32
      %dma_wait3A_687 = tpu.memref_slice %arg9[%dma_wait3A_685, %dma_wait3A_686] : memref<100352x8xf32, #tpu.memory_space<vmem_shared>> -> memref<100352x8xf32, #tpu.memory_space<vmem_shared>>
      tpu.wait_indirect_dma semaphore(%arg11 : memref<!tpu.dma_semaphore, #tpu.memory_space<semaphore_mem>>) src(%dma_wait3A_681 : memref<125x8xf32, #tpu.memory_space<vmem>>) dst(%dma_wait3A_687 : memref<100352x8xf32, #tpu.memory_space<vmem_shared>>)
      %dma_wait3A_688 = arith.constant 8 : i32
      %dma_wait3A_689 = arith.constant 8 : i32
      %dma_wait3A_690 = arith.constant 0 : i32
      %dma_wait3A_691 = arith.constant 0 : i32
      %dma_wait3A_692 = tpu.memref_slice %arg8[%dma_wait3A_688, %dma_wait3A_690, %dma_wait3A_691] : memref<16x125x8xf32, #tpu.memory_space<vmem>> -> memref<1x125x8xf32, #tpu.memory_space<vmem>>
      %dma_wait3A_693 = tpu.memref_squeeze %dma_wait3A_692 : memref<1x125x8xf32, #tpu.memory_space<vmem>> -> memref<125x8xf32, #tpu.memory_space<vmem>>
      %dma_wait3A_694 = arith.constant 0 : i32
      %dma_wait3A_695 = tpu.memref_slice %arg7[%dma_wait3A_689, %dma_wait3A_694] : memref<16x125xi32, #tpu.memory_space<vmem>> -> memref<1x125xi32, #tpu.memory_space<vmem>>
      %dma_wait3A_696 = tpu.memref_squeeze %dma_wait3A_695 : memref<1x125xi32, #tpu.memory_space<vmem>> -> memref<125xi32, #tpu.memory_space<vmem>>
      %dma_wait3A_697 = arith.constant 0 : i32
      %dma_wait3A_698 = arith.constant 0 : i32
      %dma_wait3A_699 = tpu.memref_slice %arg9[%dma_wait3A_697, %dma_wait3A_698] : memref<100352x8xf32, #tpu.memory_space<vmem_shared>> -> memref<100352x8xf32, #tpu.memory_space<vmem_shared>>
      tpu.wait_indirect_dma semaphore(%arg11 : memref<!tpu.dma_semaphore, #tpu.memory_space<semaphore_mem>>) src(%dma_wait3A_693 : memref<125x8xf32, #tpu.memory_space<vmem>>) dst(%dma_wait3A_699 : memref<100352x8xf32, #tpu.memory_space<vmem_shared>>)
      %dma_wait3A_700 = arith.constant 9 : i32
      %dma_wait3A_701 = arith.constant 9 : i32
      %dma_wait3A_702 = arith.constant 0 : i32
      %dma_wait3A_703 = arith.constant 0 : i32
      %dma_wait3A_704 = tpu.memref_slice %arg8[%dma_wait3A_700, %dma_wait3A_702, %dma_wait3A_703] : memref<16x125x8xf32, #tpu.memory_space<vmem>> -> memref<1x125x8xf32, #tpu.memory_space<vmem>>
      %dma_wait3A_705 = tpu.memref_squeeze %dma_wait3A_704 : memref<1x125x8xf32, #tpu.memory_space<vmem>> -> memref<125x8xf32, #tpu.memory_space<vmem>>
      %dma_wait3A_706 = arith.constant 0 : i32
      %dma_wait3A_707 = tpu.memref_slice %arg7[%dma_wait3A_701, %dma_wait3A_706] : memref<16x125xi32, #tpu.memory_space<vmem>> -> memref<1x125xi32, #tpu.memory_space<vmem>>
      %dma_wait3A_708 = tpu.memref_squeeze %dma_wait3A_707 : memref<1x125xi32, #tpu.memory_space<vmem>> -> memref<125xi32, #tpu.memory_space<vmem>>
      %dma_wait3A_709 = arith.constant 0 : i32
      %dma_wait3A_710 = arith.constant 0 : i32
      %dma_wait3A_711 = tpu.memref_slice %arg9[%dma_wait3A_709, %dma_wait3A_710] : memref<100352x8xf32, #tpu.memory_space<vmem_shared>> -> memref<100352x8xf32, #tpu.memory_space<vmem_shared>>
      tpu.wait_indirect_dma semaphore(%arg11 : memref<!tpu.dma_semaphore, #tpu.memory_space<semaphore_mem>>) src(%dma_wait3A_705 : memref<125x8xf32, #tpu.memory_space<vmem>>) dst(%dma_wait3A_711 : memref<100352x8xf32, #tpu.memory_space<vmem_shared>>)
      %dma_wait3A_712 = arith.constant 10 : i32
      %dma_wait3A_713 = arith.constant 10 : i32
      %dma_wait3A_714 = arith.constant 0 : i32
      %dma_wait3A_715 = arith.constant 0 : i32
      %dma_wait3A_716 = tpu.memref_slice %arg8[%dma_wait3A_712, %dma_wait3A_714, %dma_wait3A_715] : memref<16x125x8xf32, #tpu.memory_space<vmem>> -> memref<1x125x8xf32, #tpu.memory_space<vmem>>
      %dma_wait3A_717 = tpu.memref_squeeze %dma_wait3A_716 : memref<1x125x8xf32, #tpu.memory_space<vmem>> -> memref<125x8xf32, #tpu.memory_space<vmem>>
      %dma_wait3A_718 = arith.constant 0 : i32
      %dma_wait3A_719 = tpu.memref_slice %arg7[%dma_wait3A_713, %dma_wait3A_718] : memref<16x125xi32, #tpu.memory_space<vmem>> -> memref<1x125xi32, #tpu.memory_space<vmem>>
      %dma_wait3A_720 = tpu.memref_squeeze %dma_wait3A_719 : memref<1x125xi32, #tpu.memory_space<vmem>> -> memref<125xi32, #tpu.memory_space<vmem>>
      %dma_wait3A_721 = arith.constant 0 : i32
      %dma_wait3A_722 = arith.constant 0 : i32
      %dma_wait3A_723 = tpu.memref_slice %arg9[%dma_wait3A_721, %dma_wait3A_722] : memref<100352x8xf32, #tpu.memory_space<vmem_shared>> -> memref<100352x8xf32, #tpu.memory_space<vmem_shared>>
      tpu.wait_indirect_dma semaphore(%arg11 : memref<!tpu.dma_semaphore, #tpu.memory_space<semaphore_mem>>) src(%dma_wait3A_717 : memref<125x8xf32, #tpu.memory_space<vmem>>) dst(%dma_wait3A_723 : memref<100352x8xf32, #tpu.memory_space<vmem_shared>>)
      %dma_wait3A_724 = arith.constant 11 : i32
      %dma_wait3A_725 = arith.constant 11 : i32
      %dma_wait3A_726 = arith.constant 0 : i32
      %dma_wait3A_727 = arith.constant 0 : i32
      %dma_wait3A_728 = tpu.memref_slice %arg8[%dma_wait3A_724, %dma_wait3A_726, %dma_wait3A_727] : memref<16x125x8xf32, #tpu.memory_space<vmem>> -> memref<1x125x8xf32, #tpu.memory_space<vmem>>
      %dma_wait3A_729 = tpu.memref_squeeze %dma_wait3A_728 : memref<1x125x8xf32, #tpu.memory_space<vmem>> -> memref<125x8xf32, #tpu.memory_space<vmem>>
      %dma_wait3A_730 = arith.constant 0 : i32
      %dma_wait3A_731 = tpu.memref_slice %arg7[%dma_wait3A_725, %dma_wait3A_730] : memref<16x125xi32, #tpu.memory_space<vmem>> -> memref<1x125xi32, #tpu.memory_space<vmem>>
      %dma_wait3A_732 = tpu.memref_squeeze %dma_wait3A_731 : memref<1x125xi32, #tpu.memory_space<vmem>> -> memref<125xi32, #tpu.memory_space<vmem>>
      %dma_wait3A_733 = arith.constant 0 : i32
      %dma_wait3A_734 = arith.constant 0 : i32
      %dma_wait3A_735 = tpu.memref_slice %arg9[%dma_wait3A_733, %dma_wait3A_734] : memref<100352x8xf32, #tpu.memory_space<vmem_shared>> -> memref<100352x8xf32, #tpu.memory_space<vmem_shared>>
      tpu.wait_indirect_dma semaphore(%arg11 : memref<!tpu.dma_semaphore, #tpu.memory_space<semaphore_mem>>) src(%dma_wait3A_729 : memref<125x8xf32, #tpu.memory_space<vmem>>) dst(%dma_wait3A_735 : memref<100352x8xf32, #tpu.memory_space<vmem_shared>>)
      %dma_wait3A_736 = arith.constant 12 : i32
      %dma_wait3A_737 = arith.constant 12 : i32
      %dma_wait3A_738 = arith.constant 0 : i32
      %dma_wait3A_739 = arith.constant 0 : i32
      %dma_wait3A_740 = tpu.memref_slice %arg8[%dma_wait3A_736, %dma_wait3A_738, %dma_wait3A_739] : memref<16x125x8xf32, #tpu.memory_space<vmem>> -> memref<1x125x8xf32, #tpu.memory_space<vmem>>
      %dma_wait3A_741 = tpu.memref_squeeze %dma_wait3A_740 : memref<1x125x8xf32, #tpu.memory_space<vmem>> -> memref<125x8xf32, #tpu.memory_space<vmem>>
      %dma_wait3A_742 = arith.constant 0 : i32
      %dma_wait3A_743 = tpu.memref_slice %arg7[%dma_wait3A_737, %dma_wait3A_742] : memref<16x125xi32, #tpu.memory_space<vmem>> -> memref<1x125xi32, #tpu.memory_space<vmem>>
      %dma_wait3A_744 = tpu.memref_squeeze %dma_wait3A_743 : memref<1x125xi32, #tpu.memory_space<vmem>> -> memref<125xi32, #tpu.memory_space<vmem>>
      %dma_wait3A_745 = arith.constant 0 : i32
      %dma_wait3A_746 = arith.constant 0 : i32
      %dma_wait3A_747 = tpu.memref_slice %arg9[%dma_wait3A_745, %dma_wait3A_746] : memref<100352x8xf32, #tpu.memory_space<vmem_shared>> -> memref<100352x8xf32, #tpu.memory_space<vmem_shared>>
      tpu.wait_indirect_dma semaphore(%arg11 : memref<!tpu.dma_semaphore, #tpu.memory_space<semaphore_mem>>) src(%dma_wait3A_741 : memref<125x8xf32, #tpu.memory_space<vmem>>) dst(%dma_wait3A_747 : memref<100352x8xf32, #tpu.memory_space<vmem_shared>>)
      %dma_wait3A_748 = arith.constant 13 : i32
      %dma_wait3A_749 = arith.constant 13 : i32
      %dma_wait3A_750 = arith.constant 0 : i32
      %dma_wait3A_751 = arith.constant 0 : i32
      %dma_wait3A_752 = tpu.memref_slice %arg8[%dma_wait3A_748, %dma_wait3A_750, %dma_wait3A_751] : memref<16x125x8xf32, #tpu.memory_space<vmem>> -> memref<1x125x8xf32, #tpu.memory_space<vmem>>
      %dma_wait3A_753 = tpu.memref_squeeze %dma_wait3A_752 : memref<1x125x8xf32, #tpu.memory_space<vmem>> -> memref<125x8xf32, #tpu.memory_space<vmem>>
      %dma_wait3A_754 = arith.constant 0 : i32
      %dma_wait3A_755 = tpu.memref_slice %arg7[%dma_wait3A_749, %dma_wait3A_754] : memref<16x125xi32, #tpu.memory_space<vmem>> -> memref<1x125xi32, #tpu.memory_space<vmem>>
      %dma_wait3A_756 = tpu.memref_squeeze %dma_wait3A_755 : memref<1x125xi32, #tpu.memory_space<vmem>> -> memref<125xi32, #tpu.memory_space<vmem>>
      %dma_wait3A_757 = arith.constant 0 : i32
      %dma_wait3A_758 = arith.constant 0 : i32
      %dma_wait3A_759 = tpu.memref_slice %arg9[%dma_wait3A_757, %dma_wait3A_758] : memref<100352x8xf32, #tpu.memory_space<vmem_shared>> -> memref<100352x8xf32, #tpu.memory_space<vmem_shared>>
      tpu.wait_indirect_dma semaphore(%arg11 : memref<!tpu.dma_semaphore, #tpu.memory_space<semaphore_mem>>) src(%dma_wait3A_753 : memref<125x8xf32, #tpu.memory_space<vmem>>) dst(%dma_wait3A_759 : memref<100352x8xf32, #tpu.memory_space<vmem_shared>>)
      %dma_wait3A_760 = arith.constant 14 : i32
      %dma_wait3A_761 = arith.constant 14 : i32
      %dma_wait3A_762 = arith.constant 0 : i32
      %dma_wait3A_763 = arith.constant 0 : i32
      %dma_wait3A_764 = tpu.memref_slice %arg8[%dma_wait3A_760, %dma_wait3A_762, %dma_wait3A_763] : memref<16x125x8xf32, #tpu.memory_space<vmem>> -> memref<1x125x8xf32, #tpu.memory_space<vmem>>
      %dma_wait3A_765 = tpu.memref_squeeze %dma_wait3A_764 : memref<1x125x8xf32, #tpu.memory_space<vmem>> -> memref<125x8xf32, #tpu.memory_space<vmem>>
      %dma_wait3A_766 = arith.constant 0 : i32
      %dma_wait3A_767 = tpu.memref_slice %arg7[%dma_wait3A_761, %dma_wait3A_766] : memref<16x125xi32, #tpu.memory_space<vmem>> -> memref<1x125xi32, #tpu.memory_space<vmem>>
      %dma_wait3A_768 = tpu.memref_squeeze %dma_wait3A_767 : memref<1x125xi32, #tpu.memory_space<vmem>> -> memref<125xi32, #tpu.memory_space<vmem>>
      %dma_wait3A_769 = arith.constant 0 : i32
      %dma_wait3A_770 = arith.constant 0 : i32
      %dma_wait3A_771 = tpu.memref_slice %arg9[%dma_wait3A_769, %dma_wait3A_770] : memref<100352x8xf32, #tpu.memory_space<vmem_shared>> -> memref<100352x8xf32, #tpu.memory_space<vmem_shared>>
      tpu.wait_indirect_dma semaphore(%arg11 : memref<!tpu.dma_semaphore, #tpu.memory_space<semaphore_mem>>) src(%dma_wait3A_765 : memref<125x8xf32, #tpu.memory_space<vmem>>) dst(%dma_wait3A_771 : memref<100352x8xf32, #tpu.memory_space<vmem_shared>>)
      %dma_wait3A_772 = arith.constant 15 : i32
      %dma_wait3A_773 = arith.constant 15 : i32
      %dma_wait3A_774 = arith.constant 0 : i32
      %dma_wait3A_775 = arith.constant 0 : i32
      %dma_wait3A_776 = tpu.memref_slice %arg8[%dma_wait3A_772, %dma_wait3A_774, %dma_wait3A_775] : memref<16x125x8xf32, #tpu.memory_space<vmem>> -> memref<1x125x8xf32, #tpu.memory_space<vmem>>
      %dma_wait3A_777 = tpu.memref_squeeze %dma_wait3A_776 : memref<1x125x8xf32, #tpu.memory_space<vmem>> -> memref<125x8xf32, #tpu.memory_space<vmem>>
      %dma_wait3A_778 = arith.constant 0 : i32
      %dma_wait3A_779 = tpu.memref_slice %arg7[%dma_wait3A_773, %dma_wait3A_778] : memref<16x125xi32, #tpu.memory_space<vmem>> -> memref<1x125xi32, #tpu.memory_space<vmem>>
      %dma_wait3A_780 = tpu.memref_squeeze %dma_wait3A_779 : memref<1x125xi32, #tpu.memory_space<vmem>> -> memref<125xi32, #tpu.memory_space<vmem>>
      %dma_wait3A_781 = arith.constant 0 : i32
      %dma_wait3A_782 = arith.constant 0 : i32
      %dma_wait3A_783 = tpu.memref_slice %arg9[%dma_wait3A_781, %dma_wait3A_782] : memref<100352x8xf32, #tpu.memory_space<vmem_shared>> -> memref<100352x8xf32, #tpu.memory_space<vmem_shared>>
      tpu.wait_indirect_dma semaphore(%arg11 : memref<!tpu.dma_semaphore, #tpu.memory_space<semaphore_mem>>) src(%dma_wait3A_777 : memref<125x8xf32, #tpu.memory_space<vmem>>) dst(%dma_wait3A_783 : memref<100352x8xf32, #tpu.memory_space<vmem_shared>>)
      %scan3A_784 = arith.constant 0 : i32
      scf.yield %scan3A_784 : i32
    }
    %scan3A_10 = arith.constant 25 : i32
    %barrier3A_11 = arith.constant 0 : index
    tpu.barrier barrier_id(%barrier3A_11)
    "tpu.region"() ({
      %run_scoped3A = tpu.sem_alloc : memref<!tpu.dma_semaphore, #tpu.memory_space<semaphore_mem>>
      %dma_start3A = arith.constant 0 : i32
      %dma_start3A_12 = tpu.memref_slice %arg5[%arg0, %mul3A_2, %dma_start3A] : memref<2x100352x8xf32, #tpu.memory_space<hbm>> -> memref<1x6272x8xf32, #tpu.memory_space<hbm>>
      %dma_start3A_13 = tpu.memref_squeeze %dma_start3A_12 : memref<1x6272x8xf32, #tpu.memory_space<hbm>> -> memref<6272x8xf32, #tpu.memory_space<hbm>>
      %dma_start3A_14 = arith.constant 0 : i32
      %dma_start3A_15 = tpu.memref_slice %arg9[%mul3A_2, %dma_start3A_14] : memref<100352x8xf32, #tpu.memory_space<vmem_shared>> -> memref<6272x8xf32, #tpu.memory_space<vmem_shared>>
      tpu.enqueue_dma source(%dma_start3A_15 : memref<6272x8xf32, #tpu.memory_space<vmem_shared>>) target(%dma_start3A_13 : memref<6272x8xf32, #tpu.memory_space<hbm>>) target_semaphore(%run_scoped3A : memref<!tpu.dma_semaphore, #tpu.memory_space<semaphore_mem>>)
      %dma_wait3A = arith.constant 0 : i32
      %dma_wait3A_16 = tpu.memref_slice %arg5[%arg0, %mul3A_2, %dma_wait3A] : memref<2x100352x8xf32, #tpu.memory_space<hbm>> -> memref<1x6272x8xf32, #tpu.memory_space<hbm>>
      %dma_wait3A_17 = tpu.memref_squeeze %dma_wait3A_16 : memref<1x6272x8xf32, #tpu.memory_space<hbm>> -> memref<6272x8xf32, #tpu.memory_space<hbm>>
      %dma_wait3A_18 = arith.constant 0 : i32
      %dma_wait3A_19 = tpu.memref_slice %arg9[%mul3A_2, %dma_wait3A_18] : memref<100352x8xf32, #tpu.memory_space<vmem_shared>> -> memref<6272x8xf32, #tpu.memory_space<vmem_shared>>
      tpu.wait_dma2 semaphore(%run_scoped3A : memref<!tpu.dma_semaphore, #tpu.memory_space<semaphore_mem>>) src(%dma_wait3A_19 : memref<6272x8xf32, #tpu.memory_space<vmem_shared>>) dst(%dma_wait3A_17 : memref<6272x8xf32, #tpu.memory_space<hbm>>)
      tpu.yield
    }) : () -> ()
    return
  }
}

#map = affine_map<(d0, d1) -> (0, 0)>
#map1 = affine_map<(d0, d1) -> (0, 0, 0)>
#map2 = affine_map<(d0, d1) -> (0)>
module attributes {stable_mosaic.version = 14 : i64} {
  func.func @_seg_body(%arg0: i32, %arg1: i32, %arg2: memref<100000x16xf32, #tpu.memory_space<hbm>>, %arg3: memref<2x12800x125xi32, #tpu.memory_space<hbm>>, %arg4: memref<6272x16xf32, #tpu.memory_space<hbm>>, %arg5: memref<125xf32, #tpu.memory_space<hbm>>, %arg6: memref<6272xf32, #tpu.memory_space<hbm>>, %arg7: memref<2x100352x16xf32, #tpu.memory_space<hbm>>, %arg8: memref<200704xf32, #tpu.memory_space<hbm>>, %arg9: memref<8x125xi32, #tpu.memory_space<vmem>>, %arg10: memref<8x125xi32, #tpu.memory_space<vmem>>, %arg11: memref<8x125x16xf32, #tpu.memory_space<vmem>>, %arg12: memref<125xf32, #tpu.memory_space<vmem>>, %arg13: memref<100352x16xf32, #tpu.memory_space<vmem_shared>>, %arg14: memref<100352xf32, #tpu.memory_space<vmem_shared>>, %arg15: memref<!tpu.dma_semaphore, #tpu.memory_space<semaphore_mem>>, %arg16: memref<!tpu.dma_semaphore, #tpu.memory_space<semaphore_mem>>) attributes {dimension_semantics = [#tpu.dimension_semantics<core_parallel>, #tpu.dimension_semantics<subcore_parallel>], iteration_bounds = array<i64: 2, 16>, scalar_prefetch = 0 : i64, scratch_operands = 8 : i64, tpu.core_type = #tpu.core_type<sc_vector_subcore>, window_params = [{transform_indices = #map}, {transform_indices = #map1}, {transform_indices = #map}, {transform_indices = #map2}, {transform_indices = #map2}, {transform_indices = #map1}, {transform_indices = #map2}]} {
    %mul3A = arith.constant 16 : i32
    %mul3A_0 = arith.muli %arg0, %mul3A : i32
    %add3A = arith.addi %mul3A_0, %arg1 : i32
    %mul3A_1 = arith.constant 6272 : i32
    %mul3A_2 = arith.muli %arg1, %mul3A_1 : i32
    "tpu.region"() ({
      %run_scoped3A = tpu.sem_alloc : memref<!tpu.dma_semaphore, #tpu.memory_space<semaphore_mem>>
      %dma_start3A = arith.constant 0 : i32
      %dma_start3A_15 = tpu.memref_slice %arg13[%mul3A_2, %dma_start3A] : memref<100352x16xf32, #tpu.memory_space<vmem_shared>> -> memref<6272x16xf32, #tpu.memory_space<vmem_shared>>
      tpu.enqueue_dma source(%arg4 : memref<6272x16xf32, #tpu.memory_space<hbm>>) target(%dma_start3A_15 : memref<6272x16xf32, #tpu.memory_space<vmem_shared>>) target_semaphore(%run_scoped3A : memref<!tpu.dma_semaphore, #tpu.memory_space<semaphore_mem>>)
      %dma_wait3A = arith.constant 0 : i32
      %dma_wait3A_16 = tpu.memref_slice %arg13[%mul3A_2, %dma_wait3A] : memref<100352x16xf32, #tpu.memory_space<vmem_shared>> -> memref<6272x16xf32, #tpu.memory_space<vmem_shared>>
      tpu.wait_dma2 semaphore(%run_scoped3A : memref<!tpu.dma_semaphore, #tpu.memory_space<semaphore_mem>>) src(%arg4 : memref<6272x16xf32, #tpu.memory_space<hbm>>) dst(%dma_wait3A_16 : memref<6272x16xf32, #tpu.memory_space<vmem_shared>>)
      tpu.yield
    }) : () -> ()
    "tpu.region"() ({
      %run_scoped3A = tpu.sem_alloc : memref<!tpu.dma_semaphore, #tpu.memory_space<semaphore_mem>>
      tpu.enqueue_dma source(%arg5 : memref<125xf32, #tpu.memory_space<hbm>>) target(%arg12 : memref<125xf32, #tpu.memory_space<vmem>>) target_semaphore(%run_scoped3A : memref<!tpu.dma_semaphore, #tpu.memory_space<semaphore_mem>>)
      tpu.wait_dma2 semaphore(%run_scoped3A : memref<!tpu.dma_semaphore, #tpu.memory_space<semaphore_mem>>) src(%arg5 : memref<125xf32, #tpu.memory_space<hbm>>) dst(%arg12 : memref<125xf32, #tpu.memory_space<vmem>>)
      tpu.yield
    }) : () -> ()
    "tpu.region"() ({
      %run_scoped3A = tpu.sem_alloc : memref<!tpu.dma_semaphore, #tpu.memory_space<semaphore_mem>>
      %dma_start3A = tpu.memref_slice %arg14[%mul3A_2] : memref<100352xf32, #tpu.memory_space<vmem_shared>> -> memref<6272xf32, #tpu.memory_space<vmem_shared>>
      tpu.enqueue_dma source(%arg6 : memref<6272xf32, #tpu.memory_space<hbm>>) target(%dma_start3A : memref<6272xf32, #tpu.memory_space<vmem_shared>>) target_semaphore(%run_scoped3A : memref<!tpu.dma_semaphore, #tpu.memory_space<semaphore_mem>>)
      %dma_wait3A = tpu.memref_slice %arg14[%mul3A_2] : memref<100352xf32, #tpu.memory_space<vmem_shared>> -> memref<6272xf32, #tpu.memory_space<vmem_shared>>
      tpu.wait_dma2 semaphore(%run_scoped3A : memref<!tpu.dma_semaphore, #tpu.memory_space<semaphore_mem>>) src(%arg6 : memref<6272xf32, #tpu.memory_space<hbm>>) dst(%dma_wait3A : memref<6272xf32, #tpu.memory_space<vmem_shared>>)
      tpu.yield
    }) : () -> ()
    %barrier3A = arith.constant 0 : index
    tpu.barrier barrier_id(%barrier3A)
    %mul3A_3 = arith.constant 400 : i32
    %mul3A_4 = arith.muli %add3A, %mul3A_3 : i32
    %scan3A = arith.constant 0 : i32
    %scan3A_5 = arith.constant 0 : i32
    %scan3A_6 = arith.constant 50 : i32
    %scan3A_7 = arith.addi %scan3A_5, %scan3A_6 : i32
    %scan3A_8 = arith.constant 1 : i32
    %scan3A_9 = scf.for %scan3A_15 = %scan3A_5 to %scan3A_7 step %scan3A_8 iter_args(%scan3A_16 = %scan3A) -> (i32)  : i32 {
      %mul3A_17 = arith.constant 8 : i32
      %mul3A_18 = arith.muli %scan3A_15, %mul3A_17 : i32
      %add3A_19 = arith.addi %mul3A_4, %mul3A_18 : i32
      %run_scoped3A = arith.constant 0 : i32
      "tpu.region"() ({
        %run_scoped3A_500 = tpu.sem_alloc : memref<!tpu.dma_semaphore, #tpu.memory_space<semaphore_mem>>
        %dma_start3A_501 = arith.constant 0 : i32
        %dma_start3A_502 = tpu.memref_slice %arg3[%run_scoped3A, %add3A_19, %dma_start3A_501] : memref<2x12800x125xi32, #tpu.memory_space<hbm>> -> memref<1x8x125xi32, #tpu.memory_space<hbm>>
        %dma_start3A_503 = tpu.memref_squeeze %dma_start3A_502 : memref<1x8x125xi32, #tpu.memory_space<hbm>> -> memref<8x125xi32, #tpu.memory_space<hbm>>
        %dma_start3A_504 = arith.constant 0 : i32
        %dma_start3A_505 = tpu.memref_slice %arg3[%run_scoped3A, %add3A_19, %dma_start3A_504] : memref<2x12800x125xi32, #tpu.memory_space<hbm>> -> memref<1x8x125xi32, #tpu.memory_space<hbm>>
        %dma_start3A_506 = tpu.memref_squeeze %dma_start3A_505 : memref<1x8x125xi32, #tpu.memory_space<hbm>> -> memref<8x125xi32, #tpu.memory_space<hbm>>
        tpu.enqueue_dma source(%dma_start3A_506 : memref<8x125xi32, #tpu.memory_space<hbm>>) target(%arg9 : memref<8x125xi32, #tpu.memory_space<vmem>>) target_semaphore(%run_scoped3A_500 : memref<!tpu.dma_semaphore, #tpu.memory_space<semaphore_mem>>)
        %dma_wait3A_507 = arith.constant 0 : i32
        %dma_wait3A_508 = tpu.memref_slice %arg3[%run_scoped3A, %add3A_19, %dma_wait3A_507] : memref<2x12800x125xi32, #tpu.memory_space<hbm>> -> memref<1x8x125xi32, #tpu.memory_space<hbm>>
        %dma_wait3A_509 = tpu.memref_squeeze %dma_wait3A_508 : memref<1x8x125xi32, #tpu.memory_space<hbm>> -> memref<8x125xi32, #tpu.memory_space<hbm>>
        %dma_wait3A_510 = arith.constant 0 : i32
        %dma_wait3A_511 = tpu.memref_slice %arg3[%run_scoped3A, %add3A_19, %dma_wait3A_510] : memref<2x12800x125xi32, #tpu.memory_space<hbm>> -> memref<1x8x125xi32, #tpu.memory_space<hbm>>
        %dma_wait3A_512 = tpu.memref_squeeze %dma_wait3A_511 : memref<1x8x125xi32, #tpu.memory_space<hbm>> -> memref<8x125xi32, #tpu.memory_space<hbm>>
        tpu.wait_dma2 semaphore(%run_scoped3A_500 : memref<!tpu.dma_semaphore, #tpu.memory_space<semaphore_mem>>) src(%dma_wait3A_512 : memref<8x125xi32, #tpu.memory_space<hbm>>) dst(%arg9 : memref<8x125xi32, #tpu.memory_space<vmem>>)
        tpu.yield
      }) : () -> ()
      %run_scoped3A_20 = arith.constant 1 : i32
      "tpu.region"() ({
        %run_scoped3A_500 = tpu.sem_alloc : memref<!tpu.dma_semaphore, #tpu.memory_space<semaphore_mem>>
        %dma_start3A_501 = arith.constant 0 : i32
        %dma_start3A_502 = tpu.memref_slice %arg3[%run_scoped3A_20, %add3A_19, %dma_start3A_501] : memref<2x12800x125xi32, #tpu.memory_space<hbm>> -> memref<1x8x125xi32, #tpu.memory_space<hbm>>
        %dma_start3A_503 = tpu.memref_squeeze %dma_start3A_502 : memref<1x8x125xi32, #tpu.memory_space<hbm>> -> memref<8x125xi32, #tpu.memory_space<hbm>>
        %dma_start3A_504 = arith.constant 0 : i32
        %dma_start3A_505 = tpu.memref_slice %arg3[%run_scoped3A_20, %add3A_19, %dma_start3A_504] : memref<2x12800x125xi32, #tpu.memory_space<hbm>> -> memref<1x8x125xi32, #tpu.memory_space<hbm>>
        %dma_start3A_506 = tpu.memref_squeeze %dma_start3A_505 : memref<1x8x125xi32, #tpu.memory_space<hbm>> -> memref<8x125xi32, #tpu.memory_space<hbm>>
        tpu.enqueue_dma source(%dma_start3A_506 : memref<8x125xi32, #tpu.memory_space<hbm>>) target(%arg10 : memref<8x125xi32, #tpu.memory_space<vmem>>) target_semaphore(%run_scoped3A_500 : memref<!tpu.dma_semaphore, #tpu.memory_space<semaphore_mem>>)
        %dma_wait3A_507 = arith.constant 0 : i32
        %dma_wait3A_508 = tpu.memref_slice %arg3[%run_scoped3A_20, %add3A_19, %dma_wait3A_507] : memref<2x12800x125xi32, #tpu.memory_space<hbm>> -> memref<1x8x125xi32, #tpu.memory_space<hbm>>
        %dma_wait3A_509 = tpu.memref_squeeze %dma_wait3A_508 : memref<1x8x125xi32, #tpu.memory_space<hbm>> -> memref<8x125xi32, #tpu.memory_space<hbm>>
        %dma_wait3A_510 = arith.constant 0 : i32
        %dma_wait3A_511 = tpu.memref_slice %arg3[%run_scoped3A_20, %add3A_19, %dma_wait3A_510] : memref<2x12800x125xi32, #tpu.memory_space<hbm>> -> memref<1x8x125xi32, #tpu.memory_space<hbm>>
        %dma_wait3A_512 = tpu.memref_squeeze %dma_wait3A_511 : memref<1x8x125xi32, #tpu.memory_space<hbm>> -> memref<8x125xi32, #tpu.memory_space<hbm>>
        tpu.wait_dma2 semaphore(%run_scoped3A_500 : memref<!tpu.dma_semaphore, #tpu.memory_space<semaphore_mem>>) src(%dma_wait3A_512 : memref<8x125xi32, #tpu.memory_space<hbm>>) dst(%arg10 : memref<8x125xi32, #tpu.memory_space<vmem>>)
        tpu.yield
      }) : () -> ()
      %dma_start3A = arith.constant 0 : i32
      %dma_start3A_21 = arith.constant 0 : i32
      %dma_start3A_22 = arith.constant 0 : i32
      %dma_start3A_23 = arith.constant 0 : i32
      %dma_start3A_24 = tpu.memref_slice %arg11[%dma_start3A_21, %dma_start3A_22, %dma_start3A_23] : memref<8x125x16xf32, #tpu.memory_space<vmem>> -> memref<1x125x16xf32, #tpu.memory_space<vmem>>
      %dma_start3A_25 = tpu.memref_squeeze %dma_start3A_24 : memref<1x125x16xf32, #tpu.memory_space<vmem>> -> memref<125x16xf32, #tpu.memory_space<vmem>>
      %dma_start3A_26 = arith.constant 0 : i32
      %dma_start3A_27 = tpu.memref_slice %arg9[%dma_start3A, %dma_start3A_26] : memref<8x125xi32, #tpu.memory_space<vmem>> -> memref<1x125xi32, #tpu.memory_space<vmem>>
      %dma_start3A_28 = tpu.memref_squeeze %dma_start3A_27 : memref<1x125xi32, #tpu.memory_space<vmem>> -> memref<125xi32, #tpu.memory_space<vmem>>
      %dma_start3A_29 = arith.constant 0 : i32
      %dma_start3A_30 = arith.constant 0 : i32
      %dma_start3A_31 = tpu.memref_slice %arg2[%dma_start3A_29, %dma_start3A_30] : memref<100000x16xf32, #tpu.memory_space<hbm>> -> memref<100000x16xf32, #tpu.memory_space<hbm>>
      tpu.enqueue_indirect_dma source(%dma_start3A_31 : memref<100000x16xf32, #tpu.memory_space<hbm>>) target(%dma_start3A_25 : memref<125x16xf32, #tpu.memory_space<vmem>>) offsets(%dma_start3A_28 : memref<125xi32, #tpu.memory_space<vmem>>) semaphore(%arg15 : memref<!tpu.dma_semaphore, #tpu.memory_space<semaphore_mem>>)
      %dma_start3A_32 = arith.constant 1 : i32
      %dma_start3A_33 = arith.constant 1 : i32
      %dma_start3A_34 = arith.constant 0 : i32
      %dma_start3A_35 = arith.constant 0 : i32
      %dma_start3A_36 = tpu.memref_slice %arg11[%dma_start3A_33, %dma_start3A_34, %dma_start3A_35] : memref<8x125x16xf32, #tpu.memory_space<vmem>> -> memref<1x125x16xf32, #tpu.memory_space<vmem>>
      %dma_start3A_37 = tpu.memref_squeeze %dma_start3A_36 : memref<1x125x16xf32, #tpu.memory_space<vmem>> -> memref<125x16xf32, #tpu.memory_space<vmem>>
      %dma_start3A_38 = arith.constant 0 : i32
      %dma_start3A_39 = tpu.memref_slice %arg9[%dma_start3A_32, %dma_start3A_38] : memref<8x125xi32, #tpu.memory_space<vmem>> -> memref<1x125xi32, #tpu.memory_space<vmem>>
      %dma_start3A_40 = tpu.memref_squeeze %dma_start3A_39 : memref<1x125xi32, #tpu.memory_space<vmem>> -> memref<125xi32, #tpu.memory_space<vmem>>
      %dma_start3A_41 = arith.constant 0 : i32
      %dma_start3A_42 = arith.constant 0 : i32
      %dma_start3A_43 = tpu.memref_slice %arg2[%dma_start3A_41, %dma_start3A_42] : memref<100000x16xf32, #tpu.memory_space<hbm>> -> memref<100000x16xf32, #tpu.memory_space<hbm>>
      tpu.enqueue_indirect_dma source(%dma_start3A_43 : memref<100000x16xf32, #tpu.memory_space<hbm>>) target(%dma_start3A_37 : memref<125x16xf32, #tpu.memory_space<vmem>>) offsets(%dma_start3A_40 : memref<125xi32, #tpu.memory_space<vmem>>) semaphore(%arg15 : memref<!tpu.dma_semaphore, #tpu.memory_space<semaphore_mem>>)
      %dma_start3A_44 = arith.constant 2 : i32
      %dma_start3A_45 = arith.constant 2 : i32
      %dma_start3A_46 = arith.constant 0 : i32
      %dma_start3A_47 = arith.constant 0 : i32
      %dma_start3A_48 = tpu.memref_slice %arg11[%dma_start3A_45, %dma_start3A_46, %dma_start3A_47] : memref<8x125x16xf32, #tpu.memory_space<vmem>> -> memref<1x125x16xf32, #tpu.memory_space<vmem>>
      %dma_start3A_49 = tpu.memref_squeeze %dma_start3A_48 : memref<1x125x16xf32, #tpu.memory_space<vmem>> -> memref<125x16xf32, #tpu.memory_space<vmem>>
      %dma_start3A_50 = arith.constant 0 : i32
      %dma_start3A_51 = tpu.memref_slice %arg9[%dma_start3A_44, %dma_start3A_50] : memref<8x125xi32, #tpu.memory_space<vmem>> -> memref<1x125xi32, #tpu.memory_space<vmem>>
      %dma_start3A_52 = tpu.memref_squeeze %dma_start3A_51 : memref<1x125xi32, #tpu.memory_space<vmem>> -> memref<125xi32, #tpu.memory_space<vmem>>
      %dma_start3A_53 = arith.constant 0 : i32
      %dma_start3A_54 = arith.constant 0 : i32
      %dma_start3A_55 = tpu.memref_slice %arg2[%dma_start3A_53, %dma_start3A_54] : memref<100000x16xf32, #tpu.memory_space<hbm>> -> memref<100000x16xf32, #tpu.memory_space<hbm>>
      tpu.enqueue_indirect_dma source(%dma_start3A_55 : memref<100000x16xf32, #tpu.memory_space<hbm>>) target(%dma_start3A_49 : memref<125x16xf32, #tpu.memory_space<vmem>>) offsets(%dma_start3A_52 : memref<125xi32, #tpu.memory_space<vmem>>) semaphore(%arg15 : memref<!tpu.dma_semaphore, #tpu.memory_space<semaphore_mem>>)
      %dma_start3A_56 = arith.constant 3 : i32
      %dma_start3A_57 = arith.constant 3 : i32
      %dma_start3A_58 = arith.constant 0 : i32
      %dma_start3A_59 = arith.constant 0 : i32
      %dma_start3A_60 = tpu.memref_slice %arg11[%dma_start3A_57, %dma_start3A_58, %dma_start3A_59] : memref<8x125x16xf32, #tpu.memory_space<vmem>> -> memref<1x125x16xf32, #tpu.memory_space<vmem>>
      %dma_start3A_61 = tpu.memref_squeeze %dma_start3A_60 : memref<1x125x16xf32, #tpu.memory_space<vmem>> -> memref<125x16xf32, #tpu.memory_space<vmem>>
      %dma_start3A_62 = arith.constant 0 : i32
      %dma_start3A_63 = tpu.memref_slice %arg9[%dma_start3A_56, %dma_start3A_62] : memref<8x125xi32, #tpu.memory_space<vmem>> -> memref<1x125xi32, #tpu.memory_space<vmem>>
      %dma_start3A_64 = tpu.memref_squeeze %dma_start3A_63 : memref<1x125xi32, #tpu.memory_space<vmem>> -> memref<125xi32, #tpu.memory_space<vmem>>
      %dma_start3A_65 = arith.constant 0 : i32
      %dma_start3A_66 = arith.constant 0 : i32
      %dma_start3A_67 = tpu.memref_slice %arg2[%dma_start3A_65, %dma_start3A_66] : memref<100000x16xf32, #tpu.memory_space<hbm>> -> memref<100000x16xf32, #tpu.memory_space<hbm>>
      tpu.enqueue_indirect_dma source(%dma_start3A_67 : memref<100000x16xf32, #tpu.memory_space<hbm>>) target(%dma_start3A_61 : memref<125x16xf32, #tpu.memory_space<vmem>>) offsets(%dma_start3A_64 : memref<125xi32, #tpu.memory_space<vmem>>) semaphore(%arg15 : memref<!tpu.dma_semaphore, #tpu.memory_space<semaphore_mem>>)
      %dma_start3A_68 = arith.constant 4 : i32
      %dma_start3A_69 = arith.constant 4 : i32
      %dma_start3A_70 = arith.constant 0 : i32
      %dma_start3A_71 = arith.constant 0 : i32
      %dma_start3A_72 = tpu.memref_slice %arg11[%dma_start3A_69, %dma_start3A_70, %dma_start3A_71] : memref<8x125x16xf32, #tpu.memory_space<vmem>> -> memref<1x125x16xf32, #tpu.memory_space<vmem>>
      %dma_start3A_73 = tpu.memref_squeeze %dma_start3A_72 : memref<1x125x16xf32, #tpu.memory_space<vmem>> -> memref<125x16xf32, #tpu.memory_space<vmem>>
      %dma_start3A_74 = arith.constant 0 : i32
      %dma_start3A_75 = tpu.memref_slice %arg9[%dma_start3A_68, %dma_start3A_74] : memref<8x125xi32, #tpu.memory_space<vmem>> -> memref<1x125xi32, #tpu.memory_space<vmem>>
      %dma_start3A_76 = tpu.memref_squeeze %dma_start3A_75 : memref<1x125xi32, #tpu.memory_space<vmem>> -> memref<125xi32, #tpu.memory_space<vmem>>
      %dma_start3A_77 = arith.constant 0 : i32
      %dma_start3A_78 = arith.constant 0 : i32
      %dma_start3A_79 = tpu.memref_slice %arg2[%dma_start3A_77, %dma_start3A_78] : memref<100000x16xf32, #tpu.memory_space<hbm>> -> memref<100000x16xf32, #tpu.memory_space<hbm>>
      tpu.enqueue_indirect_dma source(%dma_start3A_79 : memref<100000x16xf32, #tpu.memory_space<hbm>>) target(%dma_start3A_73 : memref<125x16xf32, #tpu.memory_space<vmem>>) offsets(%dma_start3A_76 : memref<125xi32, #tpu.memory_space<vmem>>) semaphore(%arg15 : memref<!tpu.dma_semaphore, #tpu.memory_space<semaphore_mem>>)
      %dma_start3A_80 = arith.constant 5 : i32
      %dma_start3A_81 = arith.constant 5 : i32
      %dma_start3A_82 = arith.constant 0 : i32
      %dma_start3A_83 = arith.constant 0 : i32
      %dma_start3A_84 = tpu.memref_slice %arg11[%dma_start3A_81, %dma_start3A_82, %dma_start3A_83] : memref<8x125x16xf32, #tpu.memory_space<vmem>> -> memref<1x125x16xf32, #tpu.memory_space<vmem>>
      %dma_start3A_85 = tpu.memref_squeeze %dma_start3A_84 : memref<1x125x16xf32, #tpu.memory_space<vmem>> -> memref<125x16xf32, #tpu.memory_space<vmem>>
      %dma_start3A_86 = arith.constant 0 : i32
      %dma_start3A_87 = tpu.memref_slice %arg9[%dma_start3A_80, %dma_start3A_86] : memref<8x125xi32, #tpu.memory_space<vmem>> -> memref<1x125xi32, #tpu.memory_space<vmem>>
      %dma_start3A_88 = tpu.memref_squeeze %dma_start3A_87 : memref<1x125xi32, #tpu.memory_space<vmem>> -> memref<125xi32, #tpu.memory_space<vmem>>
      %dma_start3A_89 = arith.constant 0 : i32
      %dma_start3A_90 = arith.constant 0 : i32
      %dma_start3A_91 = tpu.memref_slice %arg2[%dma_start3A_89, %dma_start3A_90] : memref<100000x16xf32, #tpu.memory_space<hbm>> -> memref<100000x16xf32, #tpu.memory_space<hbm>>
      tpu.enqueue_indirect_dma source(%dma_start3A_91 : memref<100000x16xf32, #tpu.memory_space<hbm>>) target(%dma_start3A_85 : memref<125x16xf32, #tpu.memory_space<vmem>>) offsets(%dma_start3A_88 : memref<125xi32, #tpu.memory_space<vmem>>) semaphore(%arg15 : memref<!tpu.dma_semaphore, #tpu.memory_space<semaphore_mem>>)
      %dma_start3A_92 = arith.constant 6 : i32
      %dma_start3A_93 = arith.constant 6 : i32
      %dma_start3A_94 = arith.constant 0 : i32
      %dma_start3A_95 = arith.constant 0 : i32
      %dma_start3A_96 = tpu.memref_slice %arg11[%dma_start3A_93, %dma_start3A_94, %dma_start3A_95] : memref<8x125x16xf32, #tpu.memory_space<vmem>> -> memref<1x125x16xf32, #tpu.memory_space<vmem>>
      %dma_start3A_97 = tpu.memref_squeeze %dma_start3A_96 : memref<1x125x16xf32, #tpu.memory_space<vmem>> -> memref<125x16xf32, #tpu.memory_space<vmem>>
      %dma_start3A_98 = arith.constant 0 : i32
      %dma_start3A_99 = tpu.memref_slice %arg9[%dma_start3A_92, %dma_start3A_98] : memref<8x125xi32, #tpu.memory_space<vmem>> -> memref<1x125xi32, #tpu.memory_space<vmem>>
      %dma_start3A_100 = tpu.memref_squeeze %dma_start3A_99 : memref<1x125xi32, #tpu.memory_space<vmem>> -> memref<125xi32, #tpu.memory_space<vmem>>
      %dma_start3A_101 = arith.constant 0 : i32
      %dma_start3A_102 = arith.constant 0 : i32
      %dma_start3A_103 = tpu.memref_slice %arg2[%dma_start3A_101, %dma_start3A_102] : memref<100000x16xf32, #tpu.memory_space<hbm>> -> memref<100000x16xf32, #tpu.memory_space<hbm>>
      tpu.enqueue_indirect_dma source(%dma_start3A_103 : memref<100000x16xf32, #tpu.memory_space<hbm>>) target(%dma_start3A_97 : memref<125x16xf32, #tpu.memory_space<vmem>>) offsets(%dma_start3A_100 : memref<125xi32, #tpu.memory_space<vmem>>) semaphore(%arg15 : memref<!tpu.dma_semaphore, #tpu.memory_space<semaphore_mem>>)
      %dma_start3A_104 = arith.constant 7 : i32
      %dma_start3A_105 = arith.constant 7 : i32
      %dma_start3A_106 = arith.constant 0 : i32
      %dma_start3A_107 = arith.constant 0 : i32
      %dma_start3A_108 = tpu.memref_slice %arg11[%dma_start3A_105, %dma_start3A_106, %dma_start3A_107] : memref<8x125x16xf32, #tpu.memory_space<vmem>> -> memref<1x125x16xf32, #tpu.memory_space<vmem>>
      %dma_start3A_109 = tpu.memref_squeeze %dma_start3A_108 : memref<1x125x16xf32, #tpu.memory_space<vmem>> -> memref<125x16xf32, #tpu.memory_space<vmem>>
      %dma_start3A_110 = arith.constant 0 : i32
      %dma_start3A_111 = tpu.memref_slice %arg9[%dma_start3A_104, %dma_start3A_110] : memref<8x125xi32, #tpu.memory_space<vmem>> -> memref<1x125xi32, #tpu.memory_space<vmem>>
      %dma_start3A_112 = tpu.memref_squeeze %dma_start3A_111 : memref<1x125xi32, #tpu.memory_space<vmem>> -> memref<125xi32, #tpu.memory_space<vmem>>
      %dma_start3A_113 = arith.constant 0 : i32
      %dma_start3A_114 = arith.constant 0 : i32
      %dma_start3A_115 = tpu.memref_slice %arg2[%dma_start3A_113, %dma_start3A_114] : memref<100000x16xf32, #tpu.memory_space<hbm>> -> memref<100000x16xf32, #tpu.memory_space<hbm>>
      tpu.enqueue_indirect_dma source(%dma_start3A_115 : memref<100000x16xf32, #tpu.memory_space<hbm>>) target(%dma_start3A_109 : memref<125x16xf32, #tpu.memory_space<vmem>>) offsets(%dma_start3A_112 : memref<125xi32, #tpu.memory_space<vmem>>) semaphore(%arg15 : memref<!tpu.dma_semaphore, #tpu.memory_space<semaphore_mem>>)
      %dma_wait3A = arith.constant 0 : i32
      %dma_wait3A_116 = arith.constant 0 : i32
      %dma_wait3A_117 = arith.constant 0 : i32
      %dma_wait3A_118 = arith.constant 0 : i32
      %dma_wait3A_119 = tpu.memref_slice %arg11[%dma_wait3A_116, %dma_wait3A_117, %dma_wait3A_118] : memref<8x125x16xf32, #tpu.memory_space<vmem>> -> memref<1x125x16xf32, #tpu.memory_space<vmem>>
      %dma_wait3A_120 = tpu.memref_squeeze %dma_wait3A_119 : memref<1x125x16xf32, #tpu.memory_space<vmem>> -> memref<125x16xf32, #tpu.memory_space<vmem>>
      %dma_wait3A_121 = arith.constant 0 : i32
      %dma_wait3A_122 = tpu.memref_slice %arg9[%dma_wait3A, %dma_wait3A_121] : memref<8x125xi32, #tpu.memory_space<vmem>> -> memref<1x125xi32, #tpu.memory_space<vmem>>
      %dma_wait3A_123 = tpu.memref_squeeze %dma_wait3A_122 : memref<1x125xi32, #tpu.memory_space<vmem>> -> memref<125xi32, #tpu.memory_space<vmem>>
      %dma_wait3A_124 = arith.constant 0 : i32
      %dma_wait3A_125 = arith.constant 0 : i32
      %dma_wait3A_126 = tpu.memref_slice %arg2[%dma_wait3A_124, %dma_wait3A_125] : memref<100000x16xf32, #tpu.memory_space<hbm>> -> memref<100000x16xf32, #tpu.memory_space<hbm>>
      tpu.wait_indirect_dma semaphore(%arg15 : memref<!tpu.dma_semaphore, #tpu.memory_space<semaphore_mem>>) src(%dma_wait3A_126 : memref<100000x16xf32, #tpu.memory_space<hbm>>) dst(%dma_wait3A_120 : memref<125x16xf32, #tpu.memory_space<vmem>>)
      %dma_wait3A_127 = arith.constant 1 : i32
      %dma_wait3A_128 = arith.constant 1 : i32
      %dma_wait3A_129 = arith.constant 0 : i32
      %dma_wait3A_130 = arith.constant 0 : i32
      %dma_wait3A_131 = tpu.memref_slice %arg11[%dma_wait3A_128, %dma_wait3A_129, %dma_wait3A_130] : memref<8x125x16xf32, #tpu.memory_space<vmem>> -> memref<1x125x16xf32, #tpu.memory_space<vmem>>
      %dma_wait3A_132 = tpu.memref_squeeze %dma_wait3A_131 : memref<1x125x16xf32, #tpu.memory_space<vmem>> -> memref<125x16xf32, #tpu.memory_space<vmem>>
      %dma_wait3A_133 = arith.constant 0 : i32
      %dma_wait3A_134 = tpu.memref_slice %arg9[%dma_wait3A_127, %dma_wait3A_133] : memref<8x125xi32, #tpu.memory_space<vmem>> -> memref<1x125xi32, #tpu.memory_space<vmem>>
      %dma_wait3A_135 = tpu.memref_squeeze %dma_wait3A_134 : memref<1x125xi32, #tpu.memory_space<vmem>> -> memref<125xi32, #tpu.memory_space<vmem>>
      %dma_wait3A_136 = arith.constant 0 : i32
      %dma_wait3A_137 = arith.constant 0 : i32
      %dma_wait3A_138 = tpu.memref_slice %arg2[%dma_wait3A_136, %dma_wait3A_137] : memref<100000x16xf32, #tpu.memory_space<hbm>> -> memref<100000x16xf32, #tpu.memory_space<hbm>>
      tpu.wait_indirect_dma semaphore(%arg15 : memref<!tpu.dma_semaphore, #tpu.memory_space<semaphore_mem>>) src(%dma_wait3A_138 : memref<100000x16xf32, #tpu.memory_space<hbm>>) dst(%dma_wait3A_132 : memref<125x16xf32, #tpu.memory_space<vmem>>)
      %dma_wait3A_139 = arith.constant 2 : i32
      %dma_wait3A_140 = arith.constant 2 : i32
      %dma_wait3A_141 = arith.constant 0 : i32
      %dma_wait3A_142 = arith.constant 0 : i32
      %dma_wait3A_143 = tpu.memref_slice %arg11[%dma_wait3A_140, %dma_wait3A_141, %dma_wait3A_142] : memref<8x125x16xf32, #tpu.memory_space<vmem>> -> memref<1x125x16xf32, #tpu.memory_space<vmem>>
      %dma_wait3A_144 = tpu.memref_squeeze %dma_wait3A_143 : memref<1x125x16xf32, #tpu.memory_space<vmem>> -> memref<125x16xf32, #tpu.memory_space<vmem>>
      %dma_wait3A_145 = arith.constant 0 : i32
      %dma_wait3A_146 = tpu.memref_slice %arg9[%dma_wait3A_139, %dma_wait3A_145] : memref<8x125xi32, #tpu.memory_space<vmem>> -> memref<1x125xi32, #tpu.memory_space<vmem>>
      %dma_wait3A_147 = tpu.memref_squeeze %dma_wait3A_146 : memref<1x125xi32, #tpu.memory_space<vmem>> -> memref<125xi32, #tpu.memory_space<vmem>>
      %dma_wait3A_148 = arith.constant 0 : i32
      %dma_wait3A_149 = arith.constant 0 : i32
      %dma_wait3A_150 = tpu.memref_slice %arg2[%dma_wait3A_148, %dma_wait3A_149] : memref<100000x16xf32, #tpu.memory_space<hbm>> -> memref<100000x16xf32, #tpu.memory_space<hbm>>
      tpu.wait_indirect_dma semaphore(%arg15 : memref<!tpu.dma_semaphore, #tpu.memory_space<semaphore_mem>>) src(%dma_wait3A_150 : memref<100000x16xf32, #tpu.memory_space<hbm>>) dst(%dma_wait3A_144 : memref<125x16xf32, #tpu.memory_space<vmem>>)
      %dma_wait3A_151 = arith.constant 3 : i32
      %dma_wait3A_152 = arith.constant 3 : i32
      %dma_wait3A_153 = arith.constant 0 : i32
      %dma_wait3A_154 = arith.constant 0 : i32
      %dma_wait3A_155 = tpu.memref_slice %arg11[%dma_wait3A_152, %dma_wait3A_153, %dma_wait3A_154] : memref<8x125x16xf32, #tpu.memory_space<vmem>> -> memref<1x125x16xf32, #tpu.memory_space<vmem>>
      %dma_wait3A_156 = tpu.memref_squeeze %dma_wait3A_155 : memref<1x125x16xf32, #tpu.memory_space<vmem>> -> memref<125x16xf32, #tpu.memory_space<vmem>>
      %dma_wait3A_157 = arith.constant 0 : i32
      %dma_wait3A_158 = tpu.memref_slice %arg9[%dma_wait3A_151, %dma_wait3A_157] : memref<8x125xi32, #tpu.memory_space<vmem>> -> memref<1x125xi32, #tpu.memory_space<vmem>>
      %dma_wait3A_159 = tpu.memref_squeeze %dma_wait3A_158 : memref<1x125xi32, #tpu.memory_space<vmem>> -> memref<125xi32, #tpu.memory_space<vmem>>
      %dma_wait3A_160 = arith.constant 0 : i32
      %dma_wait3A_161 = arith.constant 0 : i32
      %dma_wait3A_162 = tpu.memref_slice %arg2[%dma_wait3A_160, %dma_wait3A_161] : memref<100000x16xf32, #tpu.memory_space<hbm>> -> memref<100000x16xf32, #tpu.memory_space<hbm>>
      tpu.wait_indirect_dma semaphore(%arg15 : memref<!tpu.dma_semaphore, #tpu.memory_space<semaphore_mem>>) src(%dma_wait3A_162 : memref<100000x16xf32, #tpu.memory_space<hbm>>) dst(%dma_wait3A_156 : memref<125x16xf32, #tpu.memory_space<vmem>>)
      %dma_wait3A_163 = arith.constant 4 : i32
      %dma_wait3A_164 = arith.constant 4 : i32
      %dma_wait3A_165 = arith.constant 0 : i32
      %dma_wait3A_166 = arith.constant 0 : i32
      %dma_wait3A_167 = tpu.memref_slice %arg11[%dma_wait3A_164, %dma_wait3A_165, %dma_wait3A_166] : memref<8x125x16xf32, #tpu.memory_space<vmem>> -> memref<1x125x16xf32, #tpu.memory_space<vmem>>
      %dma_wait3A_168 = tpu.memref_squeeze %dma_wait3A_167 : memref<1x125x16xf32, #tpu.memory_space<vmem>> -> memref<125x16xf32, #tpu.memory_space<vmem>>
      %dma_wait3A_169 = arith.constant 0 : i32
      %dma_wait3A_170 = tpu.memref_slice %arg9[%dma_wait3A_163, %dma_wait3A_169] : memref<8x125xi32, #tpu.memory_space<vmem>> -> memref<1x125xi32, #tpu.memory_space<vmem>>
      %dma_wait3A_171 = tpu.memref_squeeze %dma_wait3A_170 : memref<1x125xi32, #tpu.memory_space<vmem>> -> memref<125xi32, #tpu.memory_space<vmem>>
      %dma_wait3A_172 = arith.constant 0 : i32
      %dma_wait3A_173 = arith.constant 0 : i32
      %dma_wait3A_174 = tpu.memref_slice %arg2[%dma_wait3A_172, %dma_wait3A_173] : memref<100000x16xf32, #tpu.memory_space<hbm>> -> memref<100000x16xf32, #tpu.memory_space<hbm>>
      tpu.wait_indirect_dma semaphore(%arg15 : memref<!tpu.dma_semaphore, #tpu.memory_space<semaphore_mem>>) src(%dma_wait3A_174 : memref<100000x16xf32, #tpu.memory_space<hbm>>) dst(%dma_wait3A_168 : memref<125x16xf32, #tpu.memory_space<vmem>>)
      %dma_wait3A_175 = arith.constant 5 : i32
      %dma_wait3A_176 = arith.constant 5 : i32
      %dma_wait3A_177 = arith.constant 0 : i32
      %dma_wait3A_178 = arith.constant 0 : i32
      %dma_wait3A_179 = tpu.memref_slice %arg11[%dma_wait3A_176, %dma_wait3A_177, %dma_wait3A_178] : memref<8x125x16xf32, #tpu.memory_space<vmem>> -> memref<1x125x16xf32, #tpu.memory_space<vmem>>
      %dma_wait3A_180 = tpu.memref_squeeze %dma_wait3A_179 : memref<1x125x16xf32, #tpu.memory_space<vmem>> -> memref<125x16xf32, #tpu.memory_space<vmem>>
      %dma_wait3A_181 = arith.constant 0 : i32
      %dma_wait3A_182 = tpu.memref_slice %arg9[%dma_wait3A_175, %dma_wait3A_181] : memref<8x125xi32, #tpu.memory_space<vmem>> -> memref<1x125xi32, #tpu.memory_space<vmem>>
      %dma_wait3A_183 = tpu.memref_squeeze %dma_wait3A_182 : memref<1x125xi32, #tpu.memory_space<vmem>> -> memref<125xi32, #tpu.memory_space<vmem>>
      %dma_wait3A_184 = arith.constant 0 : i32
      %dma_wait3A_185 = arith.constant 0 : i32
      %dma_wait3A_186 = tpu.memref_slice %arg2[%dma_wait3A_184, %dma_wait3A_185] : memref<100000x16xf32, #tpu.memory_space<hbm>> -> memref<100000x16xf32, #tpu.memory_space<hbm>>
      tpu.wait_indirect_dma semaphore(%arg15 : memref<!tpu.dma_semaphore, #tpu.memory_space<semaphore_mem>>) src(%dma_wait3A_186 : memref<100000x16xf32, #tpu.memory_space<hbm>>) dst(%dma_wait3A_180 : memref<125x16xf32, #tpu.memory_space<vmem>>)
      %dma_wait3A_187 = arith.constant 6 : i32
      %dma_wait3A_188 = arith.constant 6 : i32
      %dma_wait3A_189 = arith.constant 0 : i32
      %dma_wait3A_190 = arith.constant 0 : i32
      %dma_wait3A_191 = tpu.memref_slice %arg11[%dma_wait3A_188, %dma_wait3A_189, %dma_wait3A_190] : memref<8x125x16xf32, #tpu.memory_space<vmem>> -> memref<1x125x16xf32, #tpu.memory_space<vmem>>
      %dma_wait3A_192 = tpu.memref_squeeze %dma_wait3A_191 : memref<1x125x16xf32, #tpu.memory_space<vmem>> -> memref<125x16xf32, #tpu.memory_space<vmem>>
      %dma_wait3A_193 = arith.constant 0 : i32
      %dma_wait3A_194 = tpu.memref_slice %arg9[%dma_wait3A_187, %dma_wait3A_193] : memref<8x125xi32, #tpu.memory_space<vmem>> -> memref<1x125xi32, #tpu.memory_space<vmem>>
      %dma_wait3A_195 = tpu.memref_squeeze %dma_wait3A_194 : memref<1x125xi32, #tpu.memory_space<vmem>> -> memref<125xi32, #tpu.memory_space<vmem>>
      %dma_wait3A_196 = arith.constant 0 : i32
      %dma_wait3A_197 = arith.constant 0 : i32
      %dma_wait3A_198 = tpu.memref_slice %arg2[%dma_wait3A_196, %dma_wait3A_197] : memref<100000x16xf32, #tpu.memory_space<hbm>> -> memref<100000x16xf32, #tpu.memory_space<hbm>>
      tpu.wait_indirect_dma semaphore(%arg15 : memref<!tpu.dma_semaphore, #tpu.memory_space<semaphore_mem>>) src(%dma_wait3A_198 : memref<100000x16xf32, #tpu.memory_space<hbm>>) dst(%dma_wait3A_192 : memref<125x16xf32, #tpu.memory_space<vmem>>)
      %dma_wait3A_199 = arith.constant 7 : i32
      %dma_wait3A_200 = arith.constant 7 : i32
      %dma_wait3A_201 = arith.constant 0 : i32
      %dma_wait3A_202 = arith.constant 0 : i32
      %dma_wait3A_203 = tpu.memref_slice %arg11[%dma_wait3A_200, %dma_wait3A_201, %dma_wait3A_202] : memref<8x125x16xf32, #tpu.memory_space<vmem>> -> memref<1x125x16xf32, #tpu.memory_space<vmem>>
      %dma_wait3A_204 = tpu.memref_squeeze %dma_wait3A_203 : memref<1x125x16xf32, #tpu.memory_space<vmem>> -> memref<125x16xf32, #tpu.memory_space<vmem>>
      %dma_wait3A_205 = arith.constant 0 : i32
      %dma_wait3A_206 = tpu.memref_slice %arg9[%dma_wait3A_199, %dma_wait3A_205] : memref<8x125xi32, #tpu.memory_space<vmem>> -> memref<1x125xi32, #tpu.memory_space<vmem>>
      %dma_wait3A_207 = tpu.memref_squeeze %dma_wait3A_206 : memref<1x125xi32, #tpu.memory_space<vmem>> -> memref<125xi32, #tpu.memory_space<vmem>>
      %dma_wait3A_208 = arith.constant 0 : i32
      %dma_wait3A_209 = arith.constant 0 : i32
      %dma_wait3A_210 = tpu.memref_slice %arg2[%dma_wait3A_208, %dma_wait3A_209] : memref<100000x16xf32, #tpu.memory_space<hbm>> -> memref<100000x16xf32, #tpu.memory_space<hbm>>
      tpu.wait_indirect_dma semaphore(%arg15 : memref<!tpu.dma_semaphore, #tpu.memory_space<semaphore_mem>>) src(%dma_wait3A_210 : memref<100000x16xf32, #tpu.memory_space<hbm>>) dst(%dma_wait3A_204 : memref<125x16xf32, #tpu.memory_space<vmem>>)
      %dma_start3A_211 = arith.constant 0 : i32
      %dma_start3A_212 = arith.constant 0 : i32
      %dma_start3A_213 = arith.constant 0 : i32
      %dma_start3A_214 = arith.constant 0 : i32
      %dma_start3A_215 = tpu.memref_slice %arg11[%dma_start3A_211, %dma_start3A_213, %dma_start3A_214] : memref<8x125x16xf32, #tpu.memory_space<vmem>> -> memref<1x125x16xf32, #tpu.memory_space<vmem>>
      %dma_start3A_216 = tpu.memref_squeeze %dma_start3A_215 : memref<1x125x16xf32, #tpu.memory_space<vmem>> -> memref<125x16xf32, #tpu.memory_space<vmem>>
      %dma_start3A_217 = arith.constant 0 : i32
      %dma_start3A_218 = tpu.memref_slice %arg10[%dma_start3A_212, %dma_start3A_217] : memref<8x125xi32, #tpu.memory_space<vmem>> -> memref<1x125xi32, #tpu.memory_space<vmem>>
      %dma_start3A_219 = tpu.memref_squeeze %dma_start3A_218 : memref<1x125xi32, #tpu.memory_space<vmem>> -> memref<125xi32, #tpu.memory_space<vmem>>
      %dma_start3A_220 = arith.constant 0 : i32
      %dma_start3A_221 = arith.constant 0 : i32
      %dma_start3A_222 = tpu.memref_slice %arg13[%dma_start3A_220, %dma_start3A_221] : memref<100352x16xf32, #tpu.memory_space<vmem_shared>> -> memref<100352x16xf32, #tpu.memory_space<vmem_shared>>
      tpu.enqueue_indirect_dma source(%dma_start3A_216 : memref<125x16xf32, #tpu.memory_space<vmem>>) target(%dma_start3A_222 : memref<100352x16xf32, #tpu.memory_space<vmem_shared>>) offsets(%dma_start3A_219 : memref<125xi32, #tpu.memory_space<vmem>>) semaphore(%arg16 : memref<!tpu.dma_semaphore, #tpu.memory_space<semaphore_mem>>) {add = true}
      %dma_start3A_223 = arith.constant 0 : i32
      %dma_start3A_224 = arith.constant 0 : i32
      %dma_start3A_225 = tpu.memref_slice %arg10[%dma_start3A_223, %dma_start3A_224] : memref<8x125xi32, #tpu.memory_space<vmem>> -> memref<1x125xi32, #tpu.memory_space<vmem>>
      %dma_start3A_226 = tpu.memref_squeeze %dma_start3A_225 : memref<1x125xi32, #tpu.memory_space<vmem>> -> memref<125xi32, #tpu.memory_space<vmem>>
      %dma_start3A_227 = arith.constant 0 : i32
      %dma_start3A_228 = tpu.memref_slice %arg14[%dma_start3A_227] : memref<100352xf32, #tpu.memory_space<vmem_shared>> -> memref<100352xf32, #tpu.memory_space<vmem_shared>>
      tpu.enqueue_indirect_dma source(%arg12 : memref<125xf32, #tpu.memory_space<vmem>>) target(%dma_start3A_228 : memref<100352xf32, #tpu.memory_space<vmem_shared>>) offsets(%dma_start3A_226 : memref<125xi32, #tpu.memory_space<vmem>>) semaphore(%arg16 : memref<!tpu.dma_semaphore, #tpu.memory_space<semaphore_mem>>) {add = true}
      %dma_start3A_229 = arith.constant 1 : i32
      %dma_start3A_230 = arith.constant 1 : i32
      %dma_start3A_231 = arith.constant 0 : i32
      %dma_start3A_232 = arith.constant 0 : i32
      %dma_start3A_233 = tpu.memref_slice %arg11[%dma_start3A_229, %dma_start3A_231, %dma_start3A_232] : memref<8x125x16xf32, #tpu.memory_space<vmem>> -> memref<1x125x16xf32, #tpu.memory_space<vmem>>
      %dma_start3A_234 = tpu.memref_squeeze %dma_start3A_233 : memref<1x125x16xf32, #tpu.memory_space<vmem>> -> memref<125x16xf32, #tpu.memory_space<vmem>>
      %dma_start3A_235 = arith.constant 0 : i32
      %dma_start3A_236 = tpu.memref_slice %arg10[%dma_start3A_230, %dma_start3A_235] : memref<8x125xi32, #tpu.memory_space<vmem>> -> memref<1x125xi32, #tpu.memory_space<vmem>>
      %dma_start3A_237 = tpu.memref_squeeze %dma_start3A_236 : memref<1x125xi32, #tpu.memory_space<vmem>> -> memref<125xi32, #tpu.memory_space<vmem>>
      %dma_start3A_238 = arith.constant 0 : i32
      %dma_start3A_239 = arith.constant 0 : i32
      %dma_start3A_240 = tpu.memref_slice %arg13[%dma_start3A_238, %dma_start3A_239] : memref<100352x16xf32, #tpu.memory_space<vmem_shared>> -> memref<100352x16xf32, #tpu.memory_space<vmem_shared>>
      tpu.enqueue_indirect_dma source(%dma_start3A_234 : memref<125x16xf32, #tpu.memory_space<vmem>>) target(%dma_start3A_240 : memref<100352x16xf32, #tpu.memory_space<vmem_shared>>) offsets(%dma_start3A_237 : memref<125xi32, #tpu.memory_space<vmem>>) semaphore(%arg16 : memref<!tpu.dma_semaphore, #tpu.memory_space<semaphore_mem>>) {add = true}
      %dma_start3A_241 = arith.constant 1 : i32
      %dma_start3A_242 = arith.constant 0 : i32
      %dma_start3A_243 = tpu.memref_slice %arg10[%dma_start3A_241, %dma_start3A_242] : memref<8x125xi32, #tpu.memory_space<vmem>> -> memref<1x125xi32, #tpu.memory_space<vmem>>
      %dma_start3A_244 = tpu.memref_squeeze %dma_start3A_243 : memref<1x125xi32, #tpu.memory_space<vmem>> -> memref<125xi32, #tpu.memory_space<vmem>>
      %dma_start3A_245 = arith.constant 0 : i32
      %dma_start3A_246 = tpu.memref_slice %arg14[%dma_start3A_245] : memref<100352xf32, #tpu.memory_space<vmem_shared>> -> memref<100352xf32, #tpu.memory_space<vmem_shared>>
      tpu.enqueue_indirect_dma source(%arg12 : memref<125xf32, #tpu.memory_space<vmem>>) target(%dma_start3A_246 : memref<100352xf32, #tpu.memory_space<vmem_shared>>) offsets(%dma_start3A_244 : memref<125xi32, #tpu.memory_space<vmem>>) semaphore(%arg16 : memref<!tpu.dma_semaphore, #tpu.memory_space<semaphore_mem>>) {add = true}
      %dma_start3A_247 = arith.constant 2 : i32
      %dma_start3A_248 = arith.constant 2 : i32
      %dma_start3A_249 = arith.constant 0 : i32
      %dma_start3A_250 = arith.constant 0 : i32
      %dma_start3A_251 = tpu.memref_slice %arg11[%dma_start3A_247, %dma_start3A_249, %dma_start3A_250] : memref<8x125x16xf32, #tpu.memory_space<vmem>> -> memref<1x125x16xf32, #tpu.memory_space<vmem>>
      %dma_start3A_252 = tpu.memref_squeeze %dma_start3A_251 : memref<1x125x16xf32, #tpu.memory_space<vmem>> -> memref<125x16xf32, #tpu.memory_space<vmem>>
      %dma_start3A_253 = arith.constant 0 : i32
      %dma_start3A_254 = tpu.memref_slice %arg10[%dma_start3A_248, %dma_start3A_253] : memref<8x125xi32, #tpu.memory_space<vmem>> -> memref<1x125xi32, #tpu.memory_space<vmem>>
      %dma_start3A_255 = tpu.memref_squeeze %dma_start3A_254 : memref<1x125xi32, #tpu.memory_space<vmem>> -> memref<125xi32, #tpu.memory_space<vmem>>
      %dma_start3A_256 = arith.constant 0 : i32
      %dma_start3A_257 = arith.constant 0 : i32
      %dma_start3A_258 = tpu.memref_slice %arg13[%dma_start3A_256, %dma_start3A_257] : memref<100352x16xf32, #tpu.memory_space<vmem_shared>> -> memref<100352x16xf32, #tpu.memory_space<vmem_shared>>
      tpu.enqueue_indirect_dma source(%dma_start3A_252 : memref<125x16xf32, #tpu.memory_space<vmem>>) target(%dma_start3A_258 : memref<100352x16xf32, #tpu.memory_space<vmem_shared>>) offsets(%dma_start3A_255 : memref<125xi32, #tpu.memory_space<vmem>>) semaphore(%arg16 : memref<!tpu.dma_semaphore, #tpu.memory_space<semaphore_mem>>) {add = true}
      %dma_start3A_259 = arith.constant 2 : i32
      %dma_start3A_260 = arith.constant 0 : i32
      %dma_start3A_261 = tpu.memref_slice %arg10[%dma_start3A_259, %dma_start3A_260] : memref<8x125xi32, #tpu.memory_space<vmem>> -> memref<1x125xi32, #tpu.memory_space<vmem>>
      %dma_start3A_262 = tpu.memref_squeeze %dma_start3A_261 : memref<1x125xi32, #tpu.memory_space<vmem>> -> memref<125xi32, #tpu.memory_space<vmem>>
      %dma_start3A_263 = arith.constant 0 : i32
      %dma_start3A_264 = tpu.memref_slice %arg14[%dma_start3A_263] : memref<100352xf32, #tpu.memory_space<vmem_shared>> -> memref<100352xf32, #tpu.memory_space<vmem_shared>>
      tpu.enqueue_indirect_dma source(%arg12 : memref<125xf32, #tpu.memory_space<vmem>>) target(%dma_start3A_264 : memref<100352xf32, #tpu.memory_space<vmem_shared>>) offsets(%dma_start3A_262 : memref<125xi32, #tpu.memory_space<vmem>>) semaphore(%arg16 : memref<!tpu.dma_semaphore, #tpu.memory_space<semaphore_mem>>) {add = true}
      %dma_start3A_265 = arith.constant 3 : i32
      %dma_start3A_266 = arith.constant 3 : i32
      %dma_start3A_267 = arith.constant 0 : i32
      %dma_start3A_268 = arith.constant 0 : i32
      %dma_start3A_269 = tpu.memref_slice %arg11[%dma_start3A_265, %dma_start3A_267, %dma_start3A_268] : memref<8x125x16xf32, #tpu.memory_space<vmem>> -> memref<1x125x16xf32, #tpu.memory_space<vmem>>
      %dma_start3A_270 = tpu.memref_squeeze %dma_start3A_269 : memref<1x125x16xf32, #tpu.memory_space<vmem>> -> memref<125x16xf32, #tpu.memory_space<vmem>>
      %dma_start3A_271 = arith.constant 0 : i32
      %dma_start3A_272 = tpu.memref_slice %arg10[%dma_start3A_266, %dma_start3A_271] : memref<8x125xi32, #tpu.memory_space<vmem>> -> memref<1x125xi32, #tpu.memory_space<vmem>>
      %dma_start3A_273 = tpu.memref_squeeze %dma_start3A_272 : memref<1x125xi32, #tpu.memory_space<vmem>> -> memref<125xi32, #tpu.memory_space<vmem>>
      %dma_start3A_274 = arith.constant 0 : i32
      %dma_start3A_275 = arith.constant 0 : i32
      %dma_start3A_276 = tpu.memref_slice %arg13[%dma_start3A_274, %dma_start3A_275] : memref<100352x16xf32, #tpu.memory_space<vmem_shared>> -> memref<100352x16xf32, #tpu.memory_space<vmem_shared>>
      tpu.enqueue_indirect_dma source(%dma_start3A_270 : memref<125x16xf32, #tpu.memory_space<vmem>>) target(%dma_start3A_276 : memref<100352x16xf32, #tpu.memory_space<vmem_shared>>) offsets(%dma_start3A_273 : memref<125xi32, #tpu.memory_space<vmem>>) semaphore(%arg16 : memref<!tpu.dma_semaphore, #tpu.memory_space<semaphore_mem>>) {add = true}
      %dma_start3A_277 = arith.constant 3 : i32
      %dma_start3A_278 = arith.constant 0 : i32
      %dma_start3A_279 = tpu.memref_slice %arg10[%dma_start3A_277, %dma_start3A_278] : memref<8x125xi32, #tpu.memory_space<vmem>> -> memref<1x125xi32, #tpu.memory_space<vmem>>
      %dma_start3A_280 = tpu.memref_squeeze %dma_start3A_279 : memref<1x125xi32, #tpu.memory_space<vmem>> -> memref<125xi32, #tpu.memory_space<vmem>>
      %dma_start3A_281 = arith.constant 0 : i32
      %dma_start3A_282 = tpu.memref_slice %arg14[%dma_start3A_281] : memref<100352xf32, #tpu.memory_space<vmem_shared>> -> memref<100352xf32, #tpu.memory_space<vmem_shared>>
      tpu.enqueue_indirect_dma source(%arg12 : memref<125xf32, #tpu.memory_space<vmem>>) target(%dma_start3A_282 : memref<100352xf32, #tpu.memory_space<vmem_shared>>) offsets(%dma_start3A_280 : memref<125xi32, #tpu.memory_space<vmem>>) semaphore(%arg16 : memref<!tpu.dma_semaphore, #tpu.memory_space<semaphore_mem>>) {add = true}
      %dma_start3A_283 = arith.constant 4 : i32
      %dma_start3A_284 = arith.constant 4 : i32
      %dma_start3A_285 = arith.constant 0 : i32
      %dma_start3A_286 = arith.constant 0 : i32
      %dma_start3A_287 = tpu.memref_slice %arg11[%dma_start3A_283, %dma_start3A_285, %dma_start3A_286] : memref<8x125x16xf32, #tpu.memory_space<vmem>> -> memref<1x125x16xf32, #tpu.memory_space<vmem>>
      %dma_start3A_288 = tpu.memref_squeeze %dma_start3A_287 : memref<1x125x16xf32, #tpu.memory_space<vmem>> -> memref<125x16xf32, #tpu.memory_space<vmem>>
      %dma_start3A_289 = arith.constant 0 : i32
      %dma_start3A_290 = tpu.memref_slice %arg10[%dma_start3A_284, %dma_start3A_289] : memref<8x125xi32, #tpu.memory_space<vmem>> -> memref<1x125xi32, #tpu.memory_space<vmem>>
      %dma_start3A_291 = tpu.memref_squeeze %dma_start3A_290 : memref<1x125xi32, #tpu.memory_space<vmem>> -> memref<125xi32, #tpu.memory_space<vmem>>
      %dma_start3A_292 = arith.constant 0 : i32
      %dma_start3A_293 = arith.constant 0 : i32
      %dma_start3A_294 = tpu.memref_slice %arg13[%dma_start3A_292, %dma_start3A_293] : memref<100352x16xf32, #tpu.memory_space<vmem_shared>> -> memref<100352x16xf32, #tpu.memory_space<vmem_shared>>
      tpu.enqueue_indirect_dma source(%dma_start3A_288 : memref<125x16xf32, #tpu.memory_space<vmem>>) target(%dma_start3A_294 : memref<100352x16xf32, #tpu.memory_space<vmem_shared>>) offsets(%dma_start3A_291 : memref<125xi32, #tpu.memory_space<vmem>>) semaphore(%arg16 : memref<!tpu.dma_semaphore, #tpu.memory_space<semaphore_mem>>) {add = true}
      %dma_start3A_295 = arith.constant 4 : i32
      %dma_start3A_296 = arith.constant 0 : i32
      %dma_start3A_297 = tpu.memref_slice %arg10[%dma_start3A_295, %dma_start3A_296] : memref<8x125xi32, #tpu.memory_space<vmem>> -> memref<1x125xi32, #tpu.memory_space<vmem>>
      %dma_start3A_298 = tpu.memref_squeeze %dma_start3A_297 : memref<1x125xi32, #tpu.memory_space<vmem>> -> memref<125xi32, #tpu.memory_space<vmem>>
      %dma_start3A_299 = arith.constant 0 : i32
      %dma_start3A_300 = tpu.memref_slice %arg14[%dma_start3A_299] : memref<100352xf32, #tpu.memory_space<vmem_shared>> -> memref<100352xf32, #tpu.memory_space<vmem_shared>>
      tpu.enqueue_indirect_dma source(%arg12 : memref<125xf32, #tpu.memory_space<vmem>>) target(%dma_start3A_300 : memref<100352xf32, #tpu.memory_space<vmem_shared>>) offsets(%dma_start3A_298 : memref<125xi32, #tpu.memory_space<vmem>>) semaphore(%arg16 : memref<!tpu.dma_semaphore, #tpu.memory_space<semaphore_mem>>) {add = true}
      %dma_start3A_301 = arith.constant 5 : i32
      %dma_start3A_302 = arith.constant 5 : i32
      %dma_start3A_303 = arith.constant 0 : i32
      %dma_start3A_304 = arith.constant 0 : i32
      %dma_start3A_305 = tpu.memref_slice %arg11[%dma_start3A_301, %dma_start3A_303, %dma_start3A_304] : memref<8x125x16xf32, #tpu.memory_space<vmem>> -> memref<1x125x16xf32, #tpu.memory_space<vmem>>
      %dma_start3A_306 = tpu.memref_squeeze %dma_start3A_305 : memref<1x125x16xf32, #tpu.memory_space<vmem>> -> memref<125x16xf32, #tpu.memory_space<vmem>>
      %dma_start3A_307 = arith.constant 0 : i32
      %dma_start3A_308 = tpu.memref_slice %arg10[%dma_start3A_302, %dma_start3A_307] : memref<8x125xi32, #tpu.memory_space<vmem>> -> memref<1x125xi32, #tpu.memory_space<vmem>>
      %dma_start3A_309 = tpu.memref_squeeze %dma_start3A_308 : memref<1x125xi32, #tpu.memory_space<vmem>> -> memref<125xi32, #tpu.memory_space<vmem>>
      %dma_start3A_310 = arith.constant 0 : i32
      %dma_start3A_311 = arith.constant 0 : i32
      %dma_start3A_312 = tpu.memref_slice %arg13[%dma_start3A_310, %dma_start3A_311] : memref<100352x16xf32, #tpu.memory_space<vmem_shared>> -> memref<100352x16xf32, #tpu.memory_space<vmem_shared>>
      tpu.enqueue_indirect_dma source(%dma_start3A_306 : memref<125x16xf32, #tpu.memory_space<vmem>>) target(%dma_start3A_312 : memref<100352x16xf32, #tpu.memory_space<vmem_shared>>) offsets(%dma_start3A_309 : memref<125xi32, #tpu.memory_space<vmem>>) semaphore(%arg16 : memref<!tpu.dma_semaphore, #tpu.memory_space<semaphore_mem>>) {add = true}
      %dma_start3A_313 = arith.constant 5 : i32
      %dma_start3A_314 = arith.constant 0 : i32
      %dma_start3A_315 = tpu.memref_slice %arg10[%dma_start3A_313, %dma_start3A_314] : memref<8x125xi32, #tpu.memory_space<vmem>> -> memref<1x125xi32, #tpu.memory_space<vmem>>
      %dma_start3A_316 = tpu.memref_squeeze %dma_start3A_315 : memref<1x125xi32, #tpu.memory_space<vmem>> -> memref<125xi32, #tpu.memory_space<vmem>>
      %dma_start3A_317 = arith.constant 0 : i32
      %dma_start3A_318 = tpu.memref_slice %arg14[%dma_start3A_317] : memref<100352xf32, #tpu.memory_space<vmem_shared>> -> memref<100352xf32, #tpu.memory_space<vmem_shared>>
      tpu.enqueue_indirect_dma source(%arg12 : memref<125xf32, #tpu.memory_space<vmem>>) target(%dma_start3A_318 : memref<100352xf32, #tpu.memory_space<vmem_shared>>) offsets(%dma_start3A_316 : memref<125xi32, #tpu.memory_space<vmem>>) semaphore(%arg16 : memref<!tpu.dma_semaphore, #tpu.memory_space<semaphore_mem>>) {add = true}
      %dma_start3A_319 = arith.constant 6 : i32
      %dma_start3A_320 = arith.constant 6 : i32
      %dma_start3A_321 = arith.constant 0 : i32
      %dma_start3A_322 = arith.constant 0 : i32
      %dma_start3A_323 = tpu.memref_slice %arg11[%dma_start3A_319, %dma_start3A_321, %dma_start3A_322] : memref<8x125x16xf32, #tpu.memory_space<vmem>> -> memref<1x125x16xf32, #tpu.memory_space<vmem>>
      %dma_start3A_324 = tpu.memref_squeeze %dma_start3A_323 : memref<1x125x16xf32, #tpu.memory_space<vmem>> -> memref<125x16xf32, #tpu.memory_space<vmem>>
      %dma_start3A_325 = arith.constant 0 : i32
      %dma_start3A_326 = tpu.memref_slice %arg10[%dma_start3A_320, %dma_start3A_325] : memref<8x125xi32, #tpu.memory_space<vmem>> -> memref<1x125xi32, #tpu.memory_space<vmem>>
      %dma_start3A_327 = tpu.memref_squeeze %dma_start3A_326 : memref<1x125xi32, #tpu.memory_space<vmem>> -> memref<125xi32, #tpu.memory_space<vmem>>
      %dma_start3A_328 = arith.constant 0 : i32
      %dma_start3A_329 = arith.constant 0 : i32
      %dma_start3A_330 = tpu.memref_slice %arg13[%dma_start3A_328, %dma_start3A_329] : memref<100352x16xf32, #tpu.memory_space<vmem_shared>> -> memref<100352x16xf32, #tpu.memory_space<vmem_shared>>
      tpu.enqueue_indirect_dma source(%dma_start3A_324 : memref<125x16xf32, #tpu.memory_space<vmem>>) target(%dma_start3A_330 : memref<100352x16xf32, #tpu.memory_space<vmem_shared>>) offsets(%dma_start3A_327 : memref<125xi32, #tpu.memory_space<vmem>>) semaphore(%arg16 : memref<!tpu.dma_semaphore, #tpu.memory_space<semaphore_mem>>) {add = true}
      %dma_start3A_331 = arith.constant 6 : i32
      %dma_start3A_332 = arith.constant 0 : i32
      %dma_start3A_333 = tpu.memref_slice %arg10[%dma_start3A_331, %dma_start3A_332] : memref<8x125xi32, #tpu.memory_space<vmem>> -> memref<1x125xi32, #tpu.memory_space<vmem>>
      %dma_start3A_334 = tpu.memref_squeeze %dma_start3A_333 : memref<1x125xi32, #tpu.memory_space<vmem>> -> memref<125xi32, #tpu.memory_space<vmem>>
      %dma_start3A_335 = arith.constant 0 : i32
      %dma_start3A_336 = tpu.memref_slice %arg14[%dma_start3A_335] : memref<100352xf32, #tpu.memory_space<vmem_shared>> -> memref<100352xf32, #tpu.memory_space<vmem_shared>>
      tpu.enqueue_indirect_dma source(%arg12 : memref<125xf32, #tpu.memory_space<vmem>>) target(%dma_start3A_336 : memref<100352xf32, #tpu.memory_space<vmem_shared>>) offsets(%dma_start3A_334 : memref<125xi32, #tpu.memory_space<vmem>>) semaphore(%arg16 : memref<!tpu.dma_semaphore, #tpu.memory_space<semaphore_mem>>) {add = true}
      %dma_start3A_337 = arith.constant 7 : i32
      %dma_start3A_338 = arith.constant 7 : i32
      %dma_start3A_339 = arith.constant 0 : i32
      %dma_start3A_340 = arith.constant 0 : i32
      %dma_start3A_341 = tpu.memref_slice %arg11[%dma_start3A_337, %dma_start3A_339, %dma_start3A_340] : memref<8x125x16xf32, #tpu.memory_space<vmem>> -> memref<1x125x16xf32, #tpu.memory_space<vmem>>
      %dma_start3A_342 = tpu.memref_squeeze %dma_start3A_341 : memref<1x125x16xf32, #tpu.memory_space<vmem>> -> memref<125x16xf32, #tpu.memory_space<vmem>>
      %dma_start3A_343 = arith.constant 0 : i32
      %dma_start3A_344 = tpu.memref_slice %arg10[%dma_start3A_338, %dma_start3A_343] : memref<8x125xi32, #tpu.memory_space<vmem>> -> memref<1x125xi32, #tpu.memory_space<vmem>>
      %dma_start3A_345 = tpu.memref_squeeze %dma_start3A_344 : memref<1x125xi32, #tpu.memory_space<vmem>> -> memref<125xi32, #tpu.memory_space<vmem>>
      %dma_start3A_346 = arith.constant 0 : i32
      %dma_start3A_347 = arith.constant 0 : i32
      %dma_start3A_348 = tpu.memref_slice %arg13[%dma_start3A_346, %dma_start3A_347] : memref<100352x16xf32, #tpu.memory_space<vmem_shared>> -> memref<100352x16xf32, #tpu.memory_space<vmem_shared>>
      tpu.enqueue_indirect_dma source(%dma_start3A_342 : memref<125x16xf32, #tpu.memory_space<vmem>>) target(%dma_start3A_348 : memref<100352x16xf32, #tpu.memory_space<vmem_shared>>) offsets(%dma_start3A_345 : memref<125xi32, #tpu.memory_space<vmem>>) semaphore(%arg16 : memref<!tpu.dma_semaphore, #tpu.memory_space<semaphore_mem>>) {add = true}
      %dma_start3A_349 = arith.constant 7 : i32
      %dma_start3A_350 = arith.constant 0 : i32
      %dma_start3A_351 = tpu.memref_slice %arg10[%dma_start3A_349, %dma_start3A_350] : memref<8x125xi32, #tpu.memory_space<vmem>> -> memref<1x125xi32, #tpu.memory_space<vmem>>
      %dma_start3A_352 = tpu.memref_squeeze %dma_start3A_351 : memref<1x125xi32, #tpu.memory_space<vmem>> -> memref<125xi32, #tpu.memory_space<vmem>>
      %dma_start3A_353 = arith.constant 0 : i32
      %dma_start3A_354 = tpu.memref_slice %arg14[%dma_start3A_353] : memref<100352xf32, #tpu.memory_space<vmem_shared>> -> memref<100352xf32, #tpu.memory_space<vmem_shared>>
      tpu.enqueue_indirect_dma source(%arg12 : memref<125xf32, #tpu.memory_space<vmem>>) target(%dma_start3A_354 : memref<100352xf32, #tpu.memory_space<vmem_shared>>) offsets(%dma_start3A_352 : memref<125xi32, #tpu.memory_space<vmem>>) semaphore(%arg16 : memref<!tpu.dma_semaphore, #tpu.memory_space<semaphore_mem>>) {add = true}
      %dma_wait3A_355 = arith.constant 0 : i32
      %dma_wait3A_356 = arith.constant 0 : i32
      %dma_wait3A_357 = arith.constant 0 : i32
      %dma_wait3A_358 = arith.constant 0 : i32
      %dma_wait3A_359 = tpu.memref_slice %arg11[%dma_wait3A_355, %dma_wait3A_357, %dma_wait3A_358] : memref<8x125x16xf32, #tpu.memory_space<vmem>> -> memref<1x125x16xf32, #tpu.memory_space<vmem>>
      %dma_wait3A_360 = tpu.memref_squeeze %dma_wait3A_359 : memref<1x125x16xf32, #tpu.memory_space<vmem>> -> memref<125x16xf32, #tpu.memory_space<vmem>>
      %dma_wait3A_361 = arith.constant 0 : i32
      %dma_wait3A_362 = tpu.memref_slice %arg10[%dma_wait3A_356, %dma_wait3A_361] : memref<8x125xi32, #tpu.memory_space<vmem>> -> memref<1x125xi32, #tpu.memory_space<vmem>>
      %dma_wait3A_363 = tpu.memref_squeeze %dma_wait3A_362 : memref<1x125xi32, #tpu.memory_space<vmem>> -> memref<125xi32, #tpu.memory_space<vmem>>
      %dma_wait3A_364 = arith.constant 0 : i32
      %dma_wait3A_365 = arith.constant 0 : i32
      %dma_wait3A_366 = tpu.memref_slice %arg13[%dma_wait3A_364, %dma_wait3A_365] : memref<100352x16xf32, #tpu.memory_space<vmem_shared>> -> memref<100352x16xf32, #tpu.memory_space<vmem_shared>>
      tpu.wait_indirect_dma semaphore(%arg16 : memref<!tpu.dma_semaphore, #tpu.memory_space<semaphore_mem>>) src(%dma_wait3A_360 : memref<125x16xf32, #tpu.memory_space<vmem>>) dst(%dma_wait3A_366 : memref<100352x16xf32, #tpu.memory_space<vmem_shared>>)
      %dma_wait3A_367 = arith.constant 0 : i32
      %dma_wait3A_368 = arith.constant 0 : i32
      %dma_wait3A_369 = tpu.memref_slice %arg10[%dma_wait3A_367, %dma_wait3A_368] : memref<8x125xi32, #tpu.memory_space<vmem>> -> memref<1x125xi32, #tpu.memory_space<vmem>>
      %dma_wait3A_370 = tpu.memref_squeeze %dma_wait3A_369 : memref<1x125xi32, #tpu.memory_space<vmem>> -> memref<125xi32, #tpu.memory_space<vmem>>
      %dma_wait3A_371 = arith.constant 0 : i32
      %dma_wait3A_372 = tpu.memref_slice %arg14[%dma_wait3A_371] : memref<100352xf32, #tpu.memory_space<vmem_shared>> -> memref<100352xf32, #tpu.memory_space<vmem_shared>>
      tpu.wait_indirect_dma semaphore(%arg16 : memref<!tpu.dma_semaphore, #tpu.memory_space<semaphore_mem>>) src(%arg12 : memref<125xf32, #tpu.memory_space<vmem>>) dst(%dma_wait3A_372 : memref<100352xf32, #tpu.memory_space<vmem_shared>>)
      %dma_wait3A_373 = arith.constant 1 : i32
      %dma_wait3A_374 = arith.constant 1 : i32
      %dma_wait3A_375 = arith.constant 0 : i32
      %dma_wait3A_376 = arith.constant 0 : i32
      %dma_wait3A_377 = tpu.memref_slice %arg11[%dma_wait3A_373, %dma_wait3A_375, %dma_wait3A_376] : memref<8x125x16xf32, #tpu.memory_space<vmem>> -> memref<1x125x16xf32, #tpu.memory_space<vmem>>
      %dma_wait3A_378 = tpu.memref_squeeze %dma_wait3A_377 : memref<1x125x16xf32, #tpu.memory_space<vmem>> -> memref<125x16xf32, #tpu.memory_space<vmem>>
      %dma_wait3A_379 = arith.constant 0 : i32
      %dma_wait3A_380 = tpu.memref_slice %arg10[%dma_wait3A_374, %dma_wait3A_379] : memref<8x125xi32, #tpu.memory_space<vmem>> -> memref<1x125xi32, #tpu.memory_space<vmem>>
      %dma_wait3A_381 = tpu.memref_squeeze %dma_wait3A_380 : memref<1x125xi32, #tpu.memory_space<vmem>> -> memref<125xi32, #tpu.memory_space<vmem>>
      %dma_wait3A_382 = arith.constant 0 : i32
      %dma_wait3A_383 = arith.constant 0 : i32
      %dma_wait3A_384 = tpu.memref_slice %arg13[%dma_wait3A_382, %dma_wait3A_383] : memref<100352x16xf32, #tpu.memory_space<vmem_shared>> -> memref<100352x16xf32, #tpu.memory_space<vmem_shared>>
      tpu.wait_indirect_dma semaphore(%arg16 : memref<!tpu.dma_semaphore, #tpu.memory_space<semaphore_mem>>) src(%dma_wait3A_378 : memref<125x16xf32, #tpu.memory_space<vmem>>) dst(%dma_wait3A_384 : memref<100352x16xf32, #tpu.memory_space<vmem_shared>>)
      %dma_wait3A_385 = arith.constant 1 : i32
      %dma_wait3A_386 = arith.constant 0 : i32
      %dma_wait3A_387 = tpu.memref_slice %arg10[%dma_wait3A_385, %dma_wait3A_386] : memref<8x125xi32, #tpu.memory_space<vmem>> -> memref<1x125xi32, #tpu.memory_space<vmem>>
      %dma_wait3A_388 = tpu.memref_squeeze %dma_wait3A_387 : memref<1x125xi32, #tpu.memory_space<vmem>> -> memref<125xi32, #tpu.memory_space<vmem>>
      %dma_wait3A_389 = arith.constant 0 : i32
      %dma_wait3A_390 = tpu.memref_slice %arg14[%dma_wait3A_389] : memref<100352xf32, #tpu.memory_space<vmem_shared>> -> memref<100352xf32, #tpu.memory_space<vmem_shared>>
      tpu.wait_indirect_dma semaphore(%arg16 : memref<!tpu.dma_semaphore, #tpu.memory_space<semaphore_mem>>) src(%arg12 : memref<125xf32, #tpu.memory_space<vmem>>) dst(%dma_wait3A_390 : memref<100352xf32, #tpu.memory_space<vmem_shared>>)
      %dma_wait3A_391 = arith.constant 2 : i32
      %dma_wait3A_392 = arith.constant 2 : i32
      %dma_wait3A_393 = arith.constant 0 : i32
      %dma_wait3A_394 = arith.constant 0 : i32
      %dma_wait3A_395 = tpu.memref_slice %arg11[%dma_wait3A_391, %dma_wait3A_393, %dma_wait3A_394] : memref<8x125x16xf32, #tpu.memory_space<vmem>> -> memref<1x125x16xf32, #tpu.memory_space<vmem>>
      %dma_wait3A_396 = tpu.memref_squeeze %dma_wait3A_395 : memref<1x125x16xf32, #tpu.memory_space<vmem>> -> memref<125x16xf32, #tpu.memory_space<vmem>>
      %dma_wait3A_397 = arith.constant 0 : i32
      %dma_wait3A_398 = tpu.memref_slice %arg10[%dma_wait3A_392, %dma_wait3A_397] : memref<8x125xi32, #tpu.memory_space<vmem>> -> memref<1x125xi32, #tpu.memory_space<vmem>>
      %dma_wait3A_399 = tpu.memref_squeeze %dma_wait3A_398 : memref<1x125xi32, #tpu.memory_space<vmem>> -> memref<125xi32, #tpu.memory_space<vmem>>
      %dma_wait3A_400 = arith.constant 0 : i32
      %dma_wait3A_401 = arith.constant 0 : i32
      %dma_wait3A_402 = tpu.memref_slice %arg13[%dma_wait3A_400, %dma_wait3A_401] : memref<100352x16xf32, #tpu.memory_space<vmem_shared>> -> memref<100352x16xf32, #tpu.memory_space<vmem_shared>>
      tpu.wait_indirect_dma semaphore(%arg16 : memref<!tpu.dma_semaphore, #tpu.memory_space<semaphore_mem>>) src(%dma_wait3A_396 : memref<125x16xf32, #tpu.memory_space<vmem>>) dst(%dma_wait3A_402 : memref<100352x16xf32, #tpu.memory_space<vmem_shared>>)
      %dma_wait3A_403 = arith.constant 2 : i32
      %dma_wait3A_404 = arith.constant 0 : i32
      %dma_wait3A_405 = tpu.memref_slice %arg10[%dma_wait3A_403, %dma_wait3A_404] : memref<8x125xi32, #tpu.memory_space<vmem>> -> memref<1x125xi32, #tpu.memory_space<vmem>>
      %dma_wait3A_406 = tpu.memref_squeeze %dma_wait3A_405 : memref<1x125xi32, #tpu.memory_space<vmem>> -> memref<125xi32, #tpu.memory_space<vmem>>
      %dma_wait3A_407 = arith.constant 0 : i32
      %dma_wait3A_408 = tpu.memref_slice %arg14[%dma_wait3A_407] : memref<100352xf32, #tpu.memory_space<vmem_shared>> -> memref<100352xf32, #tpu.memory_space<vmem_shared>>
      tpu.wait_indirect_dma semaphore(%arg16 : memref<!tpu.dma_semaphore, #tpu.memory_space<semaphore_mem>>) src(%arg12 : memref<125xf32, #tpu.memory_space<vmem>>) dst(%dma_wait3A_408 : memref<100352xf32, #tpu.memory_space<vmem_shared>>)
      %dma_wait3A_409 = arith.constant 3 : i32
      %dma_wait3A_410 = arith.constant 3 : i32
      %dma_wait3A_411 = arith.constant 0 : i32
      %dma_wait3A_412 = arith.constant 0 : i32
      %dma_wait3A_413 = tpu.memref_slice %arg11[%dma_wait3A_409, %dma_wait3A_411, %dma_wait3A_412] : memref<8x125x16xf32, #tpu.memory_space<vmem>> -> memref<1x125x16xf32, #tpu.memory_space<vmem>>
      %dma_wait3A_414 = tpu.memref_squeeze %dma_wait3A_413 : memref<1x125x16xf32, #tpu.memory_space<vmem>> -> memref<125x16xf32, #tpu.memory_space<vmem>>
      %dma_wait3A_415 = arith.constant 0 : i32
      %dma_wait3A_416 = tpu.memref_slice %arg10[%dma_wait3A_410, %dma_wait3A_415] : memref<8x125xi32, #tpu.memory_space<vmem>> -> memref<1x125xi32, #tpu.memory_space<vmem>>
      %dma_wait3A_417 = tpu.memref_squeeze %dma_wait3A_416 : memref<1x125xi32, #tpu.memory_space<vmem>> -> memref<125xi32, #tpu.memory_space<vmem>>
      %dma_wait3A_418 = arith.constant 0 : i32
      %dma_wait3A_419 = arith.constant 0 : i32
      %dma_wait3A_420 = tpu.memref_slice %arg13[%dma_wait3A_418, %dma_wait3A_419] : memref<100352x16xf32, #tpu.memory_space<vmem_shared>> -> memref<100352x16xf32, #tpu.memory_space<vmem_shared>>
      tpu.wait_indirect_dma semaphore(%arg16 : memref<!tpu.dma_semaphore, #tpu.memory_space<semaphore_mem>>) src(%dma_wait3A_414 : memref<125x16xf32, #tpu.memory_space<vmem>>) dst(%dma_wait3A_420 : memref<100352x16xf32, #tpu.memory_space<vmem_shared>>)
      %dma_wait3A_421 = arith.constant 3 : i32
      %dma_wait3A_422 = arith.constant 0 : i32
      %dma_wait3A_423 = tpu.memref_slice %arg10[%dma_wait3A_421, %dma_wait3A_422] : memref<8x125xi32, #tpu.memory_space<vmem>> -> memref<1x125xi32, #tpu.memory_space<vmem>>
      %dma_wait3A_424 = tpu.memref_squeeze %dma_wait3A_423 : memref<1x125xi32, #tpu.memory_space<vmem>> -> memref<125xi32, #tpu.memory_space<vmem>>
      %dma_wait3A_425 = arith.constant 0 : i32
      %dma_wait3A_426 = tpu.memref_slice %arg14[%dma_wait3A_425] : memref<100352xf32, #tpu.memory_space<vmem_shared>> -> memref<100352xf32, #tpu.memory_space<vmem_shared>>
      tpu.wait_indirect_dma semaphore(%arg16 : memref<!tpu.dma_semaphore, #tpu.memory_space<semaphore_mem>>) src(%arg12 : memref<125xf32, #tpu.memory_space<vmem>>) dst(%dma_wait3A_426 : memref<100352xf32, #tpu.memory_space<vmem_shared>>)
      %dma_wait3A_427 = arith.constant 4 : i32
      %dma_wait3A_428 = arith.constant 4 : i32
      %dma_wait3A_429 = arith.constant 0 : i32
      %dma_wait3A_430 = arith.constant 0 : i32
      %dma_wait3A_431 = tpu.memref_slice %arg11[%dma_wait3A_427, %dma_wait3A_429, %dma_wait3A_430] : memref<8x125x16xf32, #tpu.memory_space<vmem>> -> memref<1x125x16xf32, #tpu.memory_space<vmem>>
      %dma_wait3A_432 = tpu.memref_squeeze %dma_wait3A_431 : memref<1x125x16xf32, #tpu.memory_space<vmem>> -> memref<125x16xf32, #tpu.memory_space<vmem>>
      %dma_wait3A_433 = arith.constant 0 : i32
      %dma_wait3A_434 = tpu.memref_slice %arg10[%dma_wait3A_428, %dma_wait3A_433] : memref<8x125xi32, #tpu.memory_space<vmem>> -> memref<1x125xi32, #tpu.memory_space<vmem>>
      %dma_wait3A_435 = tpu.memref_squeeze %dma_wait3A_434 : memref<1x125xi32, #tpu.memory_space<vmem>> -> memref<125xi32, #tpu.memory_space<vmem>>
      %dma_wait3A_436 = arith.constant 0 : i32
      %dma_wait3A_437 = arith.constant 0 : i32
      %dma_wait3A_438 = tpu.memref_slice %arg13[%dma_wait3A_436, %dma_wait3A_437] : memref<100352x16xf32, #tpu.memory_space<vmem_shared>> -> memref<100352x16xf32, #tpu.memory_space<vmem_shared>>
      tpu.wait_indirect_dma semaphore(%arg16 : memref<!tpu.dma_semaphore, #tpu.memory_space<semaphore_mem>>) src(%dma_wait3A_432 : memref<125x16xf32, #tpu.memory_space<vmem>>) dst(%dma_wait3A_438 : memref<100352x16xf32, #tpu.memory_space<vmem_shared>>)
      %dma_wait3A_439 = arith.constant 4 : i32
      %dma_wait3A_440 = arith.constant 0 : i32
      %dma_wait3A_441 = tpu.memref_slice %arg10[%dma_wait3A_439, %dma_wait3A_440] : memref<8x125xi32, #tpu.memory_space<vmem>> -> memref<1x125xi32, #tpu.memory_space<vmem>>
      %dma_wait3A_442 = tpu.memref_squeeze %dma_wait3A_441 : memref<1x125xi32, #tpu.memory_space<vmem>> -> memref<125xi32, #tpu.memory_space<vmem>>
      %dma_wait3A_443 = arith.constant 0 : i32
      %dma_wait3A_444 = tpu.memref_slice %arg14[%dma_wait3A_443] : memref<100352xf32, #tpu.memory_space<vmem_shared>> -> memref<100352xf32, #tpu.memory_space<vmem_shared>>
      tpu.wait_indirect_dma semaphore(%arg16 : memref<!tpu.dma_semaphore, #tpu.memory_space<semaphore_mem>>) src(%arg12 : memref<125xf32, #tpu.memory_space<vmem>>) dst(%dma_wait3A_444 : memref<100352xf32, #tpu.memory_space<vmem_shared>>)
      %dma_wait3A_445 = arith.constant 5 : i32
      %dma_wait3A_446 = arith.constant 5 : i32
      %dma_wait3A_447 = arith.constant 0 : i32
      %dma_wait3A_448 = arith.constant 0 : i32
      %dma_wait3A_449 = tpu.memref_slice %arg11[%dma_wait3A_445, %dma_wait3A_447, %dma_wait3A_448] : memref<8x125x16xf32, #tpu.memory_space<vmem>> -> memref<1x125x16xf32, #tpu.memory_space<vmem>>
      %dma_wait3A_450 = tpu.memref_squeeze %dma_wait3A_449 : memref<1x125x16xf32, #tpu.memory_space<vmem>> -> memref<125x16xf32, #tpu.memory_space<vmem>>
      %dma_wait3A_451 = arith.constant 0 : i32
      %dma_wait3A_452 = tpu.memref_slice %arg10[%dma_wait3A_446, %dma_wait3A_451] : memref<8x125xi32, #tpu.memory_space<vmem>> -> memref<1x125xi32, #tpu.memory_space<vmem>>
      %dma_wait3A_453 = tpu.memref_squeeze %dma_wait3A_452 : memref<1x125xi32, #tpu.memory_space<vmem>> -> memref<125xi32, #tpu.memory_space<vmem>>
      %dma_wait3A_454 = arith.constant 0 : i32
      %dma_wait3A_455 = arith.constant 0 : i32
      %dma_wait3A_456 = tpu.memref_slice %arg13[%dma_wait3A_454, %dma_wait3A_455] : memref<100352x16xf32, #tpu.memory_space<vmem_shared>> -> memref<100352x16xf32, #tpu.memory_space<vmem_shared>>
      tpu.wait_indirect_dma semaphore(%arg16 : memref<!tpu.dma_semaphore, #tpu.memory_space<semaphore_mem>>) src(%dma_wait3A_450 : memref<125x16xf32, #tpu.memory_space<vmem>>) dst(%dma_wait3A_456 : memref<100352x16xf32, #tpu.memory_space<vmem_shared>>)
      %dma_wait3A_457 = arith.constant 5 : i32
      %dma_wait3A_458 = arith.constant 0 : i32
      %dma_wait3A_459 = tpu.memref_slice %arg10[%dma_wait3A_457, %dma_wait3A_458] : memref<8x125xi32, #tpu.memory_space<vmem>> -> memref<1x125xi32, #tpu.memory_space<vmem>>
      %dma_wait3A_460 = tpu.memref_squeeze %dma_wait3A_459 : memref<1x125xi32, #tpu.memory_space<vmem>> -> memref<125xi32, #tpu.memory_space<vmem>>
      %dma_wait3A_461 = arith.constant 0 : i32
      %dma_wait3A_462 = tpu.memref_slice %arg14[%dma_wait3A_461] : memref<100352xf32, #tpu.memory_space<vmem_shared>> -> memref<100352xf32, #tpu.memory_space<vmem_shared>>
      tpu.wait_indirect_dma semaphore(%arg16 : memref<!tpu.dma_semaphore, #tpu.memory_space<semaphore_mem>>) src(%arg12 : memref<125xf32, #tpu.memory_space<vmem>>) dst(%dma_wait3A_462 : memref<100352xf32, #tpu.memory_space<vmem_shared>>)
      %dma_wait3A_463 = arith.constant 6 : i32
      %dma_wait3A_464 = arith.constant 6 : i32
      %dma_wait3A_465 = arith.constant 0 : i32
      %dma_wait3A_466 = arith.constant 0 : i32
      %dma_wait3A_467 = tpu.memref_slice %arg11[%dma_wait3A_463, %dma_wait3A_465, %dma_wait3A_466] : memref<8x125x16xf32, #tpu.memory_space<vmem>> -> memref<1x125x16xf32, #tpu.memory_space<vmem>>
      %dma_wait3A_468 = tpu.memref_squeeze %dma_wait3A_467 : memref<1x125x16xf32, #tpu.memory_space<vmem>> -> memref<125x16xf32, #tpu.memory_space<vmem>>
      %dma_wait3A_469 = arith.constant 0 : i32
      %dma_wait3A_470 = tpu.memref_slice %arg10[%dma_wait3A_464, %dma_wait3A_469] : memref<8x125xi32, #tpu.memory_space<vmem>> -> memref<1x125xi32, #tpu.memory_space<vmem>>
      %dma_wait3A_471 = tpu.memref_squeeze %dma_wait3A_470 : memref<1x125xi32, #tpu.memory_space<vmem>> -> memref<125xi32, #tpu.memory_space<vmem>>
      %dma_wait3A_472 = arith.constant 0 : i32
      %dma_wait3A_473 = arith.constant 0 : i32
      %dma_wait3A_474 = tpu.memref_slice %arg13[%dma_wait3A_472, %dma_wait3A_473] : memref<100352x16xf32, #tpu.memory_space<vmem_shared>> -> memref<100352x16xf32, #tpu.memory_space<vmem_shared>>
      tpu.wait_indirect_dma semaphore(%arg16 : memref<!tpu.dma_semaphore, #tpu.memory_space<semaphore_mem>>) src(%dma_wait3A_468 : memref<125x16xf32, #tpu.memory_space<vmem>>) dst(%dma_wait3A_474 : memref<100352x16xf32, #tpu.memory_space<vmem_shared>>)
      %dma_wait3A_475 = arith.constant 6 : i32
      %dma_wait3A_476 = arith.constant 0 : i32
      %dma_wait3A_477 = tpu.memref_slice %arg10[%dma_wait3A_475, %dma_wait3A_476] : memref<8x125xi32, #tpu.memory_space<vmem>> -> memref<1x125xi32, #tpu.memory_space<vmem>>
      %dma_wait3A_478 = tpu.memref_squeeze %dma_wait3A_477 : memref<1x125xi32, #tpu.memory_space<vmem>> -> memref<125xi32, #tpu.memory_space<vmem>>
      %dma_wait3A_479 = arith.constant 0 : i32
      %dma_wait3A_480 = tpu.memref_slice %arg14[%dma_wait3A_479] : memref<100352xf32, #tpu.memory_space<vmem_shared>> -> memref<100352xf32, #tpu.memory_space<vmem_shared>>
      tpu.wait_indirect_dma semaphore(%arg16 : memref<!tpu.dma_semaphore, #tpu.memory_space<semaphore_mem>>) src(%arg12 : memref<125xf32, #tpu.memory_space<vmem>>) dst(%dma_wait3A_480 : memref<100352xf32, #tpu.memory_space<vmem_shared>>)
      %dma_wait3A_481 = arith.constant 7 : i32
      %dma_wait3A_482 = arith.constant 7 : i32
      %dma_wait3A_483 = arith.constant 0 : i32
      %dma_wait3A_484 = arith.constant 0 : i32
      %dma_wait3A_485 = tpu.memref_slice %arg11[%dma_wait3A_481, %dma_wait3A_483, %dma_wait3A_484] : memref<8x125x16xf32, #tpu.memory_space<vmem>> -> memref<1x125x16xf32, #tpu.memory_space<vmem>>
      %dma_wait3A_486 = tpu.memref_squeeze %dma_wait3A_485 : memref<1x125x16xf32, #tpu.memory_space<vmem>> -> memref<125x16xf32, #tpu.memory_space<vmem>>
      %dma_wait3A_487 = arith.constant 0 : i32
      %dma_wait3A_488 = tpu.memref_slice %arg10[%dma_wait3A_482, %dma_wait3A_487] : memref<8x125xi32, #tpu.memory_space<vmem>> -> memref<1x125xi32, #tpu.memory_space<vmem>>
      %dma_wait3A_489 = tpu.memref_squeeze %dma_wait3A_488 : memref<1x125xi32, #tpu.memory_space<vmem>> -> memref<125xi32, #tpu.memory_space<vmem>>
      %dma_wait3A_490 = arith.constant 0 : i32
      %dma_wait3A_491 = arith.constant 0 : i32
      %dma_wait3A_492 = tpu.memref_slice %arg13[%dma_wait3A_490, %dma_wait3A_491] : memref<100352x16xf32, #tpu.memory_space<vmem_shared>> -> memref<100352x16xf32, #tpu.memory_space<vmem_shared>>
      tpu.wait_indirect_dma semaphore(%arg16 : memref<!tpu.dma_semaphore, #tpu.memory_space<semaphore_mem>>) src(%dma_wait3A_486 : memref<125x16xf32, #tpu.memory_space<vmem>>) dst(%dma_wait3A_492 : memref<100352x16xf32, #tpu.memory_space<vmem_shared>>)
      %dma_wait3A_493 = arith.constant 7 : i32
      %dma_wait3A_494 = arith.constant 0 : i32
      %dma_wait3A_495 = tpu.memref_slice %arg10[%dma_wait3A_493, %dma_wait3A_494] : memref<8x125xi32, #tpu.memory_space<vmem>> -> memref<1x125xi32, #tpu.memory_space<vmem>>
      %dma_wait3A_496 = tpu.memref_squeeze %dma_wait3A_495 : memref<1x125xi32, #tpu.memory_space<vmem>> -> memref<125xi32, #tpu.memory_space<vmem>>
      %dma_wait3A_497 = arith.constant 0 : i32
      %dma_wait3A_498 = tpu.memref_slice %arg14[%dma_wait3A_497] : memref<100352xf32, #tpu.memory_space<vmem_shared>> -> memref<100352xf32, #tpu.memory_space<vmem_shared>>
      tpu.wait_indirect_dma semaphore(%arg16 : memref<!tpu.dma_semaphore, #tpu.memory_space<semaphore_mem>>) src(%arg12 : memref<125xf32, #tpu.memory_space<vmem>>) dst(%dma_wait3A_498 : memref<100352xf32, #tpu.memory_space<vmem_shared>>)
      %scan3A_499 = arith.constant 0 : i32
      scf.yield %scan3A_499 : i32
    }
    %scan3A_10 = arith.constant 50 : i32
    %barrier3A_11 = arith.constant 0 : index
    tpu.barrier barrier_id(%barrier3A_11)
    "tpu.region"() ({
      %run_scoped3A = tpu.sem_alloc : memref<!tpu.dma_semaphore, #tpu.memory_space<semaphore_mem>>
      %dma_start3A = arith.constant 0 : i32
      %dma_start3A_15 = tpu.memref_slice %arg7[%arg0, %mul3A_2, %dma_start3A] : memref<2x100352x16xf32, #tpu.memory_space<hbm>> -> memref<1x6272x16xf32, #tpu.memory_space<hbm>>
      %dma_start3A_16 = tpu.memref_squeeze %dma_start3A_15 : memref<1x6272x16xf32, #tpu.memory_space<hbm>> -> memref<6272x16xf32, #tpu.memory_space<hbm>>
      %dma_start3A_17 = arith.constant 0 : i32
      %dma_start3A_18 = tpu.memref_slice %arg13[%mul3A_2, %dma_start3A_17] : memref<100352x16xf32, #tpu.memory_space<vmem_shared>> -> memref<6272x16xf32, #tpu.memory_space<vmem_shared>>
      tpu.enqueue_dma source(%dma_start3A_18 : memref<6272x16xf32, #tpu.memory_space<vmem_shared>>) target(%dma_start3A_16 : memref<6272x16xf32, #tpu.memory_space<hbm>>) target_semaphore(%run_scoped3A : memref<!tpu.dma_semaphore, #tpu.memory_space<semaphore_mem>>)
      %dma_wait3A = arith.constant 0 : i32
      %dma_wait3A_19 = tpu.memref_slice %arg7[%arg0, %mul3A_2, %dma_wait3A] : memref<2x100352x16xf32, #tpu.memory_space<hbm>> -> memref<1x6272x16xf32, #tpu.memory_space<hbm>>
      %dma_wait3A_20 = tpu.memref_squeeze %dma_wait3A_19 : memref<1x6272x16xf32, #tpu.memory_space<hbm>> -> memref<6272x16xf32, #tpu.memory_space<hbm>>
      %dma_wait3A_21 = arith.constant 0 : i32
      %dma_wait3A_22 = tpu.memref_slice %arg13[%mul3A_2, %dma_wait3A_21] : memref<100352x16xf32, #tpu.memory_space<vmem_shared>> -> memref<6272x16xf32, #tpu.memory_space<vmem_shared>>
      tpu.wait_dma2 semaphore(%run_scoped3A : memref<!tpu.dma_semaphore, #tpu.memory_space<semaphore_mem>>) src(%dma_wait3A_22 : memref<6272x16xf32, #tpu.memory_space<vmem_shared>>) dst(%dma_wait3A_20 : memref<6272x16xf32, #tpu.memory_space<hbm>>)
      tpu.yield
    }) : () -> ()
    %mul3A_12 = arith.constant 100352 : i32
    %mul3A_13 = arith.muli %arg0, %mul3A_12 : i32
    %add3A_14 = arith.addi %mul3A_13, %mul3A_2 : i32
    "tpu.region"() ({
      %run_scoped3A = tpu.sem_alloc : memref<!tpu.dma_semaphore, #tpu.memory_space<semaphore_mem>>
      %dma_start3A = tpu.memref_slice %arg8[%add3A_14] : memref<200704xf32, #tpu.memory_space<hbm>> -> memref<6272xf32, #tpu.memory_space<hbm>>
      %dma_start3A_15 = tpu.memref_slice %arg14[%mul3A_2] : memref<100352xf32, #tpu.memory_space<vmem_shared>> -> memref<6272xf32, #tpu.memory_space<vmem_shared>>
      tpu.enqueue_dma source(%dma_start3A_15 : memref<6272xf32, #tpu.memory_space<vmem_shared>>) target(%dma_start3A : memref<6272xf32, #tpu.memory_space<hbm>>) target_semaphore(%run_scoped3A : memref<!tpu.dma_semaphore, #tpu.memory_space<semaphore_mem>>)
      %dma_wait3A = tpu.memref_slice %arg8[%add3A_14] : memref<200704xf32, #tpu.memory_space<hbm>> -> memref<6272xf32, #tpu.memory_space<hbm>>
      %dma_wait3A_16 = tpu.memref_slice %arg14[%mul3A_2] : memref<100352xf32, #tpu.memory_space<vmem_shared>> -> memref<6272xf32, #tpu.memory_space<vmem_shared>>
      tpu.wait_dma2 semaphore(%run_scoped3A : memref<!tpu.dma_semaphore, #tpu.memory_space<semaphore_mem>>) src(%dma_wait3A_16 : memref<6272xf32, #tpu.memory_space<vmem_shared>>) dst(%dma_wait3A : memref<6272xf32, #tpu.memory_space<hbm>>)
      tpu.yield
    }) : () -> ()
    return
  }
}

module attributes {stable_mosaic.version = 14 : i64} {
  func.func @_dense1_body(%arg0: i32, %arg1: memref<2x256x128xf32, #tpu.memory_space<vmem>>, %arg2: memref<256x128xf32, #tpu.memory_space<vmem>>, %arg3: memref<256x128xf32, #tpu.memory_space<vmem>>, %arg4: memref<128x512xf32, #tpu.memory_space<vmem>>, %arg5: memref<128x512xf32, #tpu.memory_space<vmem>>, %arg6: memref<1x512xf32, #tpu.memory_space<vmem>>, %arg7: memref<512x64xf32, #tpu.memory_space<vmem>>, %arg8: memref<512x64xf32, #tpu.memory_space<vmem>>, %arg9: memref<1x64xf32, #tpu.memory_space<vmem>>, %arg10: memref<256x64xf32, #tpu.memory_space<vmem>>, %arg11: memref<256x64xf32, #tpu.memory_space<vmem>>) attributes {dimension_semantics = [#tpu.dimension_semantics<arbitrary>], iteration_bounds = array<i64: 49>, scalar_prefetch = 0 : i64, scratch_operands = 0 : i64, tpu.core_type = #tpu.core_type<tc>, window_params = [{transform_indices = @transform_0, window_bounds = array<i64: 2, 256, 128>}, {transform_indices = @transform_1, window_bounds = array<i64: 256, 128>}, {transform_indices = @transform_2, window_bounds = array<i64: 256, 128>}, {pipeline_mode = #tpu.pipeline_mode<synchronous>, transform_indices = @transform_3, window_bounds = array<i64: 128, 512>}, {pipeline_mode = #tpu.pipeline_mode<synchronous>, transform_indices = @transform_4, window_bounds = array<i64: 128, 512>}, {pipeline_mode = #tpu.pipeline_mode<synchronous>, transform_indices = @transform_5, window_bounds = array<i64: 1, 512>}, {pipeline_mode = #tpu.pipeline_mode<synchronous>, transform_indices = @transform_6, window_bounds = array<i64: 512, 64>}, {pipeline_mode = #tpu.pipeline_mode<synchronous>, transform_indices = @transform_7, window_bounds = array<i64: 512, 64>}, {pipeline_mode = #tpu.pipeline_mode<synchronous>, transform_indices = @transform_8, window_bounds = array<i64: 1, 64>}, {transform_indices = @transform_9, window_bounds = array<i64: 256, 64>}, {transform_indices = @transform_10, window_bounds = array<i64: 256, 64>}]} {
    %get3A = arith.constant 0 : index
    %get3A_0 = arith.constant 0 : index
    %get3A_1 = arith.constant 0 : index
    %get3A_2 = vector.load %arg1[%get3A, %get3A_0, %get3A_1] : memref<2x256x128xf32, #tpu.memory_space<vmem>>, vector<1x256x128xf32>
    %get3A_3 = vector.shape_cast %get3A_2 : vector<1x256x128xf32> to vector<256x128xf32>
    %get3A_4 = arith.constant 1 : index
    %get3A_5 = arith.constant 0 : index
    %get3A_6 = arith.constant 0 : index
    %get3A_7 = vector.load %arg1[%get3A_4, %get3A_5, %get3A_6] : memref<2x256x128xf32, #tpu.memory_space<vmem>>, vector<1x256x128xf32>
    %get3A_8 = vector.shape_cast %get3A_7 : vector<1x256x128xf32> to vector<256x128xf32>
    %add3A = arith.addf %get3A_3, %get3A_8 : vector<256x128xf32>
    %get3A_9 = arith.constant 0 : index
    %get3A_10 = arith.constant 0 : index
    %get3A_11 = vector.load %arg2[%get3A_9, %get3A_10] : memref<256x128xf32, #tpu.memory_space<vmem>>, vector<256x128xf32>
    %mul3A = arith.mulf %add3A, %get3A_11 : vector<256x128xf32>
    %get3A_12 = arith.constant 0 : index
    %get3A_13 = arith.constant 0 : index
    %get3A_14 = vector.load %arg4[%get3A_12, %get3A_13] : memref<128x512xf32, #tpu.memory_space<vmem>>, vector<128x512xf32>
    %dot_general3A = arith.constant dense<0.000000e+00> : vector<256x512xf32>
    %dot_general3A_15 = tpu.matmul %mul3A, %get3A_14, %dot_general3A {dimension_numbers = #tpu.dot_dimension_numbers<[1], [0], [0], [1], [0, 0, 1, 1], [], []>, transpose_lhs_hint = false} : vector<256x128xf32>, vector<128x512xf32>, vector<256x512xf32> -> vector<256x512xf32>
    %get3A_16 = arith.constant 0 : index
    %get3A_17 = arith.constant 0 : index
    %get3A_18 = vector.load %arg3[%get3A_16, %get3A_17] : memref<256x128xf32, #tpu.memory_space<vmem>>, vector<256x128xf32>
    %get3A_19 = arith.constant 0 : index
    %get3A_20 = arith.constant 0 : index
    %get3A_21 = vector.load %arg5[%get3A_19, %get3A_20] : memref<128x512xf32, #tpu.memory_space<vmem>>, vector<128x512xf32>
    %dot_general3A_22 = arith.constant dense<0.000000e+00> : vector<256x512xf32>
    %dot_general3A_23 = tpu.matmul %get3A_18, %get3A_21, %dot_general3A_22 {dimension_numbers = #tpu.dot_dimension_numbers<[1], [0], [0], [1], [0, 0, 1, 1], [], []>, transpose_lhs_hint = false} : vector<256x128xf32>, vector<128x512xf32>, vector<256x512xf32> -> vector<256x512xf32>
    %add3A_24 = arith.addf %dot_general3A_15, %dot_general3A_23 : vector<256x512xf32>
    %get3A_25 = arith.constant 0 : index
    %get3A_26 = arith.constant 0 : index
    %get3A_27 = vector.load %arg6[%get3A_25, %get3A_26] : memref<1x512xf32, #tpu.memory_space<vmem>>, vector<1x512xf32>
    %add3A_28 = vector.broadcast %get3A_27 : vector<1x512xf32> to vector<256x512xf32>
    %add3A_29 = arith.addf %add3A_24, %add3A_28 : vector<256x512xf32>
    %max3A = arith.constant 0.000000e+00 : f32
    %max3A_30 = vector.broadcast %max3A : f32 to vector<256x512xf32>
    %max3A_31 = arith.maximumf %add3A_29, %max3A_30 : vector<256x512xf32>
    %get3A_32 = arith.constant 0 : index
    %get3A_33 = arith.constant 0 : index
    %get3A_34 = vector.load %arg7[%get3A_32, %get3A_33] : memref<512x64xf32, #tpu.memory_space<vmem>>, vector<512x64xf32>
    %dot_general3A_35 = arith.constant dense<0.000000e+00> : vector<256x64xf32>
    %dot_general3A_36 = tpu.matmul %max3A_31, %get3A_34, %dot_general3A_35 {dimension_numbers = #tpu.dot_dimension_numbers<[1], [0], [0], [1], [0, 0, 1, 1], [], []>, transpose_lhs_hint = false} : vector<256x512xf32>, vector<512x64xf32>, vector<256x64xf32> -> vector<256x64xf32>
    %swap3A = arith.constant 0 : index
    %swap3A_37 = arith.constant 0 : index
    %swap3A_38 = vector.load %arg10[%swap3A, %swap3A_37] : memref<256x64xf32, #tpu.memory_space<vmem>>, vector<256x64xf32>
    tpu.vector_store %arg10[%swap3A, %swap3A_37], %dot_general3A_36 {strides = array<i32>} : memref<256x64xf32, #tpu.memory_space<vmem>>, vector<256x64xf32>,
    %get3A_39 = arith.constant 0 : index
    %get3A_40 = arith.constant 0 : index
    %get3A_41 = vector.load %arg8[%get3A_39, %get3A_40] : memref<512x64xf32, #tpu.memory_space<vmem>>, vector<512x64xf32>
    %dot_general3A_42 = arith.constant dense<0.000000e+00> : vector<256x64xf32>
    %dot_general3A_43 = tpu.matmul %max3A_31, %get3A_41, %dot_general3A_42 {dimension_numbers = #tpu.dot_dimension_numbers<[1], [0], [0], [1], [0, 0, 1, 1], [], []>, transpose_lhs_hint = false} : vector<256x512xf32>, vector<512x64xf32>, vector<256x64xf32> -> vector<256x64xf32>
    %get3A_44 = arith.constant 0 : index
    %get3A_45 = arith.constant 0 : index
    %get3A_46 = vector.load %arg9[%get3A_44, %get3A_45] : memref<1x64xf32, #tpu.memory_space<vmem>>, vector<1x64xf32>
    %add3A_47 = vector.broadcast %get3A_46 : vector<1x64xf32> to vector<256x64xf32>
    %add3A_48 = arith.addf %dot_general3A_43, %add3A_47 : vector<256x64xf32>
    %swap3A_49 = arith.constant 0 : index
    %swap3A_50 = arith.constant 0 : index
    %swap3A_51 = vector.load %arg11[%swap3A_49, %swap3A_50] : memref<256x64xf32, #tpu.memory_space<vmem>>, vector<256x64xf32>
    tpu.vector_store %arg11[%swap3A_49, %swap3A_50], %add3A_48 {strides = array<i32>} : memref<256x64xf32, #tpu.memory_space<vmem>>, vector<256x64xf32>,
    return
  }
  func.func @transform_0(%arg0: i32) -> (i32, i32, i32) {
    %c0_i32 = arith.constant 0 : i32
    %c0_i32_0 = arith.constant 0 : i32
    %c0_i32_1 = arith.constant 0 : i32
    return %c0_i32, %arg0, %c0_i32_0 : i32, i32, i32
  }
  func.func @transform_1(%arg0: i32) -> (i32, i32) {
    %c0_i32 = arith.constant 0 : i32
    %c0_i32_0 = arith.constant 0 : i32
    return %arg0, %c0_i32 : i32, i32
  }
  func.func @transform_2(%arg0: i32) -> (i32, i32) {
    %c0_i32 = arith.constant 0 : i32
    %c0_i32_0 = arith.constant 0 : i32
    return %arg0, %c0_i32 : i32, i32
  }
  func.func @transform_3(%arg0: i32) -> (i32, i32) {
    %c0_i32 = arith.constant 0 : i32
    %c0_i32_0 = arith.constant 0 : i32
    %c0_i32_1 = arith.constant 0 : i32
    return %c0_i32, %c0_i32_0 : i32, i32
  }
  func.func @transform_4(%arg0: i32) -> (i32, i32) {
    %c0_i32 = arith.constant 0 : i32
    %c0_i32_0 = arith.constant 0 : i32
    %c0_i32_1 = arith.constant 0 : i32
    return %c0_i32, %c0_i32_0 : i32, i32
  }
  func.func @transform_5(%arg0: i32) -> (i32, i32) {
    %c0_i32 = arith.constant 0 : i32
    %c0_i32_0 = arith.constant 0 : i32
    %c0_i32_1 = arith.constant 0 : i32
    return %c0_i32, %c0_i32_0 : i32, i32
  }
  func.func @transform_6(%arg0: i32) -> (i32, i32) {
    %c0_i32 = arith.constant 0 : i32
    %c0_i32_0 = arith.constant 0 : i32
    %c0_i32_1 = arith.constant 0 : i32
    return %c0_i32, %c0_i32_0 : i32, i32
  }
  func.func @transform_7(%arg0: i32) -> (i32, i32) {
    %c0_i32 = arith.constant 0 : i32
    %c0_i32_0 = arith.constant 0 : i32
    %c0_i32_1 = arith.constant 0 : i32
    return %c0_i32, %c0_i32_0 : i32, i32
  }
  func.func @transform_8(%arg0: i32) -> (i32, i32) {
    %c0_i32 = arith.constant 0 : i32
    %c0_i32_0 = arith.constant 0 : i32
    %c0_i32_1 = arith.constant 0 : i32
    return %c0_i32, %c0_i32_0 : i32, i32
  }
  func.func @transform_9(%arg0: i32) -> (i32, i32) {
    %c0_i32 = arith.constant 0 : i32
    %c0_i32_0 = arith.constant 0 : i32
    return %arg0, %c0_i32 : i32, i32
  }
  func.func @transform_10(%arg0: i32) -> (i32, i32) {
    %c0_i32 = arith.constant 0 : i32
    %c0_i32_0 = arith.constant 0 : i32
    return %arg0, %c0_i32 : i32, i32
  }
}

module attributes {stable_mosaic.version = 14 : i64} {
  func.func @_dense2_body(%arg0: i32, %arg1: memref<2x256x64xf32, #tpu.memory_space<vmem>>, %arg2: memref<256x64xf32, #tpu.memory_space<vmem>>, %arg3: memref<256x64xf32, #tpu.memory_space<vmem>>, %arg4: memref<256x64xf32, #tpu.memory_space<vmem>>) attributes {dimension_semantics = [#tpu.dimension_semantics<arbitrary>], iteration_bounds = array<i64: 49>, scalar_prefetch = 0 : i64, scratch_operands = 0 : i64, tpu.core_type = #tpu.core_type<tc>, window_params = [{transform_indices = @transform_0, window_bounds = array<i64: 2, 256, 64>}, {transform_indices = @transform_1, window_bounds = array<i64: 256, 64>}, {transform_indices = @transform_2, window_bounds = array<i64: 256, 64>}, {transform_indices = @transform_3, window_bounds = array<i64: 256, 64>}]} {
    %get3A = arith.constant 0 : index
    %get3A_0 = arith.constant 0 : index
    %get3A_1 = arith.constant 0 : index
    %get3A_2 = vector.load %arg1[%get3A, %get3A_0, %get3A_1] : memref<2x256x64xf32, #tpu.memory_space<vmem>>, vector<1x256x64xf32>
    %get3A_3 = vector.shape_cast %get3A_2 : vector<1x256x64xf32> to vector<256x64xf32>
    %get3A_4 = arith.constant 1 : index
    %get3A_5 = arith.constant 0 : index
    %get3A_6 = arith.constant 0 : index
    %get3A_7 = vector.load %arg1[%get3A_4, %get3A_5, %get3A_6] : memref<2x256x64xf32, #tpu.memory_space<vmem>>, vector<1x256x64xf32>
    %get3A_8 = vector.shape_cast %get3A_7 : vector<1x256x64xf32> to vector<256x64xf32>
    %add3A = arith.addf %get3A_3, %get3A_8 : vector<256x64xf32>
    %get3A_9 = arith.constant 0 : index
    %get3A_10 = arith.constant 0 : index
    %get3A_11 = vector.load %arg2[%get3A_9, %get3A_10] : memref<256x64xf32, #tpu.memory_space<vmem>>, vector<256x64xf32>
    %mul3A = arith.mulf %add3A, %get3A_11 : vector<256x64xf32>
    %get3A_12 = arith.constant 0 : index
    %get3A_13 = arith.constant 0 : index
    %get3A_14 = vector.load %arg3[%get3A_12, %get3A_13] : memref<256x64xf32, #tpu.memory_space<vmem>>, vector<256x64xf32>
    %add3A_15 = arith.addf %mul3A, %get3A_14 : vector<256x64xf32>
    %swap3A = arith.constant 0 : index
    %swap3A_16 = arith.constant 0 : index
    %swap3A_17 = vector.load %arg4[%swap3A, %swap3A_16] : memref<256x64xf32, #tpu.memory_space<vmem>>, vector<256x64xf32>
    tpu.vector_store %arg4[%swap3A, %swap3A_16], %add3A_15 {strides = array<i32>} : memref<256x64xf32, #tpu.memory_space<vmem>>, vector<256x64xf32>,
    return
  }
  func.func @transform_0(%arg0: i32) -> (i32, i32, i32) {
    %c0_i32 = arith.constant 0 : i32
    %c0_i32_0 = arith.constant 0 : i32
    %c0_i32_1 = arith.constant 0 : i32
    return %c0_i32, %arg0, %c0_i32_0 : i32, i32, i32
  }
  func.func @transform_1(%arg0: i32) -> (i32, i32) {
    %c0_i32 = arith.constant 0 : i32
    %c0_i32_0 = arith.constant 0 : i32
    return %arg0, %c0_i32 : i32, i32
  }
  func.func @transform_2(%arg0: i32) -> (i32, i32) {
    %c0_i32 = arith.constant 0 : i32
    %c0_i32_0 = arith.constant 0 : i32
    return %arg0, %c0_i32 : i32, i32
  }
  func.func @transform_3(%arg0: i32) -> (i32, i32) {
    %c0_i32 = arith.constant 0 : i32
    %c0_i32_0 = arith.constant 0 : i32
    return %arg0, %c0_i32 : i32, i32
  }
}

</mosaic_0001>

<sc_bundles>
// kernel: kernel.6.cloned.1.call-start
scs
__scs_entry_jumppad:
0x0: {  	(pc) =	sbr.rel $0x88, $3  }
0x1: {  	(tag) =	ssettag $0x0;
	lr =	simm.s32 $0x1  }
0x2: {  	[smem:$0x3F99] =	sst lr;
	_ =	strace $0xD0000000  }
0x3: {  	_ = 	snop  }
0x4: {  	_ = 	snop  }
0x5: {  	_ = 	snop  }
0x6: {  	_ = 	snop  }
0x7: {  	_ = 	snop  }
__scs_overlays_trampoline_lowered:
0x8: {  	[smem:$0x3FA8] =	sst s0  }
0x9: {  	[smem:$0x3FA9] =	sst s1  }
0xa: {  	[smem:$0x3FAA] =	sst s2  }
0xb: {  	[smem:$0x3FAB] =	sst s3  }
0xc: {  	[smem:$0x3FAC] =	sst s4  }
0xd: {  	[smem:$0x3FAD] =	sst s5  }
0xe: {  	[smem:$0x3FAE] =	sst s6  }
0xf: {  	[smem:$0x3FAF] =	sst s7  }
0x10: {  	[smem:$0x3FB0] =	sst s8  }
0x11: {  	[smem:$0x3FB1] =	sst s9;
	s0 =	simm.s32 @!p0 $0x0  }
0x12: {  	s1 =	sld [smem:$0x3F97];
	s0 =	simm.s32 @p0 $0x1  }
0x13: {  	[smem:$0x3FB2] =	sst s0;
	s0 =	simm.s32 @!p1 $0x0  }
0x14: {  	s2 =	sld [smem:$0x3F96];
	s0 =	simm.s32 @p1 $0x1  }
0x15: {  	[smem:$0x3FB3] =	sst s0;
	s0 =	simm.s32 @!p2 $0x0  }
0x16: {  	s3 =	sld [smem:$0x3FDB];
	s0 =	simm.s32 @p2 $0x1  }
0x17: {  	s4 =	simm.s32 $0x1BF5;
	[smem:$0x3FB5] =	sst s0  }
0x18: {  	s0 =	sld [smem:$0x3F98];
	_ =	swait.ge [sflag:s4], $0x0  }
0x19: {  	s7 =	sld [smem:$0x3F99]  }
0x1a: {  	s8 =	sadd.s32 $0xFFFFE003, lr  }
0x1b: {  	s9 =	sadd.s32 $0xFFFFFEF7, lr;
	s5 =	simm.s32 $0xFFFFFFFF;
	p2 =	slt.u32 s8, $0xFFFFF086  }
0x1c: {  	p1 =	slt.u32 s9, $0xF7A;
	s5 =	simm.s32 @!p2 $0x0  }
0x1d: {  	s5 =	simm.s32 @p1 $0x1;
	p0 =	seq.s32 s7, s2  }
0x1e: {  	s7 =	smul.u32 @!p0 $0xF7A, s2;
	p2 =	seq.s32 @!p0 s5, $0x0  }
0x1f: {  	s9 =	smul.u32 $0xF7A, s1;
	s8 =	simm.s32 @!p0 $0x1BF5;
	p2 =	por !p2, p0  }
0x20: {  	[sflag:s8] =	ssyncset.s32 @!p0 $0xFFFFF086;
	s6 =	sadd.s32 @!p0 s3, s7;
	s7 =	simm.s32 @!p0 $0x108  }
0x21: {  	s3 =	sadd.s32 s3, s9;
	s6 =	sadd.s32 @!p0 $0x88, s6;
	s7 =	simm.s32 @p2 $0x1082  }
0x22: {  	[simem:s7], [sflag:s8] =	dma.local @!p0 [hbm:s6], $0xF7A  }
0x23: {  	s9 =	sor.u32 $0xD0000000, s2;
	s6 =	simm.s32 $0x108;
	_ =	swait.ge @!p0 [sflag:s8], $0x0  }
0x24: {  	s3 =	sadd.s32 $0x88, s3;
	s6 =	simm.s32 @!p1 $0x1082;
	[sflag:s4] =	ssyncset.s32 $0xFFFFF086  }
0x25: {  	[simem:s6], [sflag:s4] =	dma.local [hbm:s3], $0xF7A  }
0x26: {  	[smem:$0x3F99] =	sst s1;
	(tag) =	ssettag s2;
	_ =	strace s9  }
0x27: {  	s1 =	sld [smem:$0x3FA9]  }
0x28: {  	s2 =	sld [smem:$0x3FAA]  }
0x29: {  	s4 =	sld [smem:$0x3FAC]  }
0x2a: {  	p0 =	seq.s32 s5, $0x0;
	s5 =	sld [smem:$0x3FAD]  }
0x2b: {  	s6 =	sld [smem:$0x3FAE]  }
0x2c: {  	s7 =	sld [smem:$0x3FAF]  }
0x2d: {  	s3 =	simm.s32 $0x108;
	s8 =	sld [smem:$0x3FB0]  }
0x2e: {  	s3 =	simm.s32 @!p0 $0x1082;
	s9 =	sld [smem:$0x3FB1]  }
0x2f: {  	lr =	sadd.s32 s0, s3;
	s0 =	sld [smem:$0x3FA8]  }
0x30: {  	s3 =	sld [smem:$0x3FAB]  }
0x31: {  	[smem:$0x3FB4] =	sst s10  }
0x32: {  	s10 =	sld [smem:$0x3FB2];
	_ =	sdelay $0x3  }
0x33: {  	p0 =	seq.s32 s10, $0x1;
	s10 =	sld [smem:$0x3FB4];
	_ =	sdelay $0x3  }
0x34: {  	[smem:$0x3FB4] =	sst s10  }
0x35: {  	s10 =	sld [smem:$0x3FB3];
	_ =	sdelay $0x3  }
0x36: {  	p1 =	seq.s32 s10, $0x1;
	s10 =	sld [smem:$0x3FB4];
	_ =	sdelay $0x3  }
0x37: {  	[smem:$0x3FB4] =	sst s10  }
0x38: {  	s10 =	sld [smem:$0x3FB5]  }
0x39: {  	_ = 	snop;
	(pc) =	sbr.ind lr, $3  }
0x3a: {  	_ = 	snop  }
0x3b: {  	_ = 	snop  }
0x3c: {  	p2 =	seq.s32 s10, $0x1;
	s10 =	sld [smem:$0x3FB4]  }
0x3d: {  	_ =	shalt  }
0x3e: {  	_ =	shalt  }
0x3f: {  	_ =	shalt  }
0x40: {  	_ =	shalt  }
0x41: {  	_ =	shalt  }
0x42: {  	_ =	shalt  }
0x43: {  	_ =	shalt  }
0x44: {  	_ =	shalt  }
0x45: {  	_ =	shalt  }
0x46: {  	_ =	shalt  }
0x47: {  	_ =	shalt  }
0x48: {  	_ =	shalt  }
0x49: {  	_ =	shalt  }
0x4a: {  	_ =	shalt  }
0x4b: {  	_ =	shalt  }
0x4c: {  	_ =	shalt  }
0x4d: {  	_ =	shalt  }
0x4e: {  	_ =	shalt  }
0x4f: {  	_ =	shalt  }
0x50: {  	_ =	shalt  }
0x51: {  	_ =	shalt  }
0x52: {  	_ =	shalt  }
0x53: {  	_ =	shalt  }
0x54: {  	_ =	shalt  }
0x55: {  	_ =	shalt  }
0x56: {  	_ =	shalt  }
0x57: {  	_ =	shalt  }
0x58: {  	_ =	shalt  }
0x59: {  	_ =	shalt  }
0x5a: {  	_ =	shalt  }
0x5b: {  	_ =	shalt  }
0x5c: {  	_ =	shalt  }
0x5d: {  	_ =	shalt  }
0x5e: {  	_ =	shalt  }
0x5f: {  	_ =	shalt  }
0x60: {  	_ =	shalt  }
0x61: {  	_ =	shalt  }
0x62: {  	_ =	shalt  }
0x63: {  	_ =	shalt  }
0x64: {  	_ =	shalt  }
0x65: {  	_ =	shalt  }
0x66: {  	_ =	shalt  }
0x67: {  	_ =	shalt  }
0x68: {  	_ =	shalt  }
0x69: {  	_ =	shalt  }
0x6a: {  	_ =	shalt  }
0x6b: {  	_ =	shalt  }
0x6c: {  	_ =	shalt  }
0x6d: {  	_ =	shalt  }
0x6e: {  	_ =	shalt  }
0x6f: {  	_ =	shalt  }
0x70: {  	_ =	shalt  }
0x71: {  	_ =	shalt  }
0x72: {  	_ =	shalt  }
0x73: {  	_ =	shalt  }
0x74: {  	_ =	shalt  }
0x75: {  	_ =	shalt  }
0x76: {  	_ =	shalt  }
0x77: {  	_ =	shalt  }
0x78: {  	_ =	shalt  }
0x79: {  	_ =	shalt  }
0x7a: {  	_ =	shalt  }
0x7b: {  	_ =	shalt  }
0x7c: {  	_ =	shalt  }
0x7d: {  	_ =	shalt  }
0x7e: {  	_ =	shalt  }
0x7f: {  	_ =	shalt  }
0x80: {  	_ =	shalt  }
0x81: {  	_ =	shalt  }
0x82: {  	_ =	shalt  }
0x83: {  	_ =	shalt  }
0x84: {  	_ =	shalt  }
0x85: {  	_ =	shalt  }
0x86: {  	_ =	shalt  }
0x87: {  	_ =	shalt  }
.Lfunc_end0:
.L_simem_size_0:
called_computation_lowered:
.L_overlay_start_0:
0x88: {  	s2 =	sld [smem:$0x3FD9]  }
0x89: {  	s3 =	sld [smem:$0x3FFE];
	_ =	sdelay $0x1  }
0x8a: {  	s1 =	srdreg.scid  }
0x8b: {  	s0 =	sand.u32 $0x1, s1  }
0x8c: {  	s17 =	sshll.u32 s0, $0xA;
	s2 =	sadd.s32 s3, s2  }
0x8d: {  	s2 =	sadd.s32 s2, s17  }
0x8e: {  	[smem:$0x3FC0] =	sst s2  }
0x8f: {  	_ = 	snop  }
0x90: {  	s2 =	sld [smem:$0x3FD0];
	(tm) =	ssettm $0x1  }
0x91: {  	s18 =	sld [smem:$0x3FFB];
	_ =	sdelay $0x3  }
0x92: {  	_ =	strace s18  }
0x93: {  	s3 =	sld [smem:$0x3FFC];
	_ =	sdelay $0x3  }
0x94: {  	_ =	strace s3  }
0x95: {  	s3 =	sld [smem:$0x3FFD];
	_ =	sdelay $0x3  }
0x96: {  	_ =	strace s3  }
0x97: {  	_ =	strace $0x8FFFFFFF  }
0x98: {  	s19 =	sld [smem:$0x3FDB];
	_ =	sdelay $0x1  }
0x99: {  	s4 =	simm.s32 $_scs_section_size  }
0x9a: {  	s5 =	simm.s32 $_size__tile_overlayer_lowered;
	s6 =	simm.s32 $_tile_overlayer_lowered  }
0x9b: {  	s22 =	simm.s32 $0x1BFF;
	s21 =	sshll.u32 s6, $0x1;
	s3 =	sadd.s32 s4, s19  }
0x9c: {  	s7 =	simm.s32 $0x0;
	s20 =	sshll.u32 s5, $0x1;
	s5 =	sadd.s32 s21, s3  }
0x9d: {  	[timem:s7], [sflag:s22] =	dma.local [hbm:s5], s20  }
0x9e: {  	_ =	swait.ge [sflag:s22], s20  }
0x9f: {  	s4 =	ssub.s32 $0x0, s20;
	[sflag:s22] =	ssyncset.done $0x0  }
0xa0: {  	[sflag:s22] =	ssyncadd.s32 s4;
	_ =	sdelay $0x1  }
0xa1: {  	s23 =	simm.s32 $0x1B8B  }
0xa2: {  	_ =	swait.ge [sflag:s23], $0x1  }
0xa3: {  	[sflag:s23] =	ssyncset.done $0x0  }
0xa4: {  	s25 =	simm.s32 $0x1B8E;
	s24 =	sld [smem:$0x3FFE];
	[sflag:s23] =	ssyncadd.s32 $0xFFFFFFFF  }
0xa5: {  	s26 =	simm.s32 $execute0_lowered;
	[smem:$0x3FD2] =	sst s25  }
0xa6: {  	s5 =	sshll.u32 s26, $0x1;
	_ =	strace $0x80000046;
	[dreg:$0x1] =	wrdreg $0xFFFFFFFF  }
0xa7: {  	s28 =	simm.s32 $_size_execute0_lowered;
	s3 =	sadd.s32 s3, s5;
	[dreg:$0x0] =	wrdreg $0x0  }
0xa8: {  	s5 =	sshll.u32 s28, $0x1;
	[dreg:$0x2] =	wrdreg s3  }
0xa9: {  	[dreg:$0x3] =	wrdreg s5  }
0xaa: {  	[dreg:$0x4] =	wrdreg $0xC0  }
0xab: {  	_ =	task [dreg:s7], $0x5FFFF  }
0xac: {  	[dreg:$0x1] =	wrdreg $0xFFFFFFFF  }
0xad: {  	[dreg:$0x0] =	wrdreg $0x60  }
0xae: {  	[dreg:$0x2] =	wrdreg s24  }
0xaf: {  	[dreg:$0x3] =	wrdreg s2  }
0xb0: {  	[dreg:$0x4] =	wrdreg $0x47000  }
0xb1: {  	[dreg:$0x5] =	wrdreg $0x1CF000  }
0xb2: {  	[dreg:$0x6] =	wrdreg $0x9  }
0xb3: {  	_ =	task.clear_ibuf [dreg:s7], $0x7FFFF;
	_ =	strace $0x90000046  }
0xb4: {  	s29 =	simm.s32 $0x9;
	_ =	strace $0x80000048  }
0xb5: {  	_ =	swait.ge [sflag:s29], $0x1  }
0xb6: {  	[sflag:s29] =	ssyncadd.s32 $0xFFFFFFFF  }
0xb7: {  	_ =	strace $0x90000048  }
0xb8: {  	_ =	sfence  }
0xb9: {  	s30 =	sld [smem:$0x0];
	_ =	sdelay $0x2  }
0xba: {  	s31 =	sshll.u32 s1, $0xD;
	s1 =	sshrl.u32 s1, $0x2  }
0xbb: {  	s3 =	sand.u32 $0x4000, s31;
	s1 =	sadd.s32 s1, s30  }
0xbc: {  	s0 =	sor.u32 s3, s0;
	s1 =	sshll.u32 s1, $0x11  }
0xbd: {  	s0 =	sor.u32 s1, s0  }
0xbe: {  	s0 =	sadd.s32 $0x8F2B, s0  }
0xbf: {  	[sflag:s0] =	ssyncadd.remote.s32 $0x1  }
0xc0: {  	_ =	sfence.sel $0xFFFF  }
0xc1: {  	[dreg:$0x0] =	wrdreg $0xFFFFFFFF;
	(pc) =	sbr.abs _section_cstart, $3  }
0xc2: {  	[dreg:$0x1] =	wrdreg $0xFFFFFFFF  }
0xc3: {  	_ =	task.clear_ibuf [dreg:s7], $0x2FFFF;
	_ =	strace $0x9FFFFFFF  }
0xc4: {  	(tm) =	ssettm $0x7FFFFFFF  }
0xc5: {  	_ =	shalt  }
tec
execute0_lowered:
.L_overlay_start_1:
0x0: {  	(tag) =	ssettag $0x1  }
0x1: {  	s0 =	rddreg [dreg:$0x0]  }
0x2: {  	s4 =	rddreg [dreg:$0x1]  }
0x3: {  	s1 =	rddreg [dreg:$0x2]  }
0x4: {  	s2 =	rddreg [dreg:$0x3];
	s3 =	simm.s32 $0x0;
	s6 =	srdreg.scid  }
0x5: {  	s14 =	stileid.u32;
	s28 =	simm.s32 $0x380;
	s29 =	simm.s32 $0x3EB0  }
0x6: {  	s30 =	simm.s32 $0x1;
	s31 =	simm.s32 $0x480;
	s5 =	sadd.s32 $0x188800, s0  }
0x7: {  	[smem:$0x7FF] =	sst s3;
	s7 =	sadd.s32 $0x1B9600, s0;
	s8 =	smul.u32 $0x18800, s14  }
0x8: {  	s6 =	sand.u32 $0x1, s6;
	s9 =	sadd.s32 $0x21DC00, s0;
	s10 =	sadd.s32 $0x21D600, s0  }
0x9: {  	s13 =	smul.u32 $0xC800, s14;
	_ =	strace $0x80000047;
	[dreg:$0xc] =	wrdreg s9  }
0xa: {  	s23 =	sadd.s32 $0x21D800, s0;
	s26 =	smul.u32 $0x1880, s14;
	[dreg:$0xd] =	wrdreg s10  }
0xb: {  	s14 =	sshll.u32 s14, $0x6;
	s22 =	smul.u32 $0x188000, s6;
	[dreg:$0xe] =	wrdreg s23  }
0xc: {  	s24 =	ssub.s32 $0x2, s6;
	s11 =	smul.u32 $0xC8000, s6;
	s16 =	sor.u32 $0x1C03, s14  }
0xd: {  	s6 =	smul.u32 $0x18800, s6;
	s14 =	simm.s32 $0x3;
	s23 =	simm.s32 $0x100  }
0xe: {  	s10 =	simm.s32 $0x780;
	s12 =	sshrl.u32 s24, $0x1;
	[dreg:$0x8] =	wrdreg s23  }
0xf: {  	s17 =	sadd.s32 s26, s2;
	s23 =	simm.s32 $0x2740;
	[dreg:$0xf] =	wrdreg s16  }
0x10: {  	s9 =	sadd.s32 s8, s22;
	s25 =	ssub.s32 s24, s12;
	s8 =	sadd.s32 s8, s1  }
0x11: {  	s11 =	sadd.s32 s13, s11;
	s6 =	sadd.s32 s26, s6;
	s13 =	sshrl.u32 s17, $0x3  }
0x12: {  	s17 =	simm.s32 $0x400;
	s22 =	simm.s32 $0x80;
	s24 =	simm.s32 $0x180  }
0x13: {  	s26 =	simm.s32 $0x280;
	s9 =	sshrl.u32 s9, $0x3;
	s15 =	sadd.s32 $0x190000, s11  }
0x14: {  	s19 =	sshrl.u32 s11, $0x3;
	s6 =	sshrl.u32 s6, $0x3;
	[dreg:$0x7] =	wrdreg s22  }
0x15: {  	s21 =	smax.u32 s25, $0x1;
	s12 =	sshrl.u32 s8, $0x3;
	[dreg:$0x9] =	wrdreg s24  }
0x16: {  	s25 =	simm.s32 $0x200;
	s22 =	simm.s32 $0x1F70;
	[dreg:$0xb] =	wrdreg s26  }
0x17: {  	s24 =	simm.s32 $0x2F10;
	s26 =	simm.s32 $0x36E0;
	s8 =	simm.s32 $0x700  }
0x18: {  	s11 =	simm.s32 $0x2;
	[dreg:$0x14] =	wrdreg s13;
	s0 =	sadd.s32 s9, s0  }
0x19: {  	s18 =	sshrl.u32 s15, $0x3;
	s20 =	sadd.s32 s19, s7;
	[dreg:$0x12] =	wrdreg s21  }
0x1a: {  	s4 =	sadd.s32 s4, s6;
	s15 =	simm.s32 $0x4680;
	[dreg:$0xa] =	wrdreg s25  }
0x1b: {  	s19 =	simm.s32 $0x800;
	s21 =	simm.s32 $0x17A0;
	[dreg:$0x13] =	wrdreg s12  }
0x1c: {  	s25 =	simm.s32 $0x300;
	s6 =	simm.s32 $0x600;
	[dreg:$0x11] =	wrdreg s4  }
0x1d: {  	s9 =	simm.s32 $0x0;
	s0 =	sadd.s32 $0x220E00, s0;
	[dreg:$0x6] =	wrdreg s20  }
0x1e: {  	s20 =	simm.s32 $0xFD0;
	s4 =	simm.s32 $0x580;
	[dreg:$0x15] =	wrdreg s9  }
0x1f: {  	[dreg:$0x10] =	wrdreg s0;
	s0 =	sadd.s32 s18, s7;
	s18 =	simm.s32 $0x7D  }
0x20: {  	s7 =	simm.s32 $0x680;
	[dreg:$0x5] =	wrdreg s0;
	s0 =	simm.s32 $0x500  }
.LBB2_1:
0x21: {  	s9 =	rddreg [dreg:$0xc]  }
0x22: {  	[spmem:s12], [sflag:s16] =	dma.local [hbm:s9], $0x3100  }
0x23: {  	_ =	swait.ge [sflag:s14], $0x3100  }
0x24: {  	[sflag:s14] =	ssyncset.done $0x0  }
0x25: {  	s12 =	rddreg [dreg:$0xd];
	[sflag:s14] =	ssyncadd.s32 $0xFFFFCF00  }
0x26: {  	[tilespmem:s15], [sflag:$0x3] =	stream.linear.gather [hbm4b:s12+s3], $0x80, $0x38;
	[tilespmem:$0x1E780] =	vst v63  }
0x27: {  	_ =	swait.ge [sflag:s14], $0x80  }
0x28: {  	[sflag:s14] =	ssyncset.done $0x0  }
0x29: {  	s12 =	rddreg [dreg:$0xe];
	[sflag:s14] =	ssyncadd.s32 $0xFFFFFF80  }
0x2a: {  	[spmem:s13], [sflag:s16] =	dma.local [hbm:s12], $0x310  }
0x2b: {  	_ =	swait.ge [sflag:s14], $0x310  }
0x2c: {  	[sflag:s14] =	ssyncset.done $0x0  }
0x2d: {  	[sflag:s14] =	ssyncadd.s32 $0xFFFFFCF0  }
0x2e: {  	[bflag:$0x0] =	sbarrier.arrive $0xFFFF  }
0x2f: {  	s12 =	rddreg [dreg:$0x6]  }
0x30: {  	s9 =	sadd.s32 $0x0, s12  }
0x31: {  	[tilespmem:s3], [sflag:$0x3] =	stream.linear.gather [hbm4b:s9+s3], $0x400, $0x38;
	[tilespmem:$0x1E780] =	vst v63  }
0x32: {  	_ =	swait.ge [sflag:s14], $0x400  }
0x33: {  	s13 =	rddreg [dreg:$0x5];
	[sflag:s14] =	ssyncset.done $0x0  }
0x34: {  	[sflag:s14] =	ssyncadd.s32 $0xFFFFFC00;
	s9 =	sadd.s32 $0x0, s13  }
0x35: {  	[tilespmem:s17], [sflag:$0x3] =	stream.linear.gather [hbm4b:s9+s3], $0x400, $0x38;
	[tilespmem:$0x1E780] =	vst v63  }
0x36: {  	_ =	swait.ge [sflag:s14], $0x400  }
0x37: {  	[sflag:s14] =	ssyncset.done $0x0  }
0x38: {  	[sflag:s14] =	ssyncadd.s32 $0xFFFFFC00  }
0x39: {  	[tilespmem:s19], [sflag:$0x1] =	stream.indirect.gather [hbm4b:s5+s18], $0x10, s3, s18, $0xb8;
	[tilespmem:$0x1E780] =	vst v63  }
0x3a: {  	s16 =	rddreg [dreg:$0x7]  }
0x3b: {  	[tilespmem:s20], [sflag:$0x1] =	stream.indirect.gather [hbm4b:s5+s18], $0x10, s16, s18, $0xb8;
	[tilespmem:$0x1E780] =	vst v63  }
0x3c: {  	s12 =	rddreg [dreg:$0x8]  }
0x3d: {  	[tilespmem:s21], [sflag:$0x1] =	stream.indirect.gather [hbm4b:s5+s18], $0x10, s12, s18, $0xb8;
	[tilespmem:$0x1E780] =	vst v63  }
0x3e: {  	s16 =	rddreg [dreg:$0x9]  }
0x3f: {  	[tilespmem:s22], [sflag:$0x1] =	stream.indirect.gather [hbm4b:s5+s18], $0x10, s16, s18, $0xb8;
	[tilespmem:$0x1E780] =	vst v63  }
0x40: {  	s12 =	rddreg [dreg:$0xa]  }
0x41: {  	[tilespmem:s23], [sflag:$0x1] =	stream.indirect.gather [hbm4b:s5+s18], $0x10, s12, s18, $0xb8;
	[tilespmem:$0x1E780] =	vst v63  }
0x42: {  	s16 =	rddreg [dreg:$0xb]  }
0x43: {  	[tilespmem:s24], [sflag:$0x1] =	stream.indirect.gather [hbm4b:s5+s18], $0x10, s16, s18, $0xb8;
	[tilespmem:$0x1E780] =	vst v63  }
0x44: {  	_ = 	snop  }
0x45: {  	[tilespmem:s26], [sflag:$0x1] =	stream.indirect.gather [hbm4b:s5+s18], $0x10, s25, s18, $0xb8;
	[tilespmem:$0x1E780] =	vst v63  }
0x46: {  	_ = 	snop  }
0x47: {  	[tilespmem:s29], [sflag:$0x1] =	stream.indirect.gather [hbm4b:s5+s18], $0x10, s28, s18, $0xb8;
	[tilespmem:$0x1E780] =	vst v63  }
0x48: {  	_ =	swait.ge [sflag:s30], $0x7D0  }
0x49: {  	[sflag:s30] =	ssyncset.done $0x0  }
0x4a: {  	[sflag:s30] =	ssyncadd.s32 $0xFFFFF830  }
0x4b: {  	_ =	swait.ge [sflag:s30], $0x7D0  }
0x4c: {  	[sflag:s30] =	ssyncset.done $0x0  }
0x4d: {  	[sflag:s30] =	ssyncadd.s32 $0xFFFFF830  }
0x4e: {  	_ =	swait.ge [sflag:s30], $0x7D0  }
0x4f: {  	[sflag:s30] =	ssyncset.done $0x0  }
0x50: {  	[sflag:s30] =	ssyncadd.s32 $0xFFFFF830  }
0x51: {  	_ =	swait.ge [sflag:s30], $0x7D0  }
0x52: {  	[sflag:s30] =	ssyncset.done $0x0  }
0x53: {  	[sflag:s30] =	ssyncadd.s32 $0xFFFFF830  }
0x54: {  	_ =	swait.ge [sflag:s30], $0x7D0  }
0x55: {  	[sflag:s30] =	ssyncset.done $0x0  }
0x56: {  	[sflag:s30] =	ssyncadd.s32 $0xFFFFF830  }
0x57: {  	_ =	swait.ge [sflag:s30], $0x7D0  }
0x58: {  	[sflag:s30] =	ssyncset.done $0x0  }
0x59: {  	[sflag:s30] =	ssyncadd.s32 $0xFFFFF830  }
0x5a: {  	_ =	swait.ge [sflag:s30], $0x7D0  }
0x5b: {  	[sflag:s30] =	ssyncset.done $0x0  }
0x5c: {  	[sflag:s30] =	ssyncadd.s32 $0xFFFFF830  }
0x5d: {  	_ =	swait.ge [sflag:s30], $0x7D0  }
0x5e: {  	[sflag:s30] =	ssyncset.done $0x0  }
0x5f: {  	[sflag:s30] =	ssyncadd.s32 $0xFFFFF830  }
0x60: {  	[spmem:s1] =	stream.indirect.scatter.add.f32 [tilespmem:s19], [sflag:$0x2], $0x10, s17, s18, $0xb8;
	[tilespmem:$0x1E780] =	vst v63  }
0x61: {  	_ = 	snop  }
0x62: {  	[spmem:s2] =	stream.indirect.scatter.add.f32 [tilespmem:s15], [sflag:$0x2], $0x1, s17, s18, $0xb8;
	[tilespmem:$0x1E780] =	vst v63  }
0x63: {  	_ = 	snop  }
0x64: {  	[spmem:s1] =	stream.indirect.scatter.add.f32 [tilespmem:s20], [sflag:$0x2], $0x10, s31, s18, $0xb8;
	[tilespmem:$0x1E780] =	vst v63  }
0x65: {  	_ = 	snop  }
0x66: {  	[spmem:s2] =	stream.indirect.scatter.add.f32 [tilespmem:s15], [sflag:$0x2], $0x1, s31, s18, $0xb8;
	[tilespmem:$0x1E780] =	vst v63  }
0x67: {  	_ = 	snop  }
0x68: {  	[spmem:s1] =	stream.indirect.scatter.add.f32 [tilespmem:s21], [sflag:$0x2], $0x10, s0, s18, $0xb8;
	[tilespmem:$0x1E780] =	vst v63  }
0x69: {  	_ = 	snop  }
0x6a: {  	[spmem:s2] =	stream.indirect.scatter.add.f32 [tilespmem:s15], [sflag:$0x2], $0x1, s0, s18, $0xb8;
	[tilespmem:$0x1E780] =	vst v63  }
0x6b: {  	_ = 	snop  }
0x6c: {  	[spmem:s1] =	stream.indirect.scatter.add.f32 [tilespmem:s22], [sflag:$0x2], $0x10, s4, s18, $0xb8;
	[tilespmem:$0x1E780] =	vst v63  }
0x6d: {  	_ = 	snop  }
0x6e: {  	[spmem:s2] =	stream.indirect.scatter.add.f32 [tilespmem:s15], [sflag:$0x2], $0x1, s4, s18, $0xb8;
	[tilespmem:$0x1E780] =	vst v63  }
0x6f: {  	_ = 	snop  }
0x70: {  	[spmem:s1] =	stream.indirect.scatter.add.f32 [tilespmem:s23], [sflag:$0x2], $0x10, s6, s18, $0xb8;
	[tilespmem:$0x1E780] =	vst v63  }
0x71: {  	_ = 	snop  }
0x72: {  	[spmem:s2] =	stream.indirect.scatter.add.f32 [tilespmem:s15], [sflag:$0x2], $0x1, s6, s18, $0xb8;
	[tilespmem:$0x1E780] =	vst v63  }
0x73: {  	_ = 	snop  }
0x74: {  	[spmem:s1] =	stream.indirect.scatter.add.f32 [tilespmem:s24], [sflag:$0x2], $0x10, s7, s18, $0xb8;
	[tilespmem:$0x1E780] =	vst v63  }
0x75: {  	_ = 	snop  }
0x76: {  	[spmem:s2] =	stream.indirect.scatter.add.f32 [tilespmem:s15], [sflag:$0x2], $0x1, s7, s18, $0xb8;
	[tilespmem:$0x1E780] =	vst v63  }
0x77: {  	_ = 	snop  }
0x78: {  	[spmem:s1] =	stream.indirect.scatter.add.f32 [tilespmem:s26], [sflag:$0x2], $0x10, s8, s18, $0xb8;
	[tilespmem:$0x1E780] =	vst v63  }
0x79: {  	_ = 	snop  }
0x7a: {  	[spmem:s2] =	stream.indirect.scatter.add.f32 [tilespmem:s15], [sflag:$0x2], $0x1, s8, s18, $0xb8;
	[tilespmem:$0x1E780] =	vst v63  }
0x7b: {  	_ = 	snop  }
0x7c: {  	[spmem:s1] =	stream.indirect.scatter.add.f32 [tilespmem:s29], [sflag:$0x2], $0x10, s10, s18, $0xb8;
	[tilespmem:$0x1E780] =	vst v63  }
0x7d: {  	_ = 	snop  }
0x7e: {  	[spmem:s2] =	stream.indirect.scatter.add.f32 [tilespmem:s15], [sflag:$0x2], $0x1, s10, s18, $0xb8;
	[tilespmem:$0x1E780] =	vst v63  }
0x7f: {  	_ =	swait.ge [sflag:s11], $0x7D0  }
0x80: {  	[sflag:s11] =	ssyncset.done $0x0  }
0x81: {  	[sflag:s11] =	ssyncadd.s32 $0xFFFFF830  }
0x82: {  	_ =	swait.ge [sflag:s11], $0x7D  }
0x83: {  	[sflag:s11] =	ssyncset.done $0x0  }
0x84: {  	[sflag:s11] =	ssyncadd.s32 $0xFFFFFF83  }
0x85: {  	_ =	swait.ge [sflag:s11], $0x7D0  }
0x86: {  	[sflag:s11] =	ssyncset.done $0x0  }
0x87: {  	[sflag:s11] =	ssyncadd.s32 $0xFFFFF830  }
0x88: {  	_ =	swait.ge [sflag:s11], $0x7D  }
0x89: {  	[sflag:s11] =	ssyncset.done $0x0  }
0x8a: {  	[sflag:s11] =	ssyncadd.s32 $0xFFFFFF83  }
0x8b: {  	_ =	swait.ge [sflag:s11], $0x7D0  }
0x8c: {  	[sflag:s11] =	ssyncset.done $0x0  }
0x8d: {  	[sflag:s11] =	ssyncadd.s32 $0xFFFFF830  }
0x8e: {  	_ =	swait.ge [sflag:s11], $0x7D  }
0x8f: {  	[sflag:s11] =	ssyncset.done $0x0  }
0x90: {  	[sflag:s11] =	ssyncadd.s32 $0xFFFFFF83  }
0x91: {  	_ =	swait.ge [sflag:s11], $0x7D0  }
0x92: {  	[sflag:s11] =	ssyncset.done $0x0  }
0x93: {  	[sflag:s11] =	ssyncadd.s32 $0xFFFFF830  }
0x94: {  	_ =	swait.ge [sflag:s11], $0x7D  }
0x95: {  	[sflag:s11] =	ssyncset.done $0x0  }
0x96: {  	[sflag:s11] =	ssyncadd.s32 $0xFFFFFF83  }
0x97: {  	_ =	swait.ge [sflag:s11], $0x7D0  }
0x98: {  	[sflag:s11] =	ssyncset.done $0x0  }
0x99: {  	[sflag:s11] =	ssyncadd.s32 $0xFFFFF830  }
0x9a: {  	_ =	swait.ge [sflag:s11], $0x7D  }
0x9b: {  	[sflag:s11] =	ssyncset.done $0x0  }
0x9c: {  	[sflag:s11] =	ssyncadd.s32 $0xFFFFFF83  }
0x9d: {  	_ =	swait.ge [sflag:s11], $0x7D0  }
0x9e: {  	[sflag:s11] =	ssyncset.done $0x0  }
0x9f: {  	[sflag:s11] =	ssyncadd.s32 $0xFFFFF830  }
0xa0: {  	_ =	swait.ge [sflag:s11], $0x7D  }
0xa1: {  	[sflag:s11] =	ssyncset.done $0x0  }
0xa2: {  	[sflag:s11] =	ssyncadd.s32 $0xFFFFFF83  }
0xa3: {  	_ =	swait.ge [sflag:s11], $0x7D0  }
0xa4: {  	[sflag:s11] =	ssyncset.done $0x0  }
0xa5: {  	[sflag:s11] =	ssyncadd.s32 $0xFFFFF830  }
0xa6: {  	_ =	swait.ge [sflag:s11], $0x7D  }
0xa7: {  	[sflag:s11] =	ssyncset.done $0x0  }
0xa8: {  	[sflag:s11] =	ssyncadd.s32 $0xFFFFFF83  }
0xa9: {  	_ =	swait.ge [sflag:s11], $0x7D0  }
0xaa: {  	[sflag:s11] =	ssyncset.done $0x0  }
0xab: {  	[sflag:s11] =	ssyncadd.s32 $0xFFFFF830  }
0xac: {  	s13 =	simm.s32 $0x80;
	_ =	swait.ge [sflag:s11], $0x7D  }
0xad: {  	s16 =	simm.s32 $0x100;
	s9 =	rddreg [dreg:$0x6];
	[sflag:s11] =	ssyncset.done $0x0  }
.LBB2_2:
0xae: {  	[sflag:s11] =	ssyncadd.s32 $0xFFFFFF83;
	s9 =	sadd.s32 s13, s9  }
0xaf: {  	[tilespmem:s3], [sflag:$0x3] =	stream.linear.gather [hbm4b:s9+s3], $0x400, $0x38;
	[tilespmem:$0x1E780] =	vst v63  }
0xb0: {  	_ =	swait.ge [sflag:s14], $0x400  }
0xb1: {  	s9 =	rddreg [dreg:$0x5];
	[sflag:s14] =	ssyncset.done $0x0  }
0xb2: {  	[sflag:s14] =	ssyncadd.s32 $0xFFFFFC00;
	s9 =	sadd.s32 s13, s9  }
0xb3: {  	[tilespmem:s17], [sflag:$0x3] =	stream.linear.gather [hbm4b:s9+s3], $0x400, $0x38;
	[tilespmem:$0x1E780] =	vst v63  }
0xb4: {  	_ =	swait.ge [sflag:s14], $0x400  }
0xb5: {  	[sflag:s14] =	ssyncset.done $0x0  }
0xb6: {  	[sflag:s14] =	ssyncadd.s32 $0xFFFFFC00  }
0xb7: {  	[tilespmem:s19], [sflag:$0x1] =	stream.indirect.gather [hbm4b:s5+s18], $0x10, s3, s18, $0xb8;
	[tilespmem:$0x1E780] =	vst v63  }
0xb8: {  	s12 =	smov.u32 s16;
	s9 =	rddreg [dreg:$0x7]  }
0xb9: {  	[tilespmem:s20], [sflag:$0x1] =	stream.indirect.gather [hbm4b:s5+s18], $0x10, s9, s18, $0xb8;
	[tilespmem:$0x1E780] =	vst v63  }
0xba: {  	s13 =	smov.u32 s12;
	s12 =	rddreg [dreg:$0x8]  }
0xbb: {  	[tilespmem:s21], [sflag:$0x1] =	stream.indirect.gather [hbm4b:s5+s18], $0x10, s12, s18, $0xb8;
	[tilespmem:$0x1E780] =	vst v63  }
0xbc: {  	s9 =	rddreg [dreg:$0x9]  }
0xbd: {  	[tilespmem:s22], [sflag:$0x1] =	stream.indirect.gather [hbm4b:s5+s18], $0x10, s9, s18, $0xb8;
	[tilespmem:$0x1E780] =	vst v63  }
0xbe: {  	s12 =	rddreg [dreg:$0xa]  }
0xbf: {  	[tilespmem:s23], [sflag:$0x1] =	stream.indirect.gather [hbm4b:s5+s18], $0x10, s12, s18, $0xb8;
	[tilespmem:$0x1E780] =	vst v63  }
0xc0: {  	s9 =	rddreg [dreg:$0xb]  }
0xc1: {  	[tilespmem:s24], [sflag:$0x1] =	stream.indirect.gather [hbm4b:s5+s18], $0x10, s9, s18, $0xb8;
	[tilespmem:$0x1E780] =	vst v63  }
0xc2: {  	_ = 	snop  }
0xc3: {  	[tilespmem:s26], [sflag:$0x1] =	stream.indirect.gather [hbm4b:s5+s18], $0x10, s25, s18, $0xb8;
	[tilespmem:$0x1E780] =	vst v63  }
0xc4: {  	_ = 	snop  }
0xc5: {  	[tilespmem:s29], [sflag:$0x1] =	stream.indirect.gather [hbm4b:s5+s18], $0x10, s28, s18, $0xb8;
	[tilespmem:$0x1E780] =	vst v63  }
0xc6: {  	_ =	swait.ge [sflag:s30], $0x7D0  }
0xc7: {  	[sflag:s30] =	ssyncset.done $0x0  }
0xc8: {  	[sflag:s30] =	ssyncadd.s32 $0xFFFFF830  }
0xc9: {  	_ =	swait.ge [sflag:s30], $0x7D0  }
0xca: {  	[sflag:s30] =	ssyncset.done $0x0  }
0xcb: {  	[sflag:s30] =	ssyncadd.s32 $0xFFFFF830  }
0xcc: {  	_ =	swait.ge [sflag:s30], $0x7D0  }
0xcd: {  	[sflag:s30] =	ssyncset.done $0x0  }
0xce: {  	[sflag:s30] =	ssyncadd.s32 $0xFFFFF830  }
0xcf: {  	_ =	swait.ge [sflag:s30], $0x7D0  }
0xd0: {  	[sflag:s30] =	ssyncset.done $0x0  }
0xd1: {  	[sflag:s30] =	ssyncadd.s32 $0xFFFFF830  }
0xd2: {  	_ =	swait.ge [sflag:s30], $0x7D0  }
0xd3: {  	[sflag:s30] =	ssyncset.done $0x0  }
0xd4: {  	[sflag:s30] =	ssyncadd.s32 $0xFFFFF830  }
0xd5: {  	_ =	swait.ge [sflag:s30], $0x7D0  }
0xd6: {  	[sflag:s30] =	ssyncset.done $0x0  }
0xd7: {  	[sflag:s30] =	ssyncadd.s32 $0xFFFFF830  }
0xd8: {  	_ =	swait.ge [sflag:s30], $0x7D0  }
0xd9: {  	[sflag:s30] =	ssyncset.done $0x0  }
0xda: {  	[sflag:s30] =	ssyncadd.s32 $0xFFFFF830  }
0xdb: {  	_ =	swait.ge [sflag:s30], $0x7D0  }
0xdc: {  	[sflag:s30] =	ssyncset.done $0x0  }
0xdd: {  	[sflag:s30] =	ssyncadd.s32 $0xFFFFF830  }
0xde: {  	[spmem:s1] =	stream.indirect.scatter.add.f32 [tilespmem:s19], [sflag:$0x2], $0x10, s17, s18, $0xb8;
	[tilespmem:$0x1E780] =	vst v63  }
0xdf: {  	_ = 	snop  }
0xe0: {  	[spmem:s2] =	stream.indirect.scatter.add.f32 [tilespmem:s15], [sflag:$0x2], $0x1, s17, s18, $0xb8;
	[tilespmem:$0x1E780] =	vst v63  }
0xe1: {  	_ = 	snop  }
0xe2: {  	[spmem:s1] =	stream.indirect.scatter.add.f32 [tilespmem:s20], [sflag:$0x2], $0x10, s31, s18, $0xb8;
	[tilespmem:$0x1E780] =	vst v63  }
0xe3: {  	_ = 	snop  }
0xe4: {  	[spmem:s2] =	stream.indirect.scatter.add.f32 [tilespmem:s15], [sflag:$0x2], $0x1, s31, s18, $0xb8;
	[tilespmem:$0x1E780] =	vst v63  }
0xe5: {  	_ = 	snop  }
0xe6: {  	[spmem:s1] =	stream.indirect.scatter.add.f32 [tilespmem:s21], [sflag:$0x2], $0x10, s0, s18, $0xb8;
	[tilespmem:$0x1E780] =	vst v63  }
0xe7: {  	_ = 	snop  }
0xe8: {  	[spmem:s2] =	stream.indirect.scatter.add.f32 [tilespmem:s15], [sflag:$0x2], $0x1, s0, s18, $0xb8;
	[tilespmem:$0x1E780] =	vst v63  }
0xe9: {  	_ = 	snop  }
0xea: {  	[spmem:s1] =	stream.indirect.scatter.add.f32 [tilespmem:s22], [sflag:$0x2], $0x10, s4, s18, $0xb8;
	[tilespmem:$0x1E780] =	vst v63  }
0xeb: {  	_ = 	snop  }
0xec: {  	[spmem:s2] =	stream.indirect.scatter.add.f32 [tilespmem:s15], [sflag:$0x2], $0x1, s4, s18, $0xb8;
	[tilespmem:$0x1E780] =	vst v63  }
0xed: {  	_ = 	snop  }
0xee: {  	[spmem:s1] =	stream.indirect.scatter.add.f32 [tilespmem:s23], [sflag:$0x2], $0x10, s6, s18, $0xb8;
	[tilespmem:$0x1E780] =	vst v63  }
0xef: {  	_ = 	snop  }
0xf0: {  	[spmem:s2] =	stream.indirect.scatter.add.f32 [tilespmem:s15], [sflag:$0x2], $0x1, s6, s18, $0xb8;
	[tilespmem:$0x1E780] =	vst v63  }
0xf1: {  	_ = 	snop  }
0xf2: {  	[spmem:s1] =	stream.indirect.scatter.add.f32 [tilespmem:s24], [sflag:$0x2], $0x10, s7, s18, $0xb8;
	[tilespmem:$0x1E780] =	vst v63  }
0xf3: {  	_ = 	snop  }
0xf4: {  	[spmem:s2] =	stream.indirect.scatter.add.f32 [tilespmem:s15], [sflag:$0x2], $0x1, s7, s18, $0xb8;
	[tilespmem:$0x1E780] =	vst v63  }
0xf5: {  	_ = 	snop  }
0xf6: {  	[spmem:s1] =	stream.indirect.scatter.add.f32 [tilespmem:s26], [sflag:$0x2], $0x10, s8, s18, $0xb8;
	[tilespmem:$0x1E780] =	vst v63  }
0xf7: {  	_ = 	snop  }
0xf8: {  	[spmem:s2] =	stream.indirect.scatter.add.f32 [tilespmem:s15], [sflag:$0x2], $0x1, s8, s18, $0xb8;
	[tilespmem:$0x1E780] =	vst v63  }
0xf9: {  	_ = 	snop  }
0xfa: {  	[spmem:s1] =	stream.indirect.scatter.add.f32 [tilespmem:s29], [sflag:$0x2], $0x10, s10, s18, $0xb8;
	[tilespmem:$0x1E780] =	vst v63  }
0xfb: {  	_ = 	snop  }
0xfc: {  	[spmem:s2] =	stream.indirect.scatter.add.f32 [tilespmem:s15], [sflag:$0x2], $0x1, s10, s18, $0xb8;
	[tilespmem:$0x1E780] =	vst v63  }
0xfd: {  	_ =	swait.ge [sflag:s11], $0x7D0  }
0xfe: {  	[sflag:s11] =	ssyncset.done $0x0  }
0xff: {  	[sflag:s11] =	ssyncadd.s32 $0xFFFFF830  }
0x100: {  	_ =	swait.ge [sflag:s11], $0x7D  }
0x101: {  	[sflag:s11] =	ssyncset.done $0x0  }
0x102: {  	[sflag:s11] =	ssyncadd.s32 $0xFFFFFF83  }
0x103: {  	_ =	swait.ge [sflag:s11], $0x7D0  }
0x104: {  	[sflag:s11] =	ssyncset.done $0x0  }
0x105: {  	[sflag:s11] =	ssyncadd.s32 $0xFFFFF830  }
0x106: {  	_ =	swait.ge [sflag:s11], $0x7D  }
0x107: {  	[sflag:s11] =	ssyncset.done $0x0  }
0x108: {  	[sflag:s11] =	ssyncadd.s32 $0xFFFFFF83  }
0x109: {  	_ =	swait.ge [sflag:s11], $0x7D0  }
0x10a: {  	[sflag:s11] =	ssyncset.done $0x0  }
0x10b: {  	[sflag:s11] =	ssyncadd.s32 $0xFFFFF830  }
0x10c: {  	_ =	swait.ge [sflag:s11], $0x7D  }
0x10d: {  	[sflag:s11] =	ssyncset.done $0x0  }
0x10e: {  	[sflag:s11] =	ssyncadd.s32 $0xFFFFFF83  }
0x10f: {  	_ =	swait.ge [sflag:s11], $0x7D0  }
0x110: {  	[sflag:s11] =	ssyncset.done $0x0  }
0x111: {  	[sflag:s11] =	ssyncadd.s32 $0xFFFFF830  }
0x112: {  	_ =	swait.ge [sflag:s11], $0x7D  }
0x113: {  	[sflag:s11] =	ssyncset.done $0x0  }
0x114: {  	[sflag:s11] =	ssyncadd.s32 $0xFFFFFF83  }
0x115: {  	_ =	swait.ge [sflag:s11], $0x7D0  }
0x116: {  	[sflag:s11] =	ssyncset.done $0x0  }
0x117: {  	[sflag:s11] =	ssyncadd.s32 $0xFFFFF830  }
0x118: {  	_ =	swait.ge [sflag:s11], $0x7D  }
0x119: {  	[sflag:s11] =	ssyncset.done $0x0  }
0x11a: {  	[sflag:s11] =	ssyncadd.s32 $0xFFFFFF83  }
0x11b: {  	_ =	swait.ge [sflag:s11], $0x7D0  }
0x11c: {  	[sflag:s11] =	ssyncset.done $0x0  }
0x11d: {  	[sflag:s11] =	ssyncadd.s32 $0xFFFFF830  }
0x11e: {  	_ =	swait.ge [sflag:s11], $0x7D  }
0x11f: {  	[sflag:s11] =	ssyncset.done $0x0  }
0x120: {  	[sflag:s11] =	ssyncadd.s32 $0xFFFFFF83  }
0x121: {  	_ =	swait.ge [sflag:s11], $0x7D0  }
0x122: {  	[sflag:s11] =	ssyncset.done $0x0  }
0x123: {  	[sflag:s11] =	ssyncadd.s32 $0xFFFFF830  }
0x124: {  	_ =	swait.ge [sflag:s11], $0x7D  }
0x125: {  	[sflag:s11] =	ssyncset.done $0x0  }
0x126: {  	p0 =	sne.s32 s16, $0x1880;
	[sflag:s11] =	ssyncadd.s32 $0xFFFFFF83  }
.Ltmp0:
0x127: {  	_ =	swait.ge [sflag:s11], $0x7D0;
	(pc) =	sbr.rel @p0 .LBB2_2-.Ltmp0, $4  }
0x128: {  	[sflag:s11] =	ssyncset.done $0x0  }
0x129: {  	[sflag:s11] =	ssyncadd.s32 $0xFFFFF830  }
0x12a: {  	_ =	swait.ge [sflag:s11], $0x7D  }
0x12b: {  	s16 =	sadd.s32 $0x80, s16;
	s9 =	rddreg [dreg:$0x6];
	[sflag:s11] =	ssyncset.done $0x0  }
0x12c: {  	[sflag:s11] =	ssyncadd.s32 $0xFFFFFF83;
	s9 =	sadd.s32 s13, s9  }
0x12d: {  	[tilespmem:s3], [sflag:$0x3] =	stream.linear.gather [hbm4b:s9+s3], $0x400, $0x38;
	[tilespmem:$0x1E780] =	vst v63  }
0x12e: {  	_ =	swait.ge [sflag:s14], $0x400  }
0x12f: {  	s12 =	rddreg [dreg:$0x5];
	[sflag:s14] =	ssyncset.done $0x0  }
0x130: {  	[sflag:s14] =	ssyncadd.s32 $0xFFFFFC00;
	s9 =	sadd.s32 s13, s12  }
0x131: {  	[tilespmem:s17], [sflag:$0x3] =	stream.linear.gather [hbm4b:s9+s3], $0x400, $0x38;
	[tilespmem:$0x1E780] =	vst v63  }
0x132: {  	_ =	swait.ge [sflag:s14], $0x400  }
0x133: {  	[sflag:s14] =	ssyncset.done $0x0  }
0x134: {  	[sflag:s14] =	ssyncadd.s32 $0xFFFFFC00  }
0x135: {  	[tilespmem:s19], [sflag:$0x1] =	stream.indirect.gather [hbm4b:s5+s18], $0x10, s3, s18, $0xb8;
	[tilespmem:$0x1E780] =	vst v63  }
0x136: {  	s13 =	rddreg [dreg:$0x7]  }
0x137: {  	[tilespmem:s20], [sflag:$0x1] =	stream.indirect.gather [hbm4b:s5+s18], $0x10, s13, s18, $0xb8;
	[tilespmem:$0x1E780] =	vst v63  }
0x138: {  	s12 =	rddreg [dreg:$0x8]  }
0x139: {  	[tilespmem:s21], [sflag:$0x1] =	stream.indirect.gather [hbm4b:s5+s18], $0x10, s12, s18, $0xb8;
	[tilespmem:$0x1E780] =	vst v63  }
0x13a: {  	s16 =	rddreg [dreg:$0x9]  }
0x13b: {  	[tilespmem:s22], [sflag:$0x1] =	stream.indirect.gather [hbm4b:s5+s18], $0x10, s16, s18, $0xb8;
	[tilespmem:$0x1E780] =	vst v63  }
0x13c: {  	s13 =	rddreg [dreg:$0xa]  }
0x13d: {  	[tilespmem:s23], [sflag:$0x1] =	stream.indirect.gather [hbm4b:s5+s18], $0x10, s13, s18, $0xb8;
	[tilespmem:$0x1E780] =	vst v63  }
0x13e: {  	s16 =	rddreg [dreg:$0xb]  }
0x13f: {  	[tilespmem:s24], [sflag:$0x1] =	stream.indirect.gather [hbm4b:s5+s18], $0x10, s16, s18, $0xb8;
	[tilespmem:$0x1E780] =	vst v63  }
0x140: {  	_ = 	snop  }
0x141: {  	[tilespmem:s26], [sflag:$0x1] =	stream.indirect.gather [hbm4b:s5+s18], $0x10, s25, s18, $0xb8;
	[tilespmem:$0x1E780] =	vst v63  }
0x142: {  	_ = 	snop  }
0x143: {  	[tilespmem:s29], [sflag:$0x1] =	stream.indirect.gather [hbm4b:s5+s18], $0x10, s28, s18, $0xb8;
	[tilespmem:$0x1E780] =	vst v63  }
0x144: {  	_ =	swait.ge [sflag:s30], $0x7D0  }
0x145: {  	[sflag:s30] =	ssyncset.done $0x0  }
0x146: {  	[sflag:s30] =	ssyncadd.s32 $0xFFFFF830  }
0x147: {  	_ =	swait.ge [sflag:s30], $0x7D0  }
0x148: {  	[sflag:s30] =	ssyncset.done $0x0  }
0x149: {  	[sflag:s30] =	ssyncadd.s32 $0xFFFFF830  }
0x14a: {  	_ =	swait.ge [sflag:s30], $0x7D0  }
0x14b: {  	[sflag:s30] =	ssyncset.done $0x0  }
0x14c: {  	[sflag:s30] =	ssyncadd.s32 $0xFFFFF830  }
0x14d: {  	_ =	swait.ge [sflag:s30], $0x7D0  }
0x14e: {  	[sflag:s30] =	ssyncset.done $0x0  }
0x14f: {  	[sflag:s30] =	ssyncadd.s32 $0xFFFFF830  }
0x150: {  	_ =	swait.ge [sflag:s30], $0x7D0  }
0x151: {  	[sflag:s30] =	ssyncset.done $0x0  }
0x152: {  	[sflag:s30] =	ssyncadd.s32 $0xFFFFF830  }
0x153: {  	_ =	swait.ge [sflag:s30], $0x7D0  }
0x154: {  	[sflag:s30] =	ssyncset.done $0x0  }
0x155: {  	[sflag:s30] =	ssyncadd.s32 $0xFFFFF830  }
0x156: {  	_ =	swait.ge [sflag:s30], $0x7D0  }
0x157: {  	[sflag:s30] =	ssyncset.done $0x0  }
0x158: {  	[sflag:s30] =	ssyncadd.s32 $0xFFFFF830  }
0x159: {  	_ =	swait.ge [sflag:s30], $0x7D0  }
0x15a: {  	[sflag:s30] =	ssyncset.done $0x0  }
0x15b: {  	[sflag:s30] =	ssyncadd.s32 $0xFFFFF830  }
0x15c: {  	[spmem:s1] =	stream.indirect.scatter.add.f32 [tilespmem:s19], [sflag:$0x2], $0x10, s17, s18, $0xb8;
	[tilespmem:$0x1E780] =	vst v63  }
0x15d: {  	_ = 	snop  }
0x15e: {  	[spmem:s2] =	stream.indirect.scatter.add.f32 [tilespmem:s15], [sflag:$0x2], $0x1, s17, s18, $0xb8;
	[tilespmem:$0x1E780] =	vst v63  }
0x15f: {  	_ = 	snop  }
0x160: {  	[spmem:s1] =	stream.indirect.scatter.add.f32 [tilespmem:s20], [sflag:$0x2], $0x10, s31, s18, $0xb8;
	[tilespmem:$0x1E780] =	vst v63  }
0x161: {  	_ = 	snop  }
0x162: {  	[spmem:s2] =	stream.indirect.scatter.add.f32 [tilespmem:s15], [sflag:$0x2], $0x1, s31, s18, $0xb8;
	[tilespmem:$0x1E780] =	vst v63  }
0x163: {  	_ = 	snop  }
0x164: {  	[spmem:s1] =	stream.indirect.scatter.add.f32 [tilespmem:s21], [sflag:$0x2], $0x10, s0, s18, $0xb8;
	[tilespmem:$0x1E780] =	vst v63  }
0x165: {  	_ = 	snop  }
0x166: {  	[spmem:s2] =	stream.indirect.scatter.add.f32 [tilespmem:s15], [sflag:$0x2], $0x1, s0, s18, $0xb8;
	[tilespmem:$0x1E780] =	vst v63  }
0x167: {  	_ = 	snop  }
0x168: {  	[spmem:s1] =	stream.indirect.scatter.add.f32 [tilespmem:s22], [sflag:$0x2], $0x10, s4, s18, $0xb8;
	[tilespmem:$0x1E780] =	vst v63  }
0x169: {  	_ = 	snop  }
0x16a: {  	[spmem:s2] =	stream.indirect.scatter.add.f32 [tilespmem:s15], [sflag:$0x2], $0x1, s4, s18, $0xb8;
	[tilespmem:$0x1E780] =	vst v63  }
0x16b: {  	_ = 	snop  }
0x16c: {  	[spmem:s1] =	stream.indirect.scatter.add.f32 [tilespmem:s23], [sflag:$0x2], $0x10, s6, s18, $0xb8;
	[tilespmem:$0x1E780] =	vst v63  }
0x16d: {  	_ = 	snop  }
0x16e: {  	[spmem:s2] =	stream.indirect.scatter.add.f32 [tilespmem:s15], [sflag:$0x2], $0x1, s6, s18, $0xb8;
	[tilespmem:$0x1E780] =	vst v63  }
0x16f: {  	_ = 	snop  }
0x170: {  	[spmem:s1] =	stream.indirect.scatter.add.f32 [tilespmem:s24], [sflag:$0x2], $0x10, s7, s18, $0xb8;
	[tilespmem:$0x1E780] =	vst v63  }
0x171: {  	_ = 	snop  }
0x172: {  	[spmem:s2] =	stream.indirect.scatter.add.f32 [tilespmem:s15], [sflag:$0x2], $0x1, s7, s18, $0xb8;
	[tilespmem:$0x1E780] =	vst v63  }
0x173: {  	_ = 	snop  }
0x174: {  	[spmem:s1] =	stream.indirect.scatter.add.f32 [tilespmem:s26], [sflag:$0x2], $0x10, s8, s18, $0xb8;
	[tilespmem:$0x1E780] =	vst v63  }
0x175: {  	_ = 	snop  }
0x176: {  	[spmem:s2] =	stream.indirect.scatter.add.f32 [tilespmem:s15], [sflag:$0x2], $0x1, s8, s18, $0xb8;
	[tilespmem:$0x1E780] =	vst v63  }
0x177: {  	_ = 	snop  }
0x178: {  	[spmem:s1] =	stream.indirect.scatter.add.f32 [tilespmem:s29], [sflag:$0x2], $0x10, s10, s18, $0xb8;
	[tilespmem:$0x1E780] =	vst v63  }
0x179: {  	_ = 	snop  }
0x17a: {  	[spmem:s2] =	stream.indirect.scatter.add.f32 [tilespmem:s15], [sflag:$0x2], $0x1, s10, s18, $0xb8;
	[tilespmem:$0x1E780] =	vst v63  }
0x17b: {  	_ =	swait.ge [sflag:s11], $0x7D0  }
0x17c: {  	[sflag:s11] =	ssyncset.done $0x0  }
0x17d: {  	[sflag:s11] =	ssyncadd.s32 $0xFFFFF830  }
0x17e: {  	_ =	swait.ge [sflag:s11], $0x7D  }
0x17f: {  	[sflag:s11] =	ssyncset.done $0x0  }
0x180: {  	[sflag:s11] =	ssyncadd.s32 $0xFFFFFF83  }
0x181: {  	_ =	swait.ge [sflag:s11], $0x7D0  }
0x182: {  	[sflag:s11] =	ssyncset.done $0x0  }
0x183: {  	[sflag:s11] =	ssyncadd.s32 $0xFFFFF830  }
0x184: {  	_ =	swait.ge [sflag:s11], $0x7D  }
0x185: {  	[sflag:s11] =	ssyncset.done $0x0  }
0x186: {  	[sflag:s11] =	ssyncadd.s32 $0xFFFFFF83  }
0x187: {  	_ =	swait.ge [sflag:s11], $0x7D0  }
0x188: {  	[sflag:s11] =	ssyncset.done $0x0  }
0x189: {  	[sflag:s11] =	ssyncadd.s32 $0xFFFFF830  }
0x18a: {  	_ =	swait.ge [sflag:s11], $0x7D  }
0x18b: {  	[sflag:s11] =	ssyncset.done $0x0  }
0x18c: {  	[sflag:s11] =	ssyncadd.s32 $0xFFFFFF83  }
0x18d: {  	_ =	swait.ge [sflag:s11], $0x7D0  }
0x18e: {  	[sflag:s11] =	ssyncset.done $0x0  }
0x18f: {  	[sflag:s11] =	ssyncadd.s32 $0xFFFFF830  }
0x190: {  	_ =	swait.ge [sflag:s11], $0x7D  }
0x191: {  	[sflag:s11] =	ssyncset.done $0x0  }
0x192: {  	[sflag:s11] =	ssyncadd.s32 $0xFFFFFF83  }
0x193: {  	_ =	swait.ge [sflag:s11], $0x7D0  }
0x194: {  	[sflag:s11] =	ssyncset.done $0x0  }
0x195: {  	[sflag:s11] =	ssyncadd.s32 $0xFFFFF830  }
0x196: {  	_ =	swait.ge [sflag:s11], $0x7D  }
0x197: {  	[sflag:s11] =	ssyncset.done $0x0  }
0x198: {  	[sflag:s11] =	ssyncadd.s32 $0xFFFFFF83  }
0x199: {  	_ =	swait.ge [sflag:s11], $0x7D0  }
0x19a: {  	[sflag:s11] =	ssyncset.done $0x0  }
0x19b: {  	[sflag:s11] =	ssyncadd.s32 $0xFFFFF830  }
0x19c: {  	_ =	swait.ge [sflag:s11], $0x7D  }
0x19d: {  	[sflag:s11] =	ssyncset.done $0x0  }
0x19e: {  	[sflag:s11] =	ssyncadd.s32 $0xFFFFFF83  }
0x19f: {  	_ =	swait.ge [sflag:s11], $0x7D0  }
0x1a0: {  	[sflag:s11] =	ssyncset.done $0x0  }
0x1a1: {  	[sflag:s11] =	ssyncadd.s32 $0xFFFFF830  }
0x1a2: {  	_ =	swait.ge [sflag:s11], $0x7D  }
0x1a3: {  	[sflag:s11] =	ssyncset.done $0x0  }
0x1a4: {  	[sflag:s11] =	ssyncadd.s32 $0xFFFFFF83  }
0x1a5: {  	_ =	swait.ge [sflag:s11], $0x7D0  }
0x1a6: {  	[sflag:s11] =	ssyncset.done $0x0  }
0x1a7: {  	[sflag:s11] =	ssyncadd.s32 $0xFFFFF830  }
0x1a8: {  	_ =	swait.ge [sflag:s11], $0x7D  }
0x1a9: {  	[sflag:s11] =	ssyncset.done $0x0  }
0x1aa: {  	[sflag:s11] =	ssyncadd.s32 $0xFFFFFF83  }
0x1ab: {  	[bflag:$0x0] =	sbarrier.arrive $0xFFFF  }
0x1ac: {  	s16 =	rddreg [dreg:$0xf]  }
0x1ad: {  	s12 =	rddreg [dreg:$0x10]  }
0x1ae: {  	s13 =	rddreg [dreg:$0x13]  }
0x1af: {  	[hbm:s12], [sflag:s16] =	dma.local [spmem:s13], $0x3100  }
0x1b0: {  	_ =	swait.ge [sflag:s14], $0x3100  }
0x1b1: {  	[sflag:s14] =	ssyncset.done $0x0;
	s13 =	rddreg [dreg:$0x11]  }
0x1b2: {  	s12 =	rddreg [dreg:$0x14];
	[sflag:s14] =	ssyncadd.s32 $0xFFFFCF00  }
0x1b3: {  	[hbm:s13], [sflag:s16] =	dma.local [spmem:s12], $0x310  }
0x1b4: {  	_ =	swait.ge [sflag:s14], $0x310  }
0x1b5: {  	s9 =	rddreg [dreg:$0x15]  }
0x1b6: {  	s13 =	sadd.s32 $0x1, s9;
	s9 =	rddreg [dreg:$0x12]  }
0x1b7: {  	p0 =	sne.s32 s13, s9  }
.Ltmp1:
0x1b8: {  	_ = 	snop;
	(pc) =	sbr.rel @p0 .LBB2_1-.Ltmp1, $3  }
0x1b9: {  	_ =	sdelay $0x1  }
0x1ba: {  	[sflag:s14] =	ssyncset.done $0x0;
	[dreg:$0x15] =	wrdreg s13  }
0x1bb: {  	[sflag:s14] =	ssyncadd.s32 $0xFFFFFCF0;
	s13 =	smov.u32 s12;
	s12 =	rddreg [dreg:$0x13]  }
0x1bc: {  	_ =	sfence.sel $0x180000  }
0x1bd: {  	[bflag:$0x0] =	sbarrier.arrive $0xFFFF  }
0x1be: {  	_ =	strace $0x90000047  }
0x1bf: {  	s0 =	stileid.u32;
	[bflag:$0x2] =	sbarrier.arrive $0xFFFF  }
0x1c0: {  	p0 =	sne.s32 s0, $0x0;
	s0 =	rddreg [dreg:$0x4]  }
0x1c1: {  	s0 =	sadd.s32 @!p0 $0x100000, s0  }
0x1c2: {  	[sflag:s0] =	ssyncadd.tile.s32 @!p0 $0x1;
	_ =	shalt  }
.Lfunc_end2:
_tile_overlayer_lowered:
.L_overlay_start_2:
0x1c3: {  	(tag) =	ssettag $0x2  }
0x1c4: {  	s0 =	rddreg [dreg:$0x0];
	s2 =	stileid.u32  }
0x1c5: {  	s1 =	rddreg [dreg:$0x1];
	p0 =	sne.s32 s2, $0x0  }
0x1c6: {  	s3 =	rddreg [dreg:$0x2];
	[bflag:$0x3] =	sbarrier.arrive $0xFFFF;
	s2 =	simm.s32 @!p0 $0x1C03  }
0x1c7: {  	[timem:s3], [sflag:s2] =	dma.local @!p0 [hbm:s0], s1  }
0x1c8: {  	s0 =	simm.s32 @!p0 $0x3  }
0x1c9: {  	_ =	swait.ge @!p0 [sflag:s0], s1  }
0x1ca: {  	s1 =	ssub.s32 @!p0 $0x0, s1;
	[sflag:s0] =	ssyncset.done @!p0 $0x0  }
0x1cb: {  	[sflag:s0] =	ssyncadd.s32 @!p0 s1  }
0x1cc: {  	[bflag:$0x3] =	sbarrier.arrive $0xFFFF  }
0x1cd: {  	_ =	shalt  }

// kernel: kernel.9.cloned.1.call-start
scs
__scs_entry_jumppad:
0x0: {  	(pc) =	sbr.rel $0x88, $3  }
0x1: {  	(tag) =	ssettag $0x0;
	lr =	simm.s32 $0x1  }
0x2: {  	[smem:$0x3F99] =	sst lr;
	_ =	strace $0xD0000000  }
0x3: {  	_ = 	snop  }
0x4: {  	_ = 	snop  }
0x5: {  	_ = 	snop  }
0x6: {  	_ = 	snop  }
0x7: {  	_ = 	snop  }
__scs_overlays_trampoline_lowered:
0x8: {  	[smem:$0x3FA8] =	sst s0  }
0x9: {  	[smem:$0x3FA9] =	sst s1  }
0xa: {  	[smem:$0x3FAA] =	sst s2  }
0xb: {  	[smem:$0x3FAB] =	sst s3  }
0xc: {  	[smem:$0x3FAC] =	sst s4  }
0xd: {  	[smem:$0x3FAD] =	sst s5  }
0xe: {  	[smem:$0x3FAE] =	sst s6  }
0xf: {  	[smem:$0x3FAF] =	sst s7  }
0x10: {  	[smem:$0x3FB0] =	sst s8  }
0x11: {  	[smem:$0x3FB1] =	sst s9;
	s0 =	simm.s32 @!p0 $0x0  }
0x12: {  	s1 =	sld [smem:$0x3F97];
	s0 =	simm.s32 @p0 $0x1  }
0x13: {  	[smem:$0x3FB2] =	sst s0;
	s0 =	simm.s32 @!p1 $0x0  }
0x14: {  	s2 =	sld [smem:$0x3F96];
	s0 =	simm.s32 @p1 $0x1  }
0x15: {  	[smem:$0x3FB3] =	sst s0;
	s0 =	simm.s32 @!p2 $0x0  }
0x16: {  	s3 =	sld [smem:$0x3FDB];
	s0 =	simm.s32 @p2 $0x1  }
0x17: {  	s4 =	simm.s32 $0x1BF5;
	[smem:$0x3FB5] =	sst s0  }
0x18: {  	s0 =	sld [smem:$0x3F98];
	_ =	swait.ge [sflag:s4], $0x0  }
0x19: {  	s7 =	sld [smem:$0x3F99]  }
0x1a: {  	s8 =	sadd.s32 $0xFFFFE003, lr  }
0x1b: {  	s9 =	sadd.s32 $0xFFFFFEF7, lr;
	s5 =	simm.s32 $0xFFFFFFFF;
	p2 =	slt.u32 s8, $0xFFFFF086  }
0x1c: {  	p1 =	slt.u32 s9, $0xF7A;
	s5 =	simm.s32 @!p2 $0x0  }
0x1d: {  	s5 =	simm.s32 @p1 $0x1;
	p0 =	seq.s32 s7, s2  }
0x1e: {  	s7 =	smul.u32 @!p0 $0xF7A, s2;
	p2 =	seq.s32 @!p0 s5, $0x0  }
0x1f: {  	s9 =	smul.u32 $0xF7A, s1;
	s8 =	simm.s32 @!p0 $0x1BF5;
	p2 =	por !p2, p0  }
0x20: {  	[sflag:s8] =	ssyncset.s32 @!p0 $0xFFFFF086;
	s6 =	sadd.s32 @!p0 s3, s7;
	s7 =	simm.s32 @!p0 $0x108  }
0x21: {  	s3 =	sadd.s32 s3, s9;
	s6 =	sadd.s32 @!p0 $0x88, s6;
	s7 =	simm.s32 @p2 $0x1082  }
0x22: {  	[simem:s7], [sflag:s8] =	dma.local @!p0 [hbm:s6], $0xF7A  }
0x23: {  	s9 =	sor.u32 $0xD0000000, s2;
	s6 =	simm.s32 $0x108;
	_ =	swait.ge @!p0 [sflag:s8], $0x0  }
0x24: {  	s3 =	sadd.s32 $0x88, s3;
	s6 =	simm.s32 @!p1 $0x1082;
	[sflag:s4] =	ssyncset.s32 $0xFFFFF086  }
0x25: {  	[simem:s6], [sflag:s4] =	dma.local [hbm:s3], $0xF7A  }
0x26: {  	[smem:$0x3F99] =	sst s1;
	(tag) =	ssettag s2;
	_ =	strace s9  }
0x27: {  	s1 =	sld [smem:$0x3FA9]  }
0x28: {  	s2 =	sld [smem:$0x3FAA]  }
0x29: {  	s4 =	sld [smem:$0x3FAC]  }
0x2a: {  	p0 =	seq.s32 s5, $0x0;
	s5 =	sld [smem:$0x3FAD]  }
0x2b: {  	s6 =	sld [smem:$0x3FAE]  }
0x2c: {  	s7 =	sld [smem:$0x3FAF]  }
0x2d: {  	s3 =	simm.s32 $0x108;
	s8 =	sld [smem:$0x3FB0]  }
0x2e: {  	s3 =	simm.s32 @!p0 $0x1082;
	s9 =	sld [smem:$0x3FB1]  }
0x2f: {  	lr =	sadd.s32 s0, s3;
	s0 =	sld [smem:$0x3FA8]  }
0x30: {  	s3 =	sld [smem:$0x3FAB]  }
0x31: {  	[smem:$0x3FB4] =	sst s10  }
0x32: {  	s10 =	sld [smem:$0x3FB2];
	_ =	sdelay $0x3  }
0x33: {  	p0 =	seq.s32 s10, $0x1;
	s10 =	sld [smem:$0x3FB4];
	_ =	sdelay $0x3  }
0x34: {  	[smem:$0x3FB4] =	sst s10  }
0x35: {  	s10 =	sld [smem:$0x3FB3];
	_ =	sdelay $0x3  }
0x36: {  	p1 =	seq.s32 s10, $0x1;
	s10 =	sld [smem:$0x3FB4];
	_ =	sdelay $0x3  }
0x37: {  	[smem:$0x3FB4] =	sst s10  }
0x38: {  	s10 =	sld [smem:$0x3FB5]  }
0x39: {  	_ = 	snop;
	(pc) =	sbr.ind lr, $3  }
0x3a: {  	_ = 	snop  }
0x3b: {  	_ = 	snop  }
0x3c: {  	p2 =	seq.s32 s10, $0x1;
	s10 =	sld [smem:$0x3FB4]  }
0x3d: {  	_ =	shalt  }
0x3e: {  	_ =	shalt  }
0x3f: {  	_ =	shalt  }
0x40: {  	_ =	shalt  }
0x41: {  	_ =	shalt  }
0x42: {  	_ =	shalt  }
0x43: {  	_ =	shalt  }
0x44: {  	_ =	shalt  }
0x45: {  	_ =	shalt  }
0x46: {  	_ =	shalt  }
0x47: {  	_ =	shalt  }
0x48: {  	_ =	shalt  }
0x49: {  	_ =	shalt  }
0x4a: {  	_ =	shalt  }
0x4b: {  	_ =	shalt  }
0x4c: {  	_ =	shalt  }
0x4d: {  	_ =	shalt  }
0x4e: {  	_ =	shalt  }
0x4f: {  	_ =	shalt  }
0x50: {  	_ =	shalt  }
0x51: {  	_ =	shalt  }
0x52: {  	_ =	shalt  }
0x53: {  	_ =	shalt  }
0x54: {  	_ =	shalt  }
0x55: {  	_ =	shalt  }
0x56: {  	_ =	shalt  }
0x57: {  	_ =	shalt  }
0x58: {  	_ =	shalt  }
0x59: {  	_ =	shalt  }
0x5a: {  	_ =	shalt  }
0x5b: {  	_ =	shalt  }
0x5c: {  	_ =	shalt  }
0x5d: {  	_ =	shalt  }
0x5e: {  	_ =	shalt  }
0x5f: {  	_ =	shalt  }
0x60: {  	_ =	shalt  }
0x61: {  	_ =	shalt  }
0x62: {  	_ =	shalt  }
0x63: {  	_ =	shalt  }
0x64: {  	_ =	shalt  }
0x65: {  	_ =	shalt  }
0x66: {  	_ =	shalt  }
0x67: {  	_ =	shalt  }
0x68: {  	_ =	shalt  }
0x69: {  	_ =	shalt  }
0x6a: {  	_ =	shalt  }
0x6b: {  	_ =	shalt  }
0x6c: {  	_ =	shalt  }
0x6d: {  	_ =	shalt  }
0x6e: {  	_ =	shalt  }
0x6f: {  	_ =	shalt  }
0x70: {  	_ =	shalt  }
0x71: {  	_ =	shalt  }
0x72: {  	_ =	shalt  }
0x73: {  	_ =	shalt  }
0x74: {  	_ =	shalt  }
0x75: {  	_ =	shalt  }
0x76: {  	_ =	shalt  }
0x77: {  	_ =	shalt  }
0x78: {  	_ =	shalt  }
0x79: {  	_ =	shalt  }
0x7a: {  	_ =	shalt  }
0x7b: {  	_ =	shalt  }
0x7c: {  	_ =	shalt  }
0x7d: {  	_ =	shalt  }
0x7e: {  	_ =	shalt  }
0x7f: {  	_ =	shalt  }
0x80: {  	_ =	shalt  }
0x81: {  	_ =	shalt  }
0x82: {  	_ =	shalt  }
0x83: {  	_ =	shalt  }
0x84: {  	_ =	shalt  }
0x85: {  	_ =	shalt  }
0x86: {  	_ =	shalt  }
0x87: {  	_ =	shalt  }
.Lfunc_end0:
.L_simem_size_0:
called_computation.1_lowered:
.L_overlay_start_0:
0x88: {  	s2 =	sld [smem:$0x3FD9]  }
0x89: {  	s3 =	sld [smem:$0x3FFE];
	_ =	sdelay $0x1  }
0x8a: {  	s1 =	srdreg.scid  }
0x8b: {  	s0 =	sand.u32 $0x1, s1  }
0x8c: {  	s17 =	sshll.u32 s0, $0xA;
	s2 =	sadd.s32 s3, s2  }
0x8d: {  	s2 =	sadd.s32 s2, s17  }
0x8e: {  	[smem:$0x3FC0] =	sst s2  }
0x8f: {  	_ = 	snop  }
0x90: {  	s2 =	sld [smem:$0x3FD0];
	(tm) =	ssettm $0x1  }
0x91: {  	s18 =	sld [smem:$0x3FFB];
	_ =	sdelay $0x3  }
0x92: {  	_ =	strace s18  }
0x93: {  	s3 =	sld [smem:$0x3FFC];
	_ =	sdelay $0x3  }
0x94: {  	_ =	strace s3  }
0x95: {  	s3 =	sld [smem:$0x3FFD];
	_ =	sdelay $0x3  }
0x96: {  	_ =	strace s3  }
0x97: {  	_ =	strace $0x8FFFFFFF  }
0x98: {  	s19 =	sld [smem:$0x3FDB];
	_ =	sdelay $0x1  }
0x99: {  	s4 =	simm.s32 $_scs_section_size  }
0x9a: {  	s5 =	simm.s32 $_size__tile_overlayer_lowered;
	s6 =	simm.s32 $_tile_overlayer_lowered  }
0x9b: {  	s22 =	simm.s32 $0x1BFF;
	s21 =	sshll.u32 s6, $0x1;
	s3 =	sadd.s32 s4, s19  }
0x9c: {  	s7 =	simm.s32 $0x0;
	s20 =	sshll.u32 s5, $0x1;
	s5 =	sadd.s32 s21, s3  }
0x9d: {  	[timem:s7], [sflag:s22] =	dma.local [hbm:s5], s20  }
0x9e: {  	_ =	swait.ge [sflag:s22], s20  }
0x9f: {  	s4 =	ssub.s32 $0x0, s20;
	[sflag:s22] =	ssyncset.done $0x0  }
0xa0: {  	[sflag:s22] =	ssyncadd.s32 s4;
	_ =	sdelay $0x1  }
0xa1: {  	s23 =	simm.s32 $0x1B8B  }
0xa2: {  	_ =	swait.ge [sflag:s23], $0x1  }
0xa3: {  	[sflag:s23] =	ssyncset.done $0x0  }
0xa4: {  	s25 =	simm.s32 $0x1B8E;
	s24 =	sld [smem:$0x3FFE];
	[sflag:s23] =	ssyncadd.s32 $0xFFFFFFFF  }
0xa5: {  	s26 =	simm.s32 $execute0_lowered;
	[smem:$0x3FD2] =	sst s25  }
0xa6: {  	s5 =	sshll.u32 s26, $0x1;
	_ =	strace $0x80000049;
	[dreg:$0x1] =	wrdreg $0xFFFFFFFF  }
0xa7: {  	s28 =	simm.s32 $_size_execute0_lowered;
	s3 =	sadd.s32 s3, s5;
	[dreg:$0x0] =	wrdreg $0x0  }
0xa8: {  	s5 =	sshll.u32 s28, $0x1;
	[dreg:$0x2] =	wrdreg s3  }
0xa9: {  	[dreg:$0x3] =	wrdreg s5  }
0xaa: {  	[dreg:$0x4] =	wrdreg $0xC0  }
0xab: {  	_ =	task [dreg:s7], $0x5FFFF  }
0xac: {  	[dreg:$0x1] =	wrdreg $0xFFFFFFFF  }
0xad: {  	[dreg:$0x0] =	wrdreg $0x60  }
0xae: {  	[dreg:$0x2] =	wrdreg s24  }
0xaf: {  	[dreg:$0x3] =	wrdreg s2  }
0xb0: {  	[dreg:$0x4] =	wrdreg $0x4E800  }
0xb1: {  	[dreg:$0x5] =	wrdreg $0x9  }
0xb2: {  	_ =	task.clear_ibuf [dreg:s7], $0x6FFFF;
	_ =	strace $0x90000049  }
0xb3: {  	s29 =	simm.s32 $0x9;
	_ =	strace $0x8000004B  }
0xb4: {  	_ =	swait.ge [sflag:s29], $0x1  }
0xb5: {  	[sflag:s29] =	ssyncadd.s32 $0xFFFFFFFF  }
0xb6: {  	_ =	strace $0x9000004B  }
0xb7: {  	_ =	sfence  }
0xb8: {  	s30 =	sld [smem:$0x0];
	_ =	sdelay $0x2  }
0xb9: {  	s31 =	sshll.u32 s1, $0xD;
	s1 =	sshrl.u32 s1, $0x2  }
0xba: {  	s3 =	sand.u32 $0x4000, s31;
	s1 =	sadd.s32 s1, s30  }
0xbb: {  	s0 =	sor.u32 s3, s0;
	s1 =	sshll.u32 s1, $0x11  }
0xbc: {  	s0 =	sor.u32 s1, s0  }
0xbd: {  	s0 =	sadd.s32 $0x8F2B, s0  }
0xbe: {  	[sflag:s0] =	ssyncadd.remote.s32 $0x1  }
0xbf: {  	_ =	sfence.sel $0xFFFF  }
0xc0: {  	[dreg:$0x0] =	wrdreg $0xFFFFFFFF;
	(pc) =	sbr.abs _section_cstart, $3  }
0xc1: {  	[dreg:$0x1] =	wrdreg $0xFFFFFFFF  }
0xc2: {  	_ =	task.clear_ibuf [dreg:s7], $0x2FFFF;
	_ =	strace $0x9FFFFFFF  }
0xc3: {  	(tm) =	ssettm $0x7FFFFFFF  }
tec
execute0_lowered:
.L_overlay_start_1:
0x0: {  	(tag) =	ssettag $0x1  }
0x1: {  	s0 =	srdreg.scid  }
0x2: {  	s1 =	rddreg [dreg:$0x0];
	s9 =	stileid.u32  }
0x3: {  	s3 =	rddreg [dreg:$0x2];
	s4 =	simm.s32 $0x0;
	s15 =	simm.s32 $0x80  }
0x4: {  	s17 =	simm.s32 $0x100;
	s18 =	simm.s32 $0x180;
	[smem:$0x7FF] =	sst s4  }
0x5: {  	s19 =	simm.s32 $0x200;
	_ =	strace $0x8000004A;
	[dreg:$0x6] =	wrdreg s15  }
0x6: {  	s20 =	simm.s32 $0x280;
	s22 =	simm.s32 $0x300;
	[dreg:$0x7] =	wrdreg s17  }
0x7: {  	s23 =	simm.s32 $0x380;
	s25 =	simm.s32 $0x400;
	[dreg:$0x8] =	wrdreg s18  }
0x8: {  	s10 =	simm.s32 $0x580;
	s11 =	simm.s32 $0x600;
	[dreg:$0x9] =	wrdreg s19  }
0x9: {  	s12 =	simm.s32 $0x680;
	s13 =	simm.s32 $0x700;
	[dreg:$0xa] =	wrdreg s20  }
0xa: {  	s14 =	simm.s32 $0x780;
	s5 =	smul.u32 $0xC800, s9;
	[dreg:$0xb] =	wrdreg s22  }
0xb: {  	s28 =	simm.s32 $0x46B0;
	s7 =	smul.u32 $0xC400, s9;
	[dreg:$0xc] =	wrdreg s23  }
0xc: {  	s26 =	sshll.u32 s9, $0x6;
	s9 =	simm.s32 $0x500;
	[dreg:$0xd] =	wrdreg s25  }
0xd: {  	s29 =	simm.s32 $0x4A98;
	s30 =	simm.s32 $0x1;
	[dreg:$0xf] =	wrdreg s9  }
0xe: {  	s31 =	simm.s32 $0xE80;
	s0 =	sand.u32 $0x1, s0;
	[dreg:$0x10] =	wrdreg s10  }
0xf: {  	s6 =	sadd.s32 $0x1B9600, s1;
	s2 =	smul.u32 $0xC8000, s0;
	[dreg:$0x11] =	wrdreg s11  }
0x10: {  	s8 =	smul.u32 $0xC4000, s0;
	s0 =	ssub.s32 $0x2, s0;
	[dreg:$0x12] =	wrdreg s12  }
0x11: {  	s10 =	simm.s32 $0x3;
	s11 =	simm.s32 $0x800;
	[dreg:$0x13] =	wrdreg s13  }
0x12: {  	s12 =	simm.s32 $0x7D;
	[dreg:$0x14] =	wrdreg s14;
	s15 =	simm.s32 $0x880  }
0x13: {  	s13 =	simm.s32 $0x1000;
	s14 =	simm.s32 $0x13E8;
	s17 =	simm.s32 $0x980  }
0x14: {  	s18 =	simm.s32 $0xA00;
	s19 =	simm.s32 $0xA80;
	[dreg:$0x15] =	wrdreg s15  }
0x15: {  	s20 =	simm.s32 $0xB00;
	s22 =	simm.s32 $0xC00;
	[dreg:$0x17] =	wrdreg s17  }
0x16: {  	s23 =	simm.s32 $0xC80;
	s25 =	simm.s32 $0xD80;
	[dreg:$0x18] =	wrdreg s18  }
0x17: {  	s9 =	simm.s32 $0x0;
	s21 =	sshrl.u32 s0, $0x1;
	[dreg:$0x19] =	wrdreg s19  }
0x18: {  	s24 =	sadd.s32 s7, s3;
	s15 =	simm.s32 $0x17D0;
	[dreg:$0x1a] =	wrdreg s20  }
0x19: {  	s17 =	simm.s32 $0x1FA0;
	s18 =	simm.s32 $0x2388;
	[dreg:$0x1c] =	wrdreg s22  }
0x1a: {  	s19 =	simm.s32 $0x2770;
	s20 =	simm.s32 $0x2B58;
	[dreg:$0x1d] =	wrdreg s23  }
0x1b: {  	s22 =	simm.s32 $0x3328;
	s23 =	simm.s32 $0x3710;
	[dreg:$0x1f] =	wrdreg s25  }
0x1c: {  	s25 =	simm.s32 $0x3EE0;
	s2 =	sadd.s32 s5, s2;
	s16 =	sadd.s32 s7, s8  }
0x1d: {  	s0 =	ssub.s32 s0, s21;
	s8 =	simm.s32 $0x480;
	s7 =	sor.u32 $0x1C03, s26  }
0x1e: {  	s21 =	simm.s32 $0xB80;
	s26 =	simm.s32 $0xE00;
	[dreg:$0xe] =	wrdreg s8  }
0x1f: {  	s5 =	sadd.s32 $0x190000, s2;
	s2 =	sshrl.u32 s2, $0x3;
	[dreg:$0x1b] =	wrdreg s21  }
0x20: {  	s0 =	smax.u32 s0, $0x1;
	s8 =	sshrl.u32 s24, $0x3;
	[smem:$0x7FB] =	sst s26  }
0x21: {  	s21 =	simm.s32 $0x2F40;
	s24 =	simm.s32 $0xD00;
	[smem:$0x7FC] =	sst s7  }
0x22: {  	s26 =	simm.s32 $0x42C8;
	s5 =	sshrl.u32 s5, $0x3;
	[smem:$0x7FA] =	sst s0  }
0x23: {  	s2 =	sadd.s32 s2, s6;
	[dreg:$0x1e] =	wrdreg s24;
	s24 =	simm.s32 $0x3AF8  }
0x24: {  	s0 =	simm.s32 $0xF80;
	[smem:$0x7FD] =	sst s8;
	s5 =	sadd.s32 s5, s6  }
0x25: {  	[dreg:$0x5] =	wrdreg s2;
	s6 =	sshrl.u32 s16, $0x3;
	s16 =	simm.s32 $0x900  }
0x26: {  	[dreg:$0x4] =	wrdreg s5;
	s5 =	sadd.s32 $0x1E00, s1;
	s1 =	sadd.s32 s6, s1  }
0x27: {  	s2 =	simm.s32 $0x2;
	[dreg:$0x16] =	wrdreg s16;
	s1 =	sadd.s32 $0x1A600, s1  }
0x28: {  	s16 =	simm.s32 $0x1BB8;
	[smem:$0x7F9] =	sst s1;
	s1 =	simm.s32 $0xF00  }
.LBB2_1:
0x29: {  	[smem:$0x7F8] =	sst s9  }
0x2a: {  	s6 =	rddreg [dreg:$0x1]  }
0x2b: {  	[spmem:s8], [sflag:s7] =	dma.local [hbm:s6], $0x1880  }
0x2c: {  	_ =	swait.ge [sflag:s10], $0x1880  }
0x2d: {  	[sflag:s10] =	ssyncset.done $0x0  }
0x2e: {  	[sflag:s10] =	ssyncadd.s32 $0xFFFFE780  }
0x2f: {  	[bflag:$0x0] =	sbarrier.arrive $0xFFFF  }
0x30: {  	s9 =	rddreg [dreg:$0x5]  }
0x31: {  	s6 =	sadd.s32 $0x0, s9  }
0x32: {  	[tilespmem:s4], [sflag:$0x3] =	stream.linear.gather [hbm4b:s6+s4], $0x800, $0x38;
	[tilespmem:$0x11280] =	vst v63  }
0x33: {  	_ =	swait.ge [sflag:s10], $0x800  }
0x34: {  	s7 =	rddreg [dreg:$0x4];
	[sflag:s10] =	ssyncset.done $0x0  }
0x35: {  	[sflag:s10] =	ssyncadd.s32 $0xFFFFF800;
	s6 =	sadd.s32 $0x0, s7  }
0x36: {  	[tilespmem:s11], [sflag:$0x3] =	stream.linear.gather [hbm4b:s6+s4], $0x800, $0x38;
	[tilespmem:$0x11280] =	vst v63  }
0x37: {  	_ =	swait.ge [sflag:s10], $0x800  }
0x38: {  	[sflag:s10] =	ssyncset.done $0x0  }
0x39: {  	[sflag:s10] =	ssyncadd.s32 $0xFFFFF800  }
0x3a: {  	[tilespmem:s13], [sflag:$0x1] =	stream.indirect.gather [hbm4b:s5+s12], $0x8, s4, s12, $0xb8;
	[tilespmem:$0x11280] =	vst v63  }
0x3b: {  	s8 =	rddreg [dreg:$0x6]  }
0x3c: {  	[tilespmem:s14], [sflag:$0x1] =	stream.indirect.gather [hbm4b:s5+s12], $0x8, s8, s12, $0xb8;
	[tilespmem:$0x11280] =	vst v63  }
0x3d: {  	s9 =	rddreg [dreg:$0x7]  }
0x3e: {  	[tilespmem:s15], [sflag:$0x1] =	stream.indirect.gather [hbm4b:s5+s12], $0x8, s9, s12, $0xb8;
	[tilespmem:$0x11280] =	vst v63  }
0x3f: {  	s7 =	rddreg [dreg:$0x8]  }
0x40: {  	[tilespmem:s16], [sflag:$0x1] =	stream.indirect.gather [hbm4b:s5+s12], $0x8, s7, s12, $0xb8;
	[tilespmem:$0x11280] =	vst v63  }
0x41: {  	s9 =	rddreg [dreg:$0x9]  }
0x42: {  	[tilespmem:s17], [sflag:$0x1] =	stream.indirect.gather [hbm4b:s5+s12], $0x8, s9, s12, $0xb8;
	[tilespmem:$0x11280] =	vst v63  }
0x43: {  	s7 =	rddreg [dreg:$0xa]  }
0x44: {  	[tilespmem:s18], [sflag:$0x1] =	stream.indirect.gather [hbm4b:s5+s12], $0x8, s7, s12, $0xb8;
	[tilespmem:$0x11280] =	vst v63  }
0x45: {  	s9 =	rddreg [dreg:$0xb]  }
0x46: {  	[tilespmem:s19], [sflag:$0x1] =	stream.indirect.gather [hbm4b:s5+s12], $0x8, s9, s12, $0xb8;
	[tilespmem:$0x11280] =	vst v63  }
0x47: {  	s7 =	rddreg [dreg:$0xc]  }
0x48: {  	[tilespmem:s20], [sflag:$0x1] =	stream.indirect.gather [hbm4b:s5+s12], $0x8, s7, s12, $0xb8;
	[tilespmem:$0x11280] =	vst v63  }
0x49: {  	s9 =	rddreg [dreg:$0xd]  }
0x4a: {  	[tilespmem:s21], [sflag:$0x1] =	stream.indirect.gather [hbm4b:s5+s12], $0x8, s9, s12, $0xb8;
	[tilespmem:$0x11280] =	vst v63  }
0x4b: {  	s7 =	rddreg [dreg:$0xe]  }
0x4c: {  	[tilespmem:s22], [sflag:$0x1] =	stream.indirect.gather [hbm4b:s5+s12], $0x8, s7, s12, $0xb8;
	[tilespmem:$0x11280] =	vst v63  }
0x4d: {  	s9 =	rddreg [dreg:$0xf]  }
0x4e: {  	[tilespmem:s23], [sflag:$0x1] =	stream.indirect.gather [hbm4b:s5+s12], $0x8, s9, s12, $0xb8;
	[tilespmem:$0x11280] =	vst v63  }
0x4f: {  	s7 =	rddreg [dreg:$0x10]  }
0x50: {  	[tilespmem:s24], [sflag:$0x1] =	stream.indirect.gather [hbm4b:s5+s12], $0x8, s7, s12, $0xb8;
	[tilespmem:$0x11280] =	vst v63  }
0x51: {  	s9 =	rddreg [dreg:$0x11]  }
0x52: {  	[tilespmem:s25], [sflag:$0x1] =	stream.indirect.gather [hbm4b:s5+s12], $0x8, s9, s12, $0xb8;
	[tilespmem:$0x11280] =	vst v63  }
0x53: {  	s7 =	rddreg [dreg:$0x12]  }
0x54: {  	[tilespmem:s26], [sflag:$0x1] =	stream.indirect.gather [hbm4b:s5+s12], $0x8, s7, s12, $0xb8;
	[tilespmem:$0x11280] =	vst v63  }
0x55: {  	s9 =	rddreg [dreg:$0x13]  }
0x56: {  	[tilespmem:s28], [sflag:$0x1] =	stream.indirect.gather [hbm4b:s5+s12], $0x8, s9, s12, $0xb8;
	[tilespmem:$0x11280] =	vst v63  }
0x57: {  	s7 =	rddreg [dreg:$0x14]  }
0x58: {  	[tilespmem:s29], [sflag:$0x1] =	stream.indirect.gather [hbm4b:s5+s12], $0x8, s7, s12, $0xb8;
	[tilespmem:$0x11280] =	vst v63  }
0x59: {  	_ =	swait.ge [sflag:s30], $0x3E8  }
0x5a: {  	[sflag:s30] =	ssyncset.done $0x0  }
0x5b: {  	[sflag:s30] =	ssyncadd.s32 $0xFFFFFC18  }
0x5c: {  	_ =	swait.ge [sflag:s30], $0x3E8  }
0x5d: {  	[sflag:s30] =	ssyncset.done $0x0  }
0x5e: {  	[sflag:s30] =	ssyncadd.s32 $0xFFFFFC18  }
0x5f: {  	_ =	swait.ge [sflag:s30], $0x3E8  }
0x60: {  	[sflag:s30] =	ssyncset.done $0x0  }
0x61: {  	[sflag:s30] =	ssyncadd.s32 $0xFFFFFC18  }
0x62: {  	_ =	swait.ge [sflag:s30], $0x3E8  }
0x63: {  	[sflag:s30] =	ssyncset.done $0x0  }
0x64: {  	[sflag:s30] =	ssyncadd.s32 $0xFFFFFC18  }
0x65: {  	_ =	swait.ge [sflag:s30], $0x3E8  }
0x66: {  	[sflag:s30] =	ssyncset.done $0x0  }
0x67: {  	[sflag:s30] =	ssyncadd.s32 $0xFFFFFC18  }
0x68: {  	_ =	swait.ge [sflag:s30], $0x3E8  }
0x69: {  	[sflag:s30] =	ssyncset.done $0x0  }
0x6a: {  	[sflag:s30] =	ssyncadd.s32 $0xFFFFFC18  }
0x6b: {  	_ =	swait.ge [sflag:s30], $0x3E8  }
0x6c: {  	[sflag:s30] =	ssyncset.done $0x0  }
0x6d: {  	[sflag:s30] =	ssyncadd.s32 $0xFFFFFC18  }
0x6e: {  	_ =	swait.ge [sflag:s30], $0x3E8  }
0x6f: {  	[sflag:s30] =	ssyncset.done $0x0  }
0x70: {  	[sflag:s30] =	ssyncadd.s32 $0xFFFFFC18  }
0x71: {  	_ =	swait.ge [sflag:s30], $0x3E8  }
0x72: {  	[sflag:s30] =	ssyncset.done $0x0  }
0x73: {  	[sflag:s30] =	ssyncadd.s32 $0xFFFFFC18  }
0x74: {  	_ =	swait.ge [sflag:s30], $0x3E8  }
0x75: {  	[sflag:s30] =	ssyncset.done $0x0  }
0x76: {  	[sflag:s30] =	ssyncadd.s32 $0xFFFFFC18  }
0x77: {  	_ =	swait.ge [sflag:s30], $0x3E8  }
0x78: {  	[sflag:s30] =	ssyncset.done $0x0  }
0x79: {  	[sflag:s30] =	ssyncadd.s32 $0xFFFFFC18  }
0x7a: {  	_ =	swait.ge [sflag:s30], $0x3E8  }
0x7b: {  	[sflag:s30] =	ssyncset.done $0x0  }
0x7c: {  	[sflag:s30] =	ssyncadd.s32 $0xFFFFFC18  }
0x7d: {  	_ =	swait.ge [sflag:s30], $0x3E8  }
0x7e: {  	[sflag:s30] =	ssyncset.done $0x0  }
0x7f: {  	[sflag:s30] =	ssyncadd.s32 $0xFFFFFC18  }
0x80: {  	_ =	swait.ge [sflag:s30], $0x3E8  }
0x81: {  	[sflag:s30] =	ssyncset.done $0x0  }
0x82: {  	[sflag:s30] =	ssyncadd.s32 $0xFFFFFC18  }
0x83: {  	_ =	swait.ge [sflag:s30], $0x3E8  }
0x84: {  	[sflag:s30] =	ssyncset.done $0x0  }
0x85: {  	[sflag:s30] =	ssyncadd.s32 $0xFFFFFC18  }
0x86: {  	_ =	swait.ge [sflag:s30], $0x3E8  }
0x87: {  	[sflag:s30] =	ssyncset.done $0x0  }
0x88: {  	s8 =	rddreg [dreg:$0x15];
	[sflag:s30] =	ssyncadd.s32 $0xFFFFFC18  }
0x89: {  	[spmem:s3] =	stream.indirect.scatter.add.f32 [tilespmem:s13], [sflag:$0x2], $0x8, s11, s12, $0xb8;
	[tilespmem:$0x11280] =	vst v63  }
0x8a: {  	s9 =	rddreg [dreg:$0x16]  }
0x8b: {  	[spmem:s3] =	stream.indirect.scatter.add.f32 [tilespmem:s14], [sflag:$0x2], $0x8, s8, s12, $0xb8;
	[tilespmem:$0x11280] =	vst v63  }
0x8c: {  	s7 =	rddreg [dreg:$0x17]  }
0x8d: {  	[spmem:s3] =	stream.indirect.scatter.add.f32 [tilespmem:s15], [sflag:$0x2], $0x8, s9, s12, $0xb8;
	[tilespmem:$0x11280] =	vst v63  }
0x8e: {  	s9 =	rddreg [dreg:$0x18]  }
0x8f: {  	[spmem:s3] =	stream.indirect.scatter.add.f32 [tilespmem:s16], [sflag:$0x2], $0x8, s7, s12, $0xb8;
	[tilespmem:$0x11280] =	vst v63  }
0x90: {  	s7 =	rddreg [dreg:$0x19]  }
0x91: {  	[spmem:s3] =	stream.indirect.scatter.add.f32 [tilespmem:s17], [sflag:$0x2], $0x8, s9, s12, $0xb8;
	[tilespmem:$0x11280] =	vst v63  }
0x92: {  	s9 =	rddreg [dreg:$0x1a]  }
0x93: {  	[spmem:s3] =	stream.indirect.scatter.add.f32 [tilespmem:s18], [sflag:$0x2], $0x8, s7, s12, $0xb8;
	[tilespmem:$0x11280] =	vst v63  }
0x94: {  	s7 =	rddreg [dreg:$0x1b]  }
0x95: {  	[spmem:s3] =	stream.indirect.scatter.add.f32 [tilespmem:s19], [sflag:$0x2], $0x8, s9, s12, $0xb8;
	[tilespmem:$0x11280] =	vst v63  }
0x96: {  	s9 =	rddreg [dreg:$0x1c]  }
0x97: {  	[spmem:s3] =	stream.indirect.scatter.add.f32 [tilespmem:s20], [sflag:$0x2], $0x8, s7, s12, $0xb8;
	[tilespmem:$0x11280] =	vst v63  }
0x98: {  	s7 =	rddreg [dreg:$0x1d]  }
0x99: {  	[spmem:s3] =	stream.indirect.scatter.add.f32 [tilespmem:s21], [sflag:$0x2], $0x8, s9, s12, $0xb8;
	[tilespmem:$0x11280] =	vst v63  }
0x9a: {  	s9 =	rddreg [dreg:$0x1e]  }
0x9b: {  	[spmem:s3] =	stream.indirect.scatter.add.f32 [tilespmem:s22], [sflag:$0x2], $0x8, s7, s12, $0xb8;
	[tilespmem:$0x11280] =	vst v63  }
0x9c: {  	s7 =	rddreg [dreg:$0x1f]  }
0x9d: {  	[spmem:s3] =	stream.indirect.scatter.add.f32 [tilespmem:s23], [sflag:$0x2], $0x8, s9, s12, $0xb8;
	[tilespmem:$0x11280] =	vst v63  }
0x9e: {  	s9 =	sld [smem:$0x7FB]  }
0x9f: {  	[spmem:s3] =	stream.indirect.scatter.add.f32 [tilespmem:s24], [sflag:$0x2], $0x8, s7, s12, $0xb8;
	[tilespmem:$0x11280] =	vst v63  }
0xa0: {  	_ = 	snop  }
0xa1: {  	[spmem:s3] =	stream.indirect.scatter.add.f32 [tilespmem:s25], [sflag:$0x2], $0x8, s9, s12, $0xb8;
	[tilespmem:$0x11280] =	vst v63  }
0xa2: {  	_ = 	snop  }
0xa3: {  	[spmem:s3] =	stream.indirect.scatter.add.f32 [tilespmem:s26], [sflag:$0x2], $0x8, s31, s12, $0xb8;
	[tilespmem:$0x11280] =	vst v63  }
0xa4: {  	_ = 	snop  }
0xa5: {  	[spmem:s3] =	stream.indirect.scatter.add.f32 [tilespmem:s28], [sflag:$0x2], $0x8, s1, s12, $0xb8;
	[tilespmem:$0x11280] =	vst v63  }
0xa6: {  	_ = 	snop  }
0xa7: {  	[spmem:s3] =	stream.indirect.scatter.add.f32 [tilespmem:s29], [sflag:$0x2], $0x8, s0, s12, $0xb8;
	[tilespmem:$0x11280] =	vst v63  }
0xa8: {  	_ =	swait.ge [sflag:s2], $0x3E8  }
0xa9: {  	[sflag:s2] =	ssyncset.done $0x0  }
0xaa: {  	[sflag:s2] =	ssyncadd.s32 $0xFFFFFC18  }
0xab: {  	_ =	swait.ge [sflag:s2], $0x3E8  }
0xac: {  	[sflag:s2] =	ssyncset.done $0x0  }
0xad: {  	[sflag:s2] =	ssyncadd.s32 $0xFFFFFC18  }
0xae: {  	_ =	swait.ge [sflag:s2], $0x3E8  }
0xaf: {  	[sflag:s2] =	ssyncset.done $0x0  }
0xb0: {  	[sflag:s2] =	ssyncadd.s32 $0xFFFFFC18  }
0xb1: {  	_ =	swait.ge [sflag:s2], $0x3E8  }
0xb2: {  	[sflag:s2] =	ssyncset.done $0x0  }
0xb3: {  	[sflag:s2] =	ssyncadd.s32 $0xFFFFFC18  }
0xb4: {  	_ =	swait.ge [sflag:s2], $0x3E8  }
0xb5: {  	[sflag:s2] =	ssyncset.done $0x0  }
0xb6: {  	[sflag:s2] =	ssyncadd.s32 $0xFFFFFC18  }
0xb7: {  	_ =	swait.ge [sflag:s2], $0x3E8  }
0xb8: {  	[sflag:s2] =	ssyncset.done $0x0  }
0xb9: {  	[sflag:s2] =	ssyncadd.s32 $0xFFFFFC18  }
0xba: {  	_ =	swait.ge [sflag:s2], $0x3E8  }
0xbb: {  	[sflag:s2] =	ssyncset.done $0x0  }
0xbc: {  	[sflag:s2] =	ssyncadd.s32 $0xFFFFFC18  }
0xbd: {  	_ =	swait.ge [sflag:s2], $0x3E8  }
0xbe: {  	[sflag:s2] =	ssyncset.done $0x0  }
0xbf: {  	[sflag:s2] =	ssyncadd.s32 $0xFFFFFC18  }
0xc0: {  	_ =	swait.ge [sflag:s2], $0x3E8  }
0xc1: {  	[sflag:s2] =	ssyncset.done $0x0  }
0xc2: {  	[sflag:s2] =	ssyncadd.s32 $0xFFFFFC18  }
0xc3: {  	_ =	swait.ge [sflag:s2], $0x3E8  }
0xc4: {  	[sflag:s2] =	ssyncset.done $0x0  }
0xc5: {  	[sflag:s2] =	ssyncadd.s32 $0xFFFFFC18  }
0xc6: {  	_ =	swait.ge [sflag:s2], $0x3E8  }
0xc7: {  	[sflag:s2] =	ssyncset.done $0x0  }
0xc8: {  	[sflag:s2] =	ssyncadd.s32 $0xFFFFFC18  }
0xc9: {  	_ =	swait.ge [sflag:s2], $0x3E8  }
0xca: {  	[sflag:s2] =	ssyncset.done $0x0  }
0xcb: {  	[sflag:s2] =	ssyncadd.s32 $0xFFFFFC18  }
0xcc: {  	_ =	swait.ge [sflag:s2], $0x3E8  }
0xcd: {  	[sflag:s2] =	ssyncset.done $0x0  }
0xce: {  	[sflag:s2] =	ssyncadd.s32 $0xFFFFFC18  }
0xcf: {  	_ =	swait.ge [sflag:s2], $0x3E8  }
0xd0: {  	[sflag:s2] =	ssyncset.done $0x0  }
0xd1: {  	[sflag:s2] =	ssyncadd.s32 $0xFFFFFC18  }
0xd2: {  	_ =	swait.ge [sflag:s2], $0x3E8  }
0xd3: {  	[sflag:s2] =	ssyncset.done $0x0  }
0xd4: {  	[sflag:s2] =	ssyncadd.s32 $0xFFFFFC18  }
0xd5: {  	s6 =	simm.s32 $0x200;
	_ =	swait.ge [sflag:s2], $0x3E8  }
0xd6: {  	s8 =	simm.s32 $0x100;
	s9 =	rddreg [dreg:$0x5];
	[sflag:s2] =	ssyncset.done $0x0  }
.LBB2_2:
0xd7: {  	[sflag:s2] =	ssyncadd.s32 $0xFFFFFC18;
	s9 =	sadd.s32 s8, s9  }
0xd8: {  	[tilespmem:s4], [sflag:$0x3] =	stream.linear.gather [hbm4b:s9+s4], $0x800, $0x38;
	[tilespmem:$0x11280] =	vst v63  }
0xd9: {  	_ =	swait.ge [sflag:s10], $0x800  }
0xda: {  	s9 =	rddreg [dreg:$0x4];
	[sflag:s10] =	ssyncset.done $0x0  }
0xdb: {  	[sflag:s10] =	ssyncadd.s32 $0xFFFFF800;
	s9 =	sadd.s32 s8, s9  }
0xdc: {  	[tilespmem:s11], [sflag:$0x3] =	stream.linear.gather [hbm4b:s9+s4], $0x800, $0x38;
	[tilespmem:$0x11280] =	vst v63  }
0xdd: {  	_ =	swait.ge [sflag:s10], $0x800  }
0xde: {  	[sflag:s10] =	ssyncset.done $0x0  }
0xdf: {  	s7 =	smov.u32 s6;
	[sflag:s10] =	ssyncadd.s32 $0xFFFFF800  }
0xe0: {  	[tilespmem:s13], [sflag:$0x1] =	stream.indirect.gather [hbm4b:s5+s12], $0x8, s4, s12, $0xb8;
	[tilespmem:$0x11280] =	vst v63  }
0xe1: {  	s8 =	smov.u32 s7;
	s7 =	rddreg [dreg:$0x6]  }
0xe2: {  	[tilespmem:s14], [sflag:$0x1] =	stream.indirect.gather [hbm4b:s5+s12], $0x8, s7, s12, $0xb8;
	[tilespmem:$0x11280] =	vst v63  }
0xe3: {  	s9 =	rddreg [dreg:$0x7]  }
0xe4: {  	[tilespmem:s15], [sflag:$0x1] =	stream.indirect.gather [hbm4b:s5+s12], $0x8, s9, s12, $0xb8;
	[tilespmem:$0x11280] =	vst v63  }
0xe5: {  	s7 =	rddreg [dreg:$0x8]  }
0xe6: {  	[tilespmem:s16], [sflag:$0x1] =	stream.indirect.gather [hbm4b:s5+s12], $0x8, s7, s12, $0xb8;
	[tilespmem:$0x11280] =	vst v63  }
0xe7: {  	s9 =	rddreg [dreg:$0x9]  }
0xe8: {  	[tilespmem:s17], [sflag:$0x1] =	stream.indirect.gather [hbm4b:s5+s12], $0x8, s9, s12, $0xb8;
	[tilespmem:$0x11280] =	vst v63  }
0xe9: {  	s7 =	rddreg [dreg:$0xa]  }
0xea: {  	[tilespmem:s18], [sflag:$0x1] =	stream.indirect.gather [hbm4b:s5+s12], $0x8, s7, s12, $0xb8;
	[tilespmem:$0x11280] =	vst v63  }
0xeb: {  	s9 =	rddreg [dreg:$0xb]  }
0xec: {  	[tilespmem:s19], [sflag:$0x1] =	stream.indirect.gather [hbm4b:s5+s12], $0x8, s9, s12, $0xb8;
	[tilespmem:$0x11280] =	vst v63  }
0xed: {  	s7 =	rddreg [dreg:$0xc]  }
0xee: {  	[tilespmem:s20], [sflag:$0x1] =	stream.indirect.gather [hbm4b:s5+s12], $0x8, s7, s12, $0xb8;
	[tilespmem:$0x11280] =	vst v63  }
0xef: {  	s9 =	rddreg [dreg:$0xd]  }
0xf0: {  	[tilespmem:s21], [sflag:$0x1] =	stream.indirect.gather [hbm4b:s5+s12], $0x8, s9, s12, $0xb8;
	[tilespmem:$0x11280] =	vst v63  }
0xf1: {  	s7 =	rddreg [dreg:$0xe]  }
0xf2: {  	[tilespmem:s22], [sflag:$0x1] =	stream.indirect.gather [hbm4b:s5+s12], $0x8, s7, s12, $0xb8;
	[tilespmem:$0x11280] =	vst v63  }
0xf3: {  	s9 =	rddreg [dreg:$0xf]  }
0xf4: {  	[tilespmem:s23], [sflag:$0x1] =	stream.indirect.gather [hbm4b:s5+s12], $0x8, s9, s12, $0xb8;
	[tilespmem:$0x11280] =	vst v63  }
0xf5: {  	s7 =	rddreg [dreg:$0x10]  }
0xf6: {  	[tilespmem:s24], [sflag:$0x1] =	stream.indirect.gather [hbm4b:s5+s12], $0x8, s7, s12, $0xb8;
	[tilespmem:$0x11280] =	vst v63  }
0xf7: {  	s9 =	rddreg [dreg:$0x11]  }
0xf8: {  	[tilespmem:s25], [sflag:$0x1] =	stream.indirect.gather [hbm4b:s5+s12], $0x8, s9, s12, $0xb8;
	[tilespmem:$0x11280] =	vst v63  }
0xf9: {  	s7 =	rddreg [dreg:$0x12]  }
0xfa: {  	[tilespmem:s26], [sflag:$0x1] =	stream.indirect.gather [hbm4b:s5+s12], $0x8, s7, s12, $0xb8;
	[tilespmem:$0x11280] =	vst v63  }
0xfb: {  	s9 =	rddreg [dreg:$0x13]  }
0xfc: {  	[tilespmem:s28], [sflag:$0x1] =	stream.indirect.gather [hbm4b:s5+s12], $0x8, s9, s12, $0xb8;
	[tilespmem:$0x11280] =	vst v63  }
0xfd: {  	s7 =	rddreg [dreg:$0x14]  }
0xfe: {  	[tilespmem:s29], [sflag:$0x1] =	stream.indirect.gather [hbm4b:s5+s12], $0x8, s7, s12, $0xb8;
	[tilespmem:$0x11280] =	vst v63  }
0xff: {  	_ =	swait.ge [sflag:s30], $0x3E8  }
0x100: {  	[sflag:s30] =	ssyncset.done $0x0  }
0x101: {  	[sflag:s30] =	ssyncadd.s32 $0xFFFFFC18  }
0x102: {  	_ =	swait.ge [sflag:s30], $0x3E8  }
0x103: {  	[sflag:s30] =	ssyncset.done $0x0  }
0x104: {  	[sflag:s30] =	ssyncadd.s32 $0xFFFFFC18  }
0x105: {  	_ =	swait.ge [sflag:s30], $0x3E8  }
0x106: {  	[sflag:s30] =	ssyncset.done $0x0  }
0x107: {  	[sflag:s30] =	ssyncadd.s32 $0xFFFFFC18  }
0x108: {  	_ =	swait.ge [sflag:s30], $0x3E8  }
0x109: {  	[sflag:s30] =	ssyncset.done $0x0  }
0x10a: {  	[sflag:s30] =	ssyncadd.s32 $0xFFFFFC18  }
0x10b: {  	_ =	swait.ge [sflag:s30], $0x3E8  }
0x10c: {  	[sflag:s30] =	ssyncset.done $0x0  }
0x10d: {  	[sflag:s30] =	ssyncadd.s32 $0xFFFFFC18  }
0x10e: {  	_ =	swait.ge [sflag:s30], $0x3E8  }
0x10f: {  	[sflag:s30] =	ssyncset.done $0x0  }
0x110: {  	[sflag:s30] =	ssyncadd.s32 $0xFFFFFC18  }
0x111: {  	_ =	swait.ge [sflag:s30], $0x3E8  }
0x112: {  	[sflag:s30] =	ssyncset.done $0x0  }
0x113: {  	[sflag:s30] =	ssyncadd.s32 $0xFFFFFC18  }
0x114: {  	_ =	swait.ge [sflag:s30], $0x3E8  }
0x115: {  	[sflag:s30] =	ssyncset.done $0x0  }
0x116: {  	[sflag:s30] =	ssyncadd.s32 $0xFFFFFC18  }
0x117: {  	_ =	swait.ge [sflag:s30], $0x3E8  }
0x118: {  	[sflag:s30] =	ssyncset.done $0x0  }
0x119: {  	[sflag:s30] =	ssyncadd.s32 $0xFFFFFC18  }
0x11a: {  	_ =	swait.ge [sflag:s30], $0x3E8  }
0x11b: {  	[sflag:s30] =	ssyncset.done $0x0  }
0x11c: {  	[sflag:s30] =	ssyncadd.s32 $0xFFFFFC18  }
0x11d: {  	_ =	swait.ge [sflag:s30], $0x3E8  }
0x11e: {  	[sflag:s30] =	ssyncset.done $0x0  }
0x11f: {  	[sflag:s30] =	ssyncadd.s32 $0xFFFFFC18  }
0x120: {  	_ =	swait.ge [sflag:s30], $0x3E8  }
0x121: {  	[sflag:s30] =	ssyncset.done $0x0  }
0x122: {  	[sflag:s30] =	ssyncadd.s32 $0xFFFFFC18  }
0x123: {  	_ =	swait.ge [sflag:s30], $0x3E8  }
0x124: {  	[sflag:s30] =	ssyncset.done $0x0  }
0x125: {  	[sflag:s30] =	ssyncadd.s32 $0xFFFFFC18  }
0x126: {  	_ =	swait.ge [sflag:s30], $0x3E8  }
0x127: {  	[sflag:s30] =	ssyncset.done $0x0  }
0x128: {  	[sflag:s30] =	ssyncadd.s32 $0xFFFFFC18  }
0x129: {  	_ =	swait.ge [sflag:s30], $0x3E8  }
0x12a: {  	[sflag:s30] =	ssyncset.done $0x0  }
0x12b: {  	[sflag:s30] =	ssyncadd.s32 $0xFFFFFC18  }
0x12c: {  	_ =	swait.ge [sflag:s30], $0x3E8  }
0x12d: {  	[sflag:s30] =	ssyncset.done $0x0  }
0x12e: {  	s7 =	rddreg [dreg:$0x15];
	[sflag:s30] =	ssyncadd.s32 $0xFFFFFC18  }
0x12f: {  	[spmem:s3] =	stream.indirect.scatter.add.f32 [tilespmem:s13], [sflag:$0x2], $0x8, s11, s12, $0xb8;
	[tilespmem:$0x11280] =	vst v63  }
0x130: {  	s9 =	rddreg [dreg:$0x16]  }
0x131: {  	[spmem:s3] =	stream.indirect.scatter.add.f32 [tilespmem:s14], [sflag:$0x2], $0x8, s7, s12, $0xb8;
	[tilespmem:$0x11280] =	vst v63  }
0x132: {  	s7 =	rddreg [dreg:$0x17]  }
0x133: {  	[spmem:s3] =	stream.indirect.scatter.add.f32 [tilespmem:s15], [sflag:$0x2], $0x8, s9, s12, $0xb8;
	[tilespmem:$0x11280] =	vst v63  }
0x134: {  	s9 =	rddreg [dreg:$0x18]  }
0x135: {  	[spmem:s3] =	stream.indirect.scatter.add.f32 [tilespmem:s16], [sflag:$0x2], $0x8, s7, s12, $0xb8;
	[tilespmem:$0x11280] =	vst v63  }
0x136: {  	s7 =	rddreg [dreg:$0x19]  }
0x137: {  	[spmem:s3] =	stream.indirect.scatter.add.f32 [tilespmem:s17], [sflag:$0x2], $0x8, s9, s12, $0xb8;
	[tilespmem:$0x11280] =	vst v63  }
0x138: {  	s9 =	rddreg [dreg:$0x1a]  }
0x139: {  	[spmem:s3] =	stream.indirect.scatter.add.f32 [tilespmem:s18], [sflag:$0x2], $0x8, s7, s12, $0xb8;
	[tilespmem:$0x11280] =	vst v63  }
0x13a: {  	s7 =	rddreg [dreg:$0x1b]  }
0x13b: {  	[spmem:s3] =	stream.indirect.scatter.add.f32 [tilespmem:s19], [sflag:$0x2], $0x8, s9, s12, $0xb8;
	[tilespmem:$0x11280] =	vst v63  }
0x13c: {  	s9 =	rddreg [dreg:$0x1c]  }
0x13d: {  	[spmem:s3] =	stream.indirect.scatter.add.f32 [tilespmem:s20], [sflag:$0x2], $0x8, s7, s12, $0xb8;
	[tilespmem:$0x11280] =	vst v63  }
0x13e: {  	s7 =	rddreg [dreg:$0x1d]  }
0x13f: {  	[spmem:s3] =	stream.indirect.scatter.add.f32 [tilespmem:s21], [sflag:$0x2], $0x8, s9, s12, $0xb8;
	[tilespmem:$0x11280] =	vst v63  }
0x140: {  	s9 =	rddreg [dreg:$0x1e]  }
0x141: {  	[spmem:s3] =	stream.indirect.scatter.add.f32 [tilespmem:s22], [sflag:$0x2], $0x8, s7, s12, $0xb8;
	[tilespmem:$0x11280] =	vst v63  }
0x142: {  	s7 =	rddreg [dreg:$0x1f]  }
0x143: {  	[spmem:s3] =	stream.indirect.scatter.add.f32 [tilespmem:s23], [sflag:$0x2], $0x8, s9, s12, $0xb8;
	[tilespmem:$0x11280] =	vst v63  }
0x144: {  	s9 =	sld [smem:$0x7FB]  }
0x145: {  	[spmem:s3] =	stream.indirect.scatter.add.f32 [tilespmem:s24], [sflag:$0x2], $0x8, s7, s12, $0xb8;
	[tilespmem:$0x11280] =	vst v63  }
0x146: {  	_ = 	snop  }
0x147: {  	[spmem:s3] =	stream.indirect.scatter.add.f32 [tilespmem:s25], [sflag:$0x2], $0x8, s9, s12, $0xb8;
	[tilespmem:$0x11280] =	vst v63  }
0x148: {  	_ = 	snop  }
0x149: {  	[spmem:s3] =	stream.indirect.scatter.add.f32 [tilespmem:s26], [sflag:$0x2], $0x8, s31, s12, $0xb8;
	[tilespmem:$0x11280] =	vst v63  }
0x14a: {  	_ = 	snop  }
0x14b: {  	[spmem:s3] =	stream.indirect.scatter.add.f32 [tilespmem:s28], [sflag:$0x2], $0x8, s1, s12, $0xb8;
	[tilespmem:$0x11280] =	vst v63  }
0x14c: {  	_ = 	snop  }
0x14d: {  	[spmem:s3] =	stream.indirect.scatter.add.f32 [tilespmem:s29], [sflag:$0x2], $0x8, s0, s12, $0xb8;
	[tilespmem:$0x11280] =	vst v63  }
0x14e: {  	_ =	swait.ge [sflag:s2], $0x3E8  }
0x14f: {  	[sflag:s2] =	ssyncset.done $0x0  }
0x150: {  	[sflag:s2] =	ssyncadd.s32 $0xFFFFFC18  }
0x151: {  	_ =	swait.ge [sflag:s2], $0x3E8  }
0x152: {  	[sflag:s2] =	ssyncset.done $0x0  }
0x153: {  	[sflag:s2] =	ssyncadd.s32 $0xFFFFFC18  }
0x154: {  	_ =	swait.ge [sflag:s2], $0x3E8  }
0x155: {  	[sflag:s2] =	ssyncset.done $0x0  }
0x156: {  	[sflag:s2] =	ssyncadd.s32 $0xFFFFFC18  }
0x157: {  	_ =	swait.ge [sflag:s2], $0x3E8  }
0x158: {  	[sflag:s2] =	ssyncset.done $0x0  }
0x159: {  	[sflag:s2] =	ssyncadd.s32 $0xFFFFFC18  }
0x15a: {  	_ =	swait.ge [sflag:s2], $0x3E8  }
0x15b: {  	[sflag:s2] =	ssyncset.done $0x0  }
0x15c: {  	[sflag:s2] =	ssyncadd.s32 $0xFFFFFC18  }
0x15d: {  	_ =	swait.ge [sflag:s2], $0x3E8  }
0x15e: {  	[sflag:s2] =	ssyncset.done $0x0  }
0x15f: {  	[sflag:s2] =	ssyncadd.s32 $0xFFFFFC18  }
0x160: {  	_ =	swait.ge [sflag:s2], $0x3E8  }
0x161: {  	[sflag:s2] =	ssyncset.done $0x0  }
0x162: {  	[sflag:s2] =	ssyncadd.s32 $0xFFFFFC18  }
0x163: {  	_ =	swait.ge [sflag:s2], $0x3E8  }
0x164: {  	[sflag:s2] =	ssyncset.done $0x0  }
0x165: {  	[sflag:s2] =	ssyncadd.s32 $0xFFFFFC18  }
0x166: {  	_ =	swait.ge [sflag:s2], $0x3E8  }
0x167: {  	[sflag:s2] =	ssyncset.done $0x0  }
0x168: {  	[sflag:s2] =	ssyncadd.s32 $0xFFFFFC18  }
0x169: {  	_ =	swait.ge [sflag:s2], $0x3E8  }
0x16a: {  	[sflag:s2] =	ssyncset.done $0x0  }
0x16b: {  	[sflag:s2] =	ssyncadd.s32 $0xFFFFFC18  }
0x16c: {  	_ =	swait.ge [sflag:s2], $0x3E8  }
0x16d: {  	[sflag:s2] =	ssyncset.done $0x0  }
0x16e: {  	[sflag:s2] =	ssyncadd.s32 $0xFFFFFC18  }
0x16f: {  	_ =	swait.ge [sflag:s2], $0x3E8  }
0x170: {  	[sflag:s2] =	ssyncset.done $0x0  }
0x171: {  	[sflag:s2] =	ssyncadd.s32 $0xFFFFFC18  }
0x172: {  	_ =	swait.ge [sflag:s2], $0x3E8  }
0x173: {  	[sflag:s2] =	ssyncset.done $0x0  }
0x174: {  	[sflag:s2] =	ssyncadd.s32 $0xFFFFFC18  }
0x175: {  	_ =	swait.ge [sflag:s2], $0x3E8  }
0x176: {  	[sflag:s2] =	ssyncset.done $0x0  }
0x177: {  	p0 =	sne.s32 s6, $0x1800;
	[sflag:s2] =	ssyncadd.s32 $0xFFFFFC18  }
.Ltmp0:
0x178: {  	_ =	swait.ge [sflag:s2], $0x3E8;
	(pc) =	sbr.rel @p0 .LBB2_2-.Ltmp0, $4  }
0x179: {  	[sflag:s2] =	ssyncset.done $0x0  }
0x17a: {  	[sflag:s2] =	ssyncadd.s32 $0xFFFFFC18  }
0x17b: {  	_ =	swait.ge [sflag:s2], $0x3E8  }
0x17c: {  	s6 =	sadd.s32 $0x100, s6;
	s9 =	rddreg [dreg:$0x5];
	[sflag:s2] =	ssyncset.done $0x0  }
0x17d: {  	[sflag:s2] =	ssyncadd.s32 $0xFFFFFC18;
	s6 =	sadd.s32 s8, s9  }
0x17e: {  	[tilespmem:s4], [sflag:$0x3] =	stream.linear.gather [hbm4b:s6+s4], $0x800, $0x38;
	[tilespmem:$0x11280] =	vst v63  }
0x17f: {  	_ =	swait.ge [sflag:s10], $0x800  }
0x180: {  	s7 =	rddreg [dreg:$0x4];
	[sflag:s10] =	ssyncset.done $0x0  }
0x181: {  	[sflag:s10] =	ssyncadd.s32 $0xFFFFF800;
	s6 =	sadd.s32 s8, s7  }
0x182: {  	[tilespmem:s11], [sflag:$0x3] =	stream.linear.gather [hbm4b:s6+s4], $0x800, $0x38;
	[tilespmem:$0x11280] =	vst v63  }
0x183: {  	_ =	swait.ge [sflag:s10], $0x800  }
0x184: {  	[sflag:s10] =	ssyncset.done $0x0  }
0x185: {  	[sflag:s10] =	ssyncadd.s32 $0xFFFFF800  }
0x186: {  	[tilespmem:s13], [sflag:$0x1] =	stream.indirect.gather [hbm4b:s5+s12], $0x8, s4, s12, $0xb8;
	[tilespmem:$0x11280] =	vst v63  }
0x187: {  	s8 =	rddreg [dreg:$0x6]  }
0x188: {  	[tilespmem:s14], [sflag:$0x1] =	stream.indirect.gather [hbm4b:s5+s12], $0x8, s8, s12, $0xb8;
	[tilespmem:$0x11280] =	vst v63  }
0x189: {  	s7 =	rddreg [dreg:$0x7]  }
0x18a: {  	[tilespmem:s15], [sflag:$0x1] =	stream.indirect.gather [hbm4b:s5+s12], $0x8, s7, s12, $0xb8;
	[tilespmem:$0x11280] =	vst v63  }
0x18b: {  	s9 =	rddreg [dreg:$0x8]  }
0x18c: {  	[tilespmem:s16], [sflag:$0x1] =	stream.indirect.gather [hbm4b:s5+s12], $0x8, s9, s12, $0xb8;
	[tilespmem:$0x11280] =	vst v63  }
0x18d: {  	s8 =	rddreg [dreg:$0x9]  }
0x18e: {  	[tilespmem:s17], [sflag:$0x1] =	stream.indirect.gather [hbm4b:s5+s12], $0x8, s8, s12, $0xb8;
	[tilespmem:$0x11280] =	vst v63  }
0x18f: {  	s9 =	rddreg [dreg:$0xa]  }
0x190: {  	[tilespmem:s18], [sflag:$0x1] =	stream.indirect.gather [hbm4b:s5+s12], $0x8, s9, s12, $0xb8;
	[tilespmem:$0x11280] =	vst v63  }
0x191: {  	s8 =	rddreg [dreg:$0xb]  }
0x192: {  	[tilespmem:s19], [sflag:$0x1] =	stream.indirect.gather [hbm4b:s5+s12], $0x8, s8, s12, $0xb8;
	[tilespmem:$0x11280] =	vst v63  }
0x193: {  	s9 =	rddreg [dreg:$0xc]  }
0x194: {  	[tilespmem:s20], [sflag:$0x1] =	stream.indirect.gather [hbm4b:s5+s12], $0x8, s9, s12, $0xb8;
	[tilespmem:$0x11280] =	vst v63  }
0x195: {  	s8 =	rddreg [dreg:$0xd]  }
0x196: {  	[tilespmem:s21], [sflag:$0x1] =	stream.indirect.gather [hbm4b:s5+s12], $0x8, s8, s12, $0xb8;
	[tilespmem:$0x11280] =	vst v63  }
0x197: {  	s9 =	rddreg [dreg:$0xe]  }
0x198: {  	[tilespmem:s22], [sflag:$0x1] =	stream.indirect.gather [hbm4b:s5+s12], $0x8, s9, s12, $0xb8;
	[tilespmem:$0x11280] =	vst v63  }
0x199: {  	s8 =	rddreg [dreg:$0xf]  }
0x19a: {  	[tilespmem:s23], [sflag:$0x1] =	stream.indirect.gather [hbm4b:s5+s12], $0x8, s8, s12, $0xb8;
	[tilespmem:$0x11280] =	vst v63  }
0x19b: {  	s9 =	rddreg [dreg:$0x10]  }
0x19c: {  	[tilespmem:s24], [sflag:$0x1] =	stream.indirect.gather [hbm4b:s5+s12], $0x8, s9, s12, $0xb8;
	[tilespmem:$0x11280] =	vst v63  }
0x19d: {  	s8 =	rddreg [dreg:$0x11]  }
0x19e: {  	[tilespmem:s25], [sflag:$0x1] =	stream.indirect.gather [hbm4b:s5+s12], $0x8, s8, s12, $0xb8;
	[tilespmem:$0x11280] =	vst v63  }
0x19f: {  	s9 =	rddreg [dreg:$0x12]  }
0x1a0: {  	[tilespmem:s26], [sflag:$0x1] =	stream.indirect.gather [hbm4b:s5+s12], $0x8, s9, s12, $0xb8;
	[tilespmem:$0x11280] =	vst v63  }
0x1a1: {  	s8 =	rddreg [dreg:$0x13]  }
0x1a2: {  	[tilespmem:s28], [sflag:$0x1] =	stream.indirect.gather [hbm4b:s5+s12], $0x8, s8, s12, $0xb8;
	[tilespmem:$0x11280] =	vst v63  }
0x1a3: {  	s9 =	rddreg [dreg:$0x14]  }
0x1a4: {  	[tilespmem:s29], [sflag:$0x1] =	stream.indirect.gather [hbm4b:s5+s12], $0x8, s9, s12, $0xb8;
	[tilespmem:$0x11280] =	vst v63  }
0x1a5: {  	_ =	swait.ge [sflag:s30], $0x3E8  }
0x1a6: {  	[sflag:s30] =	ssyncset.done $0x0  }
0x1a7: {  	[sflag:s30] =	ssyncadd.s32 $0xFFFFFC18  }
0x1a8: {  	_ =	swait.ge [sflag:s30], $0x3E8  }
0x1a9: {  	[sflag:s30] =	ssyncset.done $0x0  }
0x1aa: {  	[sflag:s30] =	ssyncadd.s32 $0xFFFFFC18  }
0x1ab: {  	_ =	swait.ge [sflag:s30], $0x3E8  }
0x1ac: {  	[sflag:s30] =	ssyncset.done $0x0  }
0x1ad: {  	[sflag:s30] =	ssyncadd.s32 $0xFFFFFC18  }
0x1ae: {  	_ =	swait.ge [sflag:s30], $0x3E8  }
0x1af: {  	[sflag:s30] =	ssyncset.done $0x0  }
0x1b0: {  	[sflag:s30] =	ssyncadd.s32 $0xFFFFFC18  }
0x1b1: {  	_ =	swait.ge [sflag:s30], $0x3E8  }
0x1b2: {  	[sflag:s30] =	ssyncset.done $0x0  }
0x1b3: {  	[sflag:s30] =	ssyncadd.s32 $0xFFFFFC18  }
0x1b4: {  	_ =	swait.ge [sflag:s30], $0x3E8  }
0x1b5: {  	[sflag:s30] =	ssyncset.done $0x0  }
0x1b6: {  	[sflag:s30] =	ssyncadd.s32 $0xFFFFFC18  }
0x1b7: {  	_ =	swait.ge [sflag:s30], $0x3E8  }
0x1b8: {  	[sflag:s30] =	ssyncset.done $0x0  }
0x1b9: {  	[sflag:s30] =	ssyncadd.s32 $0xFFFFFC18  }
0x1ba: {  	_ =	swait.ge [sflag:s30], $0x3E8  }
0x1bb: {  	[sflag:s30] =	ssyncset.done $0x0  }
0x1bc: {  	[sflag:s30] =	ssyncadd.s32 $0xFFFFFC18  }
0x1bd: {  	_ =	swait.ge [sflag:s30], $0x3E8  }
0x1be: {  	[sflag:s30] =	ssyncset.done $0x0  }
0x1bf: {  	[sflag:s30] =	ssyncadd.s32 $0xFFFFFC18  }
0x1c0: {  	_ =	swait.ge [sflag:s30], $0x3E8  }
0x1c1: {  	[sflag:s30] =	ssyncset.done $0x0  }
0x1c2: {  	[sflag:s30] =	ssyncadd.s32 $0xFFFFFC18  }
0x1c3: {  	_ =	swait.ge [sflag:s30], $0x3E8  }
0x1c4: {  	[sflag:s30] =	ssyncset.done $0x0  }
0x1c5: {  	[sflag:s30] =	ssyncadd.s32 $0xFFFFFC18  }
0x1c6: {  	_ =	swait.ge [sflag:s30], $0x3E8  }
0x1c7: {  	[sflag:s30] =	ssyncset.done $0x0  }
0x1c8: {  	[sflag:s30] =	ssyncadd.s32 $0xFFFFFC18  }
0x1c9: {  	_ =	swait.ge [sflag:s30], $0x3E8  }
0x1ca: {  	[sflag:s30] =	ssyncset.done $0x0  }
0x1cb: {  	[sflag:s30] =	ssyncadd.s32 $0xFFFFFC18  }
0x1cc: {  	_ =	swait.ge [sflag:s30], $0x3E8  }
0x1cd: {  	[sflag:s30] =	ssyncset.done $0x0  }
0x1ce: {  	[sflag:s30] =	ssyncadd.s32 $0xFFFFFC18  }
0x1cf: {  	_ =	swait.ge [sflag:s30], $0x3E8  }
0x1d0: {  	[sflag:s30] =	ssyncset.done $0x0  }
0x1d1: {  	[sflag:s30] =	ssyncadd.s32 $0xFFFFFC18  }
0x1d2: {  	_ =	swait.ge [sflag:s30], $0x3E8  }
0x1d3: {  	[sflag:s30] =	ssyncset.done $0x0  }
0x1d4: {  	s7 =	rddreg [dreg:$0x15];
	[sflag:s30] =	ssyncadd.s32 $0xFFFFFC18  }
0x1d5: {  	[spmem:s3] =	stream.indirect.scatter.add.f32 [tilespmem:s13], [sflag:$0x2], $0x8, s11, s12, $0xb8;
	[tilespmem:$0x11280] =	vst v63  }
0x1d6: {  	s8 =	rddreg [dreg:$0x16]  }
0x1d7: {  	[spmem:s3] =	stream.indirect.scatter.add.f32 [tilespmem:s14], [sflag:$0x2], $0x8, s7, s12, $0xb8;
	[tilespmem:$0x11280] =	vst v63  }
0x1d8: {  	s9 =	rddreg [dreg:$0x17]  }
0x1d9: {  	[spmem:s3] =	stream.indirect.scatter.add.f32 [tilespmem:s15], [sflag:$0x2], $0x8, s8, s12, $0xb8;
	[tilespmem:$0x11280] =	vst v63  }
0x1da: {  	s8 =	rddreg [dreg:$0x18]  }
0x1db: {  	[spmem:s3] =	stream.indirect.scatter.add.f32 [tilespmem:s16], [sflag:$0x2], $0x8, s9, s12, $0xb8;
	[tilespmem:$0x11280] =	vst v63  }
0x1dc: {  	s9 =	rddreg [dreg:$0x19]  }
0x1dd: {  	[spmem:s3] =	stream.indirect.scatter.add.f32 [tilespmem:s17], [sflag:$0x2], $0x8, s8, s12, $0xb8;
	[tilespmem:$0x11280] =	vst v63  }
0x1de: {  	s8 =	rddreg [dreg:$0x1a]  }
0x1df: {  	[spmem:s3] =	stream.indirect.scatter.add.f32 [tilespmem:s18], [sflag:$0x2], $0x8, s9, s12, $0xb8;
	[tilespmem:$0x11280] =	vst v63  }
0x1e0: {  	s9 =	rddreg [dreg:$0x1b]  }
0x1e1: {  	[spmem:s3] =	stream.indirect.scatter.add.f32 [tilespmem:s19], [sflag:$0x2], $0x8, s8, s12, $0xb8;
	[tilespmem:$0x11280] =	vst v63  }
0x1e2: {  	s8 =	rddreg [dreg:$0x1c]  }
0x1e3: {  	[spmem:s3] =	stream.indirect.scatter.add.f32 [tilespmem:s20], [sflag:$0x2], $0x8, s9, s12, $0xb8;
	[tilespmem:$0x11280] =	vst v63  }
0x1e4: {  	s9 =	rddreg [dreg:$0x1d]  }
0x1e5: {  	[spmem:s3] =	stream.indirect.scatter.add.f32 [tilespmem:s21], [sflag:$0x2], $0x8, s8, s12, $0xb8;
	[tilespmem:$0x11280] =	vst v63  }
0x1e6: {  	s8 =	rddreg [dreg:$0x1e]  }
0x1e7: {  	[spmem:s3] =	stream.indirect.scatter.add.f32 [tilespmem:s22], [sflag:$0x2], $0x8, s9, s12, $0xb8;
	[tilespmem:$0x11280] =	vst v63  }
0x1e8: {  	s9 =	rddreg [dreg:$0x1f]  }
0x1e9: {  	[spmem:s3] =	stream.indirect.scatter.add.f32 [tilespmem:s23], [sflag:$0x2], $0x8, s8, s12, $0xb8;
	[tilespmem:$0x11280] =	vst v63  }
0x1ea: {  	s8 =	sld [smem:$0x7FB]  }
0x1eb: {  	[spmem:s3] =	stream.indirect.scatter.add.f32 [tilespmem:s24], [sflag:$0x2], $0x8, s9, s12, $0xb8;
	[tilespmem:$0x11280] =	vst v63  }
0x1ec: {  	_ = 	snop  }
0x1ed: {  	[spmem:s3] =	stream.indirect.scatter.add.f32 [tilespmem:s25], [sflag:$0x2], $0x8, s8, s12, $0xb8;
	[tilespmem:$0x11280] =	vst v63  }
0x1ee: {  	_ = 	snop  }
0x1ef: {  	[spmem:s3] =	stream.indirect.scatter.add.f32 [tilespmem:s26], [sflag:$0x2], $0x8, s31, s12, $0xb8;
	[tilespmem:$0x11280] =	vst v63  }
0x1f0: {  	_ = 	snop  }
0x1f1: {  	[spmem:s3] =	stream.indirect.scatter.add.f32 [tilespmem:s28], [sflag:$0x2], $0x8, s1, s12, $0xb8;
	[tilespmem:$0x11280] =	vst v63  }
0x1f2: {  	_ = 	snop  }
0x1f3: {  	[spmem:s3] =	stream.indirect.scatter.add.f32 [tilespmem:s29], [sflag:$0x2], $0x8, s0, s12, $0xb8;
	[tilespmem:$0x11280] =	vst v63  }
0x1f4: {  	_ =	swait.ge [sflag:s2], $0x3E8  }
0x1f5: {  	[sflag:s2] =	ssyncset.done $0x0  }
0x1f6: {  	[sflag:s2] =	ssyncadd.s32 $0xFFFFFC18  }
0x1f7: {  	_ =	swait.ge [sflag:s2], $0x3E8  }
0x1f8: {  	[sflag:s2] =	ssyncset.done $0x0  }
0x1f9: {  	[sflag:s2] =	ssyncadd.s32 $0xFFFFFC18  }
0x1fa: {  	_ =	swait.ge [sflag:s2], $0x3E8  }
0x1fb: {  	[sflag:s2] =	ssyncset.done $0x0  }
0x1fc: {  	[sflag:s2] =	ssyncadd.s32 $0xFFFFFC18  }
0x1fd: {  	_ =	swait.ge [sflag:s2], $0x3E8  }
0x1fe: {  	[sflag:s2] =	ssyncset.done $0x0  }
0x1ff: {  	[sflag:s2] =	ssyncadd.s32 $0xFFFFFC18  }
0x200: {  	_ =	swait.ge [sflag:s2], $0x3E8  }
0x201: {  	[sflag:s2] =	ssyncset.done $0x0  }
0x202: {  	[sflag:s2] =	ssyncadd.s32 $0xFFFFFC18  }
0x203: {  	_ =	swait.ge [sflag:s2], $0x3E8  }
0x204: {  	[sflag:s2] =	ssyncset.done $0x0  }
0x205: {  	[sflag:s2] =	ssyncadd.s32 $0xFFFFFC18  }
0x206: {  	_ =	swait.ge [sflag:s2], $0x3E8  }
0x207: {  	[sflag:s2] =	ssyncset.done $0x0  }
0x208: {  	[sflag:s2] =	ssyncadd.s32 $0xFFFFFC18  }
0x209: {  	_ =	swait.ge [sflag:s2], $0x3E8  }
0x20a: {  	[sflag:s2] =	ssyncset.done $0x0  }
0x20b: {  	[sflag:s2] =	ssyncadd.s32 $0xFFFFFC18  }
0x20c: {  	_ =	swait.ge [sflag:s2], $0x3E8  }
0x20d: {  	[sflag:s2] =	ssyncset.done $0x0  }
0x20e: {  	[sflag:s2] =	ssyncadd.s32 $0xFFFFFC18  }
0x20f: {  	_ =	swait.ge [sflag:s2], $0x3E8  }
0x210: {  	[sflag:s2] =	ssyncset.done $0x0  }
0x211: {  	[sflag:s2] =	ssyncadd.s32 $0xFFFFFC18  }
0x212: {  	_ =	swait.ge [sflag:s2], $0x3E8  }
0x213: {  	[sflag:s2] =	ssyncset.done $0x0  }
0x214: {  	[sflag:s2] =	ssyncadd.s32 $0xFFFFFC18  }
0x215: {  	_ =	swait.ge [sflag:s2], $0x3E8  }
0x216: {  	[sflag:s2] =	ssyncset.done $0x0  }
0x217: {  	[sflag:s2] =	ssyncadd.s32 $0xFFFFFC18  }
0x218: {  	_ =	swait.ge [sflag:s2], $0x3E8  }
0x219: {  	[sflag:s2] =	ssyncset.done $0x0  }
0x21a: {  	[sflag:s2] =	ssyncadd.s32 $0xFFFFFC18  }
0x21b: {  	_ =	swait.ge [sflag:s2], $0x3E8  }
0x21c: {  	[sflag:s2] =	ssyncset.done $0x0  }
0x21d: {  	[sflag:s2] =	ssyncadd.s32 $0xFFFFFC18  }
0x21e: {  	_ =	swait.ge [sflag:s2], $0x3E8  }
0x21f: {  	[sflag:s2] =	ssyncset.done $0x0  }
0x220: {  	[sflag:s2] =	ssyncadd.s32 $0xFFFFFC18  }
0x221: {  	_ =	swait.ge [sflag:s2], $0x3E8  }
0x222: {  	[sflag:s2] =	ssyncset.done $0x0  }
0x223: {  	[sflag:s2] =	ssyncadd.s32 $0xFFFFFC18  }
0x224: {  	[bflag:$0x0] =	sbarrier.arrive $0xFFFF  }
0x225: {  	s7 =	sld [smem:$0x7FC]  }
0x226: {  	s9 =	sld [smem:$0x7F9]  }
0x227: {  	s8 =	sld [smem:$0x7FD];
	_ =	sdelay $0x2  }
0x228: {  	[hbm:s9], [sflag:s7] =	dma.local [spmem:s8], $0x1880  }
0x229: {  	_ =	swait.ge [sflag:s10], $0x1880  }
0x22a: {  	s6 =	sld [smem:$0x7F8];
	_ =	sdelay $0x2  }
0x22b: {  	s9 =	sadd.s32 $0x1, s6;
	s6 =	sld [smem:$0x7FA];
	_ =	sdelay $0x2  }
0x22c: {  	p0 =	sne.s32 s9, s6  }
.Ltmp1:
0x22d: {  	_ = 	snop;
	(pc) =	sbr.rel @p0 .LBB2_1-.Ltmp1, $3  }
0x22e: {  	_ =	sdelay $0x1  }
0x22f: {  	[sflag:s10] =	ssyncset.done $0x0  }
0x230: {  	[sflag:s10] =	ssyncadd.s32 $0xFFFFE780  }
0x231: {  	_ =	sfence.sel $0x180000  }
0x232: {  	[bflag:$0x0] =	sbarrier.arrive $0xFFFF  }
0x233: {  	_ =	strace $0x9000004A  }
0x234: {  	s0 =	stileid.u32;
	[bflag:$0x2] =	sbarrier.arrive $0xFFFF  }
0x235: {  	p0 =	sne.s32 s0, $0x0;
	s0 =	rddreg [dreg:$0x3]  }
0x236: {  	s0 =	sadd.s32 @!p0 $0x100000, s0  }
0x237: {  	[sflag:s0] =	ssyncadd.tile.s32 @!p0 $0x1;
	_ =	shalt  }
.Lfunc_end2:
_tile_overlayer_lowered:
.L_overlay_start_2:
0x238: {  	(tag) =	ssettag $0x2  }
0x239: {  	s0 =	rddreg [dreg:$0x0];
	s2 =	stileid.u32  }
0x23a: {  	s1 =	rddreg [dreg:$0x1];
	p0 =	sne.s32 s2, $0x0  }
0x23b: {  	s3 =	rddreg [dreg:$0x2];
	[bflag:$0x3] =	sbarrier.arrive $0xFFFF;
	s2 =	simm.s32 @!p0 $0x1C03  }
0x23c: {  	[timem:s3], [sflag:s2] =	dma.local @!p0 [hbm:s0], s1  }
0x23d: {  	s0 =	simm.s32 @!p0 $0x3  }
0x23e: {  	_ =	swait.ge @!p0 [sflag:s0], s1  }
0x23f: {  	s1 =	ssub.s32 @!p0 $0x0, s1;
	[sflag:s0] =	ssyncset.done @!p0 $0x0  }
0x240: {  	[sflag:s0] =	ssyncadd.s32 @!p0 s1  }
0x241: {  	[bflag:$0x3] =	sbarrier.arrive $0xFFFF  }
0x242: {  	_ =	shalt  }

</sc_bundles>
